<compile_context>
chip_gen: v7x
topology: tpu7x:2x2x1
jax: 0.10.2.dev20260603
libtpu: 0.0.44.dev20260713+nightly
codegen_flags: <defaults>
</compile_context>

<pallas_src>
import functools

import jax
import jax.numpy as jnp
from jax import lax
from jax.experimental import pallas as pl
from jax.experimental.pallas import tpu as pltpu
from jax.experimental.pallas import tpu_sc as plsc

N = 10000
M = 4
D = 128
E = 320000
ET = M * E

NT = 32
CHUNK = ET // NT
BROWS = 64
NB = 157
NBP = 160
RWORDS = BROWS * N
SLICE = RWORDS // 16
BINPAD = 1024
WA = 2000
WB = 496
WBUF = 512

_mesh = plsc.VectorSubcoreMesh(core_axis_name="c", subcore_axis_name="s")
_CP = pltpu.CompilerParams(needs_layout_passes=False)

BNM = 2000
BN2 = 1000


def _iota16():
    return lax.broadcasted_iota(jnp.int32, (16,), 0)


def _proj_kernel(z_ref, w1_ref, b1_ref, w2_ref, wsum_ref, beta_ref, *, ng):
    i = pl.program_id(0)
    h = jnp.dot(z_ref[...], w1_ref[...], preferred_element_type=jnp.float32)
    h = h + b1_ref[...]
    w = jnp.dot(h, w2_ref[...], preferred_element_type=jnp.float32)
    w = jnp.where(w >= 0, w, 0.01 * w)
    rid = lax.broadcasted_iota(jnp.int32, (BNM, M), 0)
    cid = lax.broadcasted_iota(jnp.int32, (BNM, M), 1)
    onehot = (rid % M == cid).astype(jnp.float32)
    part = jnp.sum(w * onehot, axis=0, keepdims=True)

    @pl.when(i == 0)
    def _():
        wsum_ref[...] = part

    @pl.when(i > 0)
    def _():
        wsum_ref[...] = wsum_ref[...] + part

    @pl.when(i == ng - 1)
    def _():
        acc = wsum_ref[...] / float(N)
        mx = jnp.max(acc)
        e = jnp.exp(acc - mx)
        beta_ref[...] = e / jnp.sum(e)


def _compute_beta(z, W1, b1, W2):
    zf = z.reshape(N * M, D)
    ng = (N * M) // BNM
    _, beta = pl.pallas_call(
        functools.partial(_proj_kernel, ng=ng),
        grid=(ng,),
        in_specs=[
            pl.BlockSpec((BNM, D), lambda i: (i, 0)),
            pl.BlockSpec((D, D), lambda i: (0, 0)),
            pl.BlockSpec((1, D), lambda i: (0, 0)),
            pl.BlockSpec((D, 1), lambda i: (0, 0)),
        ],
        out_specs=[
            pl.BlockSpec((1, M), lambda i: (0, 0)),
            pl.BlockSpec((1, M), lambda i: (0, 0)),
        ],
        out_shape=[
            jax.ShapeDtypeStruct((1, M), jnp.float32),
            jax.ShapeDtypeStruct((1, M), jnp.float32),
        ],
    )(zf, W1, b1.reshape(1, D), W2)
    return beta


def _zout_kernel(z_ref, beta_ref, out_ref):
    acc = beta_ref[0, 0] * z_ref[:, 0, :]
    for m in range(1, M):
        acc = acc + beta_ref[0, m] * z_ref[:, m, :]
    out_ref[...] = acc


def _compute_zout(z, beta):
    ng = N // BN2
    return pl.pallas_call(
        _zout_kernel,
        grid=(ng,),
        in_specs=[
            pl.BlockSpec((BN2, M, D), lambda i: (i, 0, 0)),
            pl.BlockSpec((1, M), lambda i: (0, 0)),
        ],
        out_specs=pl.BlockSpec((BN2, D), lambda i: (i, 0)),
        out_shape=jax.ShapeDtypeStruct((N, D), jnp.float32),
    )(z, beta)


@functools.partial(
    pl.kernel,
    mesh=_mesh,
    compiler_params=_CP,
    out_type=[
        jax.ShapeDtypeStruct((ET + BINPAD,), jnp.int32),
        jax.ShapeDtypeStruct((ET + BINPAD,), jnp.float32),
        jax.ShapeDtypeStruct((NT, NBP + 16), jnp.int32),
    ],
    scratch_types=[
        pltpu.VMEM((NBP,), jnp.int32),
        pltpu.VMEM((NBP + 16,), jnp.int32),
        pltpu.VMEM((16,), jnp.float32),
        pltpu.VMEM((WA,), jnp.int32),
        pltpu.VMEM((WA,), jnp.int32),
        pltpu.VMEM((WA,), jnp.float32),
        pltpu.VMEM((CHUNK,), jnp.int32),
        pltpu.VMEM((CHUNK,), jnp.float32),
    ],
)
def _bin_kernel(esrc_hbm, edst_hbm, alpha_hbm, beta_hbm,
                blidx_hbm, bval_hbm, seg_hbm,
                ofs_v, seg_v, beta_v,
                src_v, dst_v, a_v, lidx_bin, val_bin):
    wid = lax.axis_index("s") * 2 + lax.axis_index("c")
    m = lax.shift_right_logical(wid, 3)
    off = wid * CHUNK
    pltpu.sync_copy(beta_hbm, beta_v)
    zero16 = jnp.zeros((16,), jnp.int32)
    for j in range(NBP // 16):
        ofs_v[pl.ds(j * 16, 16)] = zero16

    def cwin(w, _):
        wo = pl.multiple_of(off + w * WA, 8)
        pltpu.sync_copy(esrc_hbm.at[pl.ds(wo, WA)], src_v)

        def vreg(j, _):
            jo = pl.multiple_of(j * 16, 16)
            s = src_v[pl.ds(jo, 16)]
            b = lax.shift_right_logical(s, 6)
            cnt, last = plsc.scan_count(b)
            plsc.addupdate_scatter(ofs_v, [b], cnt.astype(jnp.int32),
                                   mask=last)
            return 0

        return lax.fori_loop(0, WA // 16, vreg, 0)

    lax.fori_loop(0, CHUNK // WA, cwin, 0)

    carry = jnp.int32(0)
    for j in range(NBP // 16):
        tot = ofs_v[pl.ds(j * 16, 16)]
        inc = plsc.cumsum(tot)
        excl = inc - tot + carry
        ofs_v[pl.ds(j * 16, 16)] = excl
        seg_v[pl.ds(j * 16, 16)] = excl + off
        carry = carry + jnp.sum(tot)
    seg_v[pl.ds(NBP, 16)] = jnp.full((16,), jnp.int32(CHUNK)) + off
    pltpu.sync_copy(seg_v, seg_hbm.at[wid])

    bm = plsc.load_gather(beta_v, [jnp.full((16,), m, jnp.int32)])

    def swin(w, _):
        wo = pl.multiple_of(off + w * WA, 8)
        pltpu.sync_copy(esrc_hbm.at[pl.ds(wo, WA)], src_v)
        pltpu.sync_copy(edst_hbm.at[pl.ds(wo, WA)], dst_v)
        pltpu.sync_copy(alpha_hbm.at[pl.ds(wo, WA)], a_v)

        def vreg(j, _):
            jo = pl.multiple_of(j * 16, 16)
            s = src_v[pl.ds(jo, 16)]
            dv = dst_v[pl.ds(jo, 16)]
            av = a_v[pl.ds(jo, 16)]
            b = lax.shift_right_logical(s, 6)
            cnt, last = plsc.scan_count(b)
            cnt = cnt.astype(jnp.int32)
            ofs = plsc.load_gather(ofs_v, [b])
            pos = ofs + cnt - 1
            plsc.addupdate_scatter(ofs_v, [b], cnt, mask=last)
            lidx = (s & 63) * N + dv
            val = av * bm
            plsc.store_scatter(lidx_bin, [pos], lidx)
            plsc.store_scatter(val_bin, [pos], val)
            return 0

        return lax.fori_loop(0, WA // 16, vreg, 0)

    lax.fori_loop(0, CHUNK // WA, swin, 0)
    moff = pl.multiple_of(off, 8)
    pltpu.sync_copy(lidx_bin, blidx_hbm.at[pl.ds(moff, CHUNK)])
    pltpu.sync_copy(val_bin, bval_hbm.at[pl.ds(moff, CHUNK)])


@functools.partial(
    pl.kernel,
    mesh=_mesh,
    compiler_params=_CP,
    out_type=jax.ShapeDtypeStruct((N * N,), jnp.float32),
    scratch_types=[
        pltpu.VMEM_SHARED((RWORDS + 16,), jnp.float32),
        pltpu.VMEM((SLICE,), jnp.float32),
        pltpu.VMEM((NT, NBP + 16), jnp.int32),
        pltpu.VMEM((WBUF,), jnp.int32),
        pltpu.VMEM((WBUF,), jnp.float32),
        pltpu.VMEM((WBUF,), jnp.int32),
        pltpu.VMEM((SLICE,), jnp.float32),
    ],
)
def _accum_kernel(blidx_hbm, bval_hbm, seg_hbm, atten_hbm,
                  region, zeros_v, seg_v, lbuf, vbuf, idx_s, stage_v):
    cid = lax.axis_index("c")
    sid = lax.axis_index("s")
    pltpu.sync_copy(seg_hbm, seg_v)

    zero16 = jnp.zeros((16,), jnp.float32)

    def zinit(j, _):
        zeros_v[pl.ds(pl.multiple_of(j * 16, 16), 16)] = zero16
        return 0

    lax.fori_loop(0, SLICE // 16, zinit, 0)
    trash = jnp.int32(RWORDS) + sid
    iota = _iota16()

    def bucket(i, _):
        b = 2 * i + cid
        myofs = pl.multiple_of(sid * SLICE, 8)
        pltpu.sync_copy(zeros_v, region.at[pl.ds(myofs, SLICE)])
        plsc.subcore_barrier()

        for q in range(2):
            t = 2 * sid + q
            tv = jnp.full((16,), t, jnp.int32)
            start = jnp.max(plsc.load_gather(seg_v, [tv, jnp.full((16,), b, jnp.int32)]))
            end = jnp.max(plsc.load_gather(seg_v, [tv, jnp.full((16,), b + 1, jnp.int32)]))

            def w_cond(w):
                return start + w * WB < end

            def w_body(w):
                s = start + w * WB
                s0 = pl.multiple_of(s & jnp.int32(-8), 8)
                pltpu.sync_copy(blidx_hbm.at[pl.ds(s0, WBUF)], lbuf)
                pltpu.sync_copy(bval_hbm.at[pl.ds(s0, WBUF)], vbuf)
                hi = jnp.minimum(s + WB, end)
                for c in range(WBUF // 16):
                    o = c * 16
                    li = lbuf[pl.ds(o, 16)]
                    gpos = s0 + o + iota
                    valid = (gpos >= s) & (gpos < hi)
                    idx_s[pl.ds(o, 16)] = jnp.where(valid, li, trash)
                pltpu.sync_copy(vbuf, region.at[idx_s], add=True)
                return w + 1

            lax.while_loop(w_cond, w_body, 0)
        plsc.subcore_barrier()
        dst = pl.multiple_of(b * RWORDS + sid * SLICE, 8)

        @pl.when(dst + SLICE <= N * N)
        def _():
            pltpu.sync_copy(region.at[pl.ds(myofs, SLICE)], stage_v)
            pltpu.sync_copy(stage_v, atten_hbm.at[pl.ds(dst, SLICE)])

        return 0

    lax.fori_loop(0, (NB + 1) // 2, bucket, 0)


def kernel(z, alpha, edge_index, W1, b1, W2):
    beta = _compute_beta(z, W1, b1, W2)
    z_out = _compute_zout(z, beta)
    beta16 = jnp.pad(beta.reshape(M), (0, 16 - M))
    edge_index = edge_index.astype(jnp.int32)
    esrc = edge_index[:, 0, :].reshape(ET)
    edst = edge_index[:, 1, :].reshape(ET)
    aflat = alpha.reshape(ET)
    blidx, bval, seg = _bin_kernel(esrc, edst, aflat, beta16)
    atten = _accum_kernel(blidx, bval, seg)
    return (z_out, atten.reshape(N, N))

# --- scband reference (transcript-rebuilt; emitter-appended) ---
"""Pipeline reference for scband-semantic-attention-37134287241397 (READ-ONLY COPY).

The authoritative reference and input builder live on the scoring server;
editing this copy changes nothing except your own understanding.
"""

import jax, jax.numpy as jnp
import numpy as np

N = 10000
M = 4
E = 320000
D = 128
H = 128

def setup_inputs(seed: int = 0) -> dict:
    key = jax.random.key(seed)
    k1, k2, k3, k4, k5, k6 = jax.random.split(key, 6)
    z = jax.random.normal(k1, (N, M, D), dtype=jnp.float32)
    alpha = jax.random.uniform(k2, (M, E), dtype=jnp.float32)
    edge_index = jax.random.randint(k3, (M, 2, E), 0, N, dtype=jnp.int64)
    # learned params: project = Linear(D,H) then Linear(H,1,bias=False)
    W1 = jax.random.normal(k4, (D, H), dtype=jnp.float32) / np.sqrt(D)
    b1 = jnp.zeros((H,), dtype=jnp.float32)
    W2 = jax.random.normal(k5, (H, 1), dtype=jnp.float32) / np.sqrt(H)
    return {"z": z, "alpha": alpha, "edge_index": edge_index, "W1": W1, "b1": b1, "W2": W2}

def reference(z, alpha, edge_index, W1, b1, W2):
    # w = project(z): [N, M, 1]
    h = z @ W1 + b1
    w = h @ W2
    w = jax.nn.leaky_relu(w, negative_slope=0.01).mean(axis=0)  # [M, 1]
    beta = jax.nn.softmax(w, axis=0)  # [M, 1]
    # accumulate dense attention matrix via scatter-add (sparse_coo to_dense sums dups)
    atten = jnp.zeros((N, N), dtype=z.dtype)
    for i in range(M):
        src = edge_index[i, 0]
        dst = edge_index[i, 1]
        vals = alpha[i] * beta[i, 0]
        atten = atten.at[src, dst].add(vals)
    beta_e = jnp.broadcast_to(beta, (z.shape[0], M, 1))  # expand to [N, M, 1]
    z_out = (beta_e * z).sum(axis=1)  # [N, D]
    return (z_out, atten)

if __name__ == "__main__":
    import jax
    _d = setup_inputs()
    print(jax.jit(kernel)(*tuple(_d.values())))

</pallas_src>

<mosaic_0001>
#map = affine_map<(d0, d1) -> (0)>
#map1 = affine_map<(d0, d1) -> (0, 0)>
module attributes {stable_mosaic.version = 14 : i64} {
  func.func @_accum_kernel(%arg0: i32, %arg1: i32, %arg2: memref<1281024xi32, #tpu.memory_space<hbm>>, %arg3: memref<1281024xf32, #tpu.memory_space<hbm>>, %arg4: memref<32x176xi32, #tpu.memory_space<hbm>>, %arg5: memref<100000000xf32, #tpu.memory_space<hbm>>, %arg6: memref<640016xf32, #tpu.memory_space<vmem_shared>>, %arg7: memref<40000xf32, #tpu.memory_space<vmem>>, %arg8: memref<32x176xi32, #tpu.memory_space<vmem>>, %arg9: memref<512xi32, #tpu.memory_space<vmem>>, %arg10: memref<512xf32, #tpu.memory_space<vmem>>, %arg11: memref<512xi32, #tpu.memory_space<vmem>>, %arg12: memref<40000xf32, #tpu.memory_space<vmem>>) attributes {dimension_semantics = [#tpu.dimension_semantics<core_parallel>, #tpu.dimension_semantics<subcore_parallel>], iteration_bounds = array<i64: 2, 16>, scalar_prefetch = 0 : i64, scratch_operands = 7 : i64, tpu.core_type = #tpu.core_type<sc_vector_subcore>, window_params = [{transform_indices = #map}, {transform_indices = #map}, {transform_indices = #map1}, {transform_indices = #map}]} {
    "tpu.region"() ({
      %run_scoped3A = tpu.sem_alloc : memref<!tpu.dma_semaphore, #tpu.memory_space<semaphore_mem>>
      tpu.enqueue_dma source(%arg4 : memref<32x176xi32, #tpu.memory_space<hbm>>) target(%arg8 : memref<32x176xi32, #tpu.memory_space<vmem>>) target_semaphore(%run_scoped3A : memref<!tpu.dma_semaphore, #tpu.memory_space<semaphore_mem>>)
      tpu.wait_dma2 semaphore(%run_scoped3A : memref<!tpu.dma_semaphore, #tpu.memory_space<semaphore_mem>>) src(%arg4 : memref<32x176xi32, #tpu.memory_space<hbm>>) dst(%arg8 : memref<32x176xi32, #tpu.memory_space<vmem>>)
      tpu.yield
    }) : () -> ()
    %broadcast_in_dim3A = arith.constant 0.000000e+00 : f32
    %broadcast_in_dim3A_0 = vector.broadcast %broadcast_in_dim3A : f32 to vector<16xf32>
    %scan3A = arith.constant 0 : i32
    %scan3A_1 = arith.constant 0 : i32
    %scan3A_2 = arith.constant 2500 : i32
    %scan3A_3 = arith.addi %scan3A_1, %scan3A_2 : i32
    %scan3A_4 = arith.constant 1 : i32
    %scan3A_5 = scf.for %scan3A_15 = %scan3A_1 to %scan3A_3 step %scan3A_4 iter_args(%scan3A_16 = %scan3A) -> (i32)  : i32 {
      %mul3A = arith.constant 16 : i32
      %mul3A_17 = arith.muli %scan3A_15, %mul3A : i32
      %multiple_of3A = tpu.assume_multiple %mul3A_17, 16 : i32
      %swap3A = arith.index_cast %multiple_of3A : i32 to index
      %swap3A_18 = tpu.vector_load %arg7[%swap3A] {strides = array<i32>} : memref<40000xf32, #tpu.memory_space<vmem>>, vector<16xf32>,
      tpu.vector_store %arg7[%swap3A], %broadcast_in_dim3A_0 {strides = array<i32>} : memref<40000xf32, #tpu.memory_space<vmem>>, vector<16xf32>,
      %scan3A_19 = arith.constant 0 : i32
      scf.yield %scan3A_19 : i32
    }
    %scan3A_6 = arith.constant 2500 : i32
    %add3A = arith.constant 640000 : i32
    %add3A_7 = arith.addi %add3A, %arg1 : i32
    %iota3A = tpu.iota {dimensions = array<i32: 0>} : vector<16xi32>
    %scan3A_8 = arith.constant 0 : i32
    %scan3A_9 = arith.constant 0 : i32
    %scan3A_10 = arith.constant 79 : i32
    %scan3A_11 = arith.addi %scan3A_9, %scan3A_10 : i32
    %scan3A_12 = arith.constant 1 : i32
    %scan3A_13 = scf.for %scan3A_15 = %scan3A_9 to %scan3A_11 step %scan3A_12 iter_args(%scan3A_16 = %scan3A_8) -> (i32)  : i32 {
      %mul3A = arith.constant 2 : i32
      %mul3A_17 = arith.muli %mul3A, %scan3A_15 : i32
      %add3A_18 = arith.addi %mul3A_17, %arg0 : i32
      %mul3A_19 = arith.constant 40000 : i32
      %mul3A_20 = arith.muli %arg1, %mul3A_19 : i32
      %multiple_of3A = tpu.assume_multiple %mul3A_20, 8 : i32
      "tpu.region"() ({
        %run_scoped3A = tpu.sem_alloc : memref<!tpu.dma_semaphore, #tpu.memory_space<semaphore_mem>>
        %dma_start3A = tpu.memref_slice %arg6[%multiple_of3A] : memref<640016xf32, #tpu.memory_space<vmem_shared>> -> memref<40000xf32, #tpu.memory_space<vmem_shared>>
        %dma_start3A_88 = tpu.memref_slice %arg6[%multiple_of3A] : memref<640016xf32, #tpu.memory_space<vmem_shared>> -> memref<40000xf32, #tpu.memory_space<vmem_shared>>
        tpu.enqueue_dma source(%arg7 : memref<40000xf32, #tpu.memory_space<vmem>>) target(%dma_start3A_88 : memref<40000xf32, #tpu.memory_space<vmem_shared>>) target_semaphore(%run_scoped3A : memref<!tpu.dma_semaphore, #tpu.memory_space<semaphore_mem>>)
        %dma_wait3A = tpu.memref_slice %arg6[%multiple_of3A] : memref<640016xf32, #tpu.memory_space<vmem_shared>> -> memref<40000xf32, #tpu.memory_space<vmem_shared>>
        %dma_wait3A_89 = tpu.memref_slice %arg6[%multiple_of3A] : memref<640016xf32, #tpu.memory_space<vmem_shared>> -> memref<40000xf32, #tpu.memory_space<vmem_shared>>
        tpu.wait_dma2 semaphore(%run_scoped3A : memref<!tpu.dma_semaphore, #tpu.memory_space<semaphore_mem>>) src(%arg7 : memref<40000xf32, #tpu.memory_space<vmem>>) dst(%dma_wait3A_89 : memref<40000xf32, #tpu.memory_space<vmem_shared>>)
        tpu.yield
      }) : () -> ()
      %barrier3A = arith.constant 0 : index
      tpu.barrier barrier_id(%barrier3A)
      %mul3A_21 = arith.constant 2 : i32
      %mul3A_22 = arith.muli %mul3A_21, %arg1 : i32
      %add3A_23 = arith.constant 0 : i32
      %add3A_24 = arith.addi %mul3A_22, %add3A_23 : i32
      %broadcast_in_dim3A_25 = vector.broadcast %add3A_24 : i32 to vector<16xi32>
      %broadcast_in_dim3A_26 = vector.broadcast %add3A_18 : i32 to vector<16xi32>
      %gather3A = tpu.vector_load_idx %arg8[%broadcast_in_dim3A_25, %broadcast_in_dim3A_26] : memref<32x176xi32, #tpu.memory_space<vmem>>[vector<16xi32>, vector<16xi32>], vector<16xi32>,
      %reduce_max3A = arith.constant true
      %reduce_max3A_27 = vector.broadcast %reduce_max3A : i1 to vector<16xi1>
      %reduce_max3A_28 = arith.constant -2147483648 : i32
      %reduce_max3A_29 = vector.broadcast %reduce_max3A_28 : i32 to vector<16xi32>
      %reduce_max3A_30 = arith.xori %gather3A, %reduce_max3A_29 : vector<16xi32>
      %reduce_max3A_31 = tpu.scan <max>, %reduce_max3A_30 masked %reduce_max3A_27 : vector<16xi32>, vector<16xi1> -> vector<16xi32>
      %reduce_max3A_32 = arith.xori %reduce_max3A_31, %reduce_max3A_29 : vector<16xi32>
      %reduce_max3A_33 = vector.extract %reduce_max3A_32[15] : i32 from vector<16xi32>
      %add3A_34 = arith.constant 1 : i32
      %add3A_35 = arith.addi %add3A_18, %add3A_34 : i32
      %broadcast_in_dim3A_36 = vector.broadcast %add3A_35 : i32 to vector<16xi32>
      %gather3A_37 = tpu.vector_load_idx %arg8[%broadcast_in_dim3A_25, %broadcast_in_dim3A_36] : memref<32x176xi32, #tpu.memory_space<vmem>>[vector<16xi32>, vector<16xi32>], vector<16xi32>,
      %reduce_max3A_38 = arith.constant true
      %reduce_max3A_39 = vector.broadcast %reduce_max3A_38 : i1 to vector<16xi1>
      %reduce_max3A_40 = arith.constant -2147483648 : i32
      %reduce_max3A_41 = vector.broadcast %reduce_max3A_40 : i32 to vector<16xi32>
      %reduce_max3A_42 = arith.xori %gather3A_37, %reduce_max3A_41 : vector<16xi32>
      %reduce_max3A_43 = tpu.scan <max>, %reduce_max3A_42 masked %reduce_max3A_39 : vector<16xi32>, vector<16xi1> -> vector<16xi32>
      %reduce_max3A_44 = arith.xori %reduce_max3A_43, %reduce_max3A_41 : vector<16xi32>
      %reduce_max3A_45 = vector.extract %reduce_max3A_44[15] : i32 from vector<16xi32>
      %while3A = arith.constant 0 : i32
      %while3A_46 = scf.while (%while3A_88 = %while3A) : (i32) -> i32 {
        %mul3A_89 = arith.constant 496 : i32
        %mul3A_90 = arith.muli %while3A_88, %mul3A_89 : i32
        %add3A_91 = arith.addi %reduce_max3A_33, %mul3A_90 : i32
        %lt3A = arith.cmpi slt, %add3A_91, %reduce_max3A_45 : i32
        scf.condition(%lt3A) %while3A_88 : i32
      } do {
      ^bb0(%while3A_88: i32):
        %mul3A_89 = arith.constant 496 : i32
        %mul3A_90 = arith.muli %while3A_88, %mul3A_89 : i32
        %add3A_91 = arith.addi %reduce_max3A_33, %mul3A_90 : i32
        %and3A = arith.constant -8 : i32
        %and3A_92 = arith.andi %add3A_91, %and3A : i32
        %multiple_of3A_93 = tpu.assume_multiple %and3A_92, 8 : i32
        "tpu.region"() ({
          %run_scoped3A = tpu.sem_alloc : memref<!tpu.dma_semaphore, #tpu.memory_space<semaphore_mem>>
          %dma_start3A = tpu.memref_slice %arg2[%multiple_of3A_93] : memref<1281024xi32, #tpu.memory_space<hbm>> -> memref<512xi32, #tpu.memory_space<hbm>>
          %dma_start3A_573 = tpu.memref_slice %arg2[%multiple_of3A_93] : memref<1281024xi32, #tpu.memory_space<hbm>> -> memref<512xi32, #tpu.memory_space<hbm>>
          tpu.enqueue_dma source(%dma_start3A_573 : memref<512xi32, #tpu.memory_space<hbm>>) target(%arg9 : memref<512xi32, #tpu.memory_space<vmem>>) target_semaphore(%run_scoped3A : memref<!tpu.dma_semaphore, #tpu.memory_space<semaphore_mem>>)
          %dma_wait3A = tpu.memref_slice %arg2[%multiple_of3A_93] : memref<1281024xi32, #tpu.memory_space<hbm>> -> memref<512xi32, #tpu.memory_space<hbm>>
          %dma_wait3A_574 = tpu.memref_slice %arg2[%multiple_of3A_93] : memref<1281024xi32, #tpu.memory_space<hbm>> -> memref<512xi32, #tpu.memory_space<hbm>>
          tpu.wait_dma2 semaphore(%run_scoped3A : memref<!tpu.dma_semaphore, #tpu.memory_space<semaphore_mem>>) src(%dma_wait3A_574 : memref<512xi32, #tpu.memory_space<hbm>>) dst(%arg9 : memref<512xi32, #tpu.memory_space<vmem>>)
          tpu.yield
        }) : () -> ()
        "tpu.region"() ({
          %run_scoped3A = tpu.sem_alloc : memref<!tpu.dma_semaphore, #tpu.memory_space<semaphore_mem>>
          %dma_start3A = tpu.memref_slice %arg3[%multiple_of3A_93] : memref<1281024xf32, #tpu.memory_space<hbm>> -> memref<512xf32, #tpu.memory_space<hbm>>
          %dma_start3A_573 = tpu.memref_slice %arg3[%multiple_of3A_93] : memref<1281024xf32, #tpu.memory_space<hbm>> -> memref<512xf32, #tpu.memory_space<hbm>>
          tpu.enqueue_dma source(%dma_start3A_573 : memref<512xf32, #tpu.memory_space<hbm>>) target(%arg10 : memref<512xf32, #tpu.memory_space<vmem>>) target_semaphore(%run_scoped3A : memref<!tpu.dma_semaphore, #tpu.memory_space<semaphore_mem>>)
          %dma_wait3A = tpu.memref_slice %arg3[%multiple_of3A_93] : memref<1281024xf32, #tpu.memory_space<hbm>> -> memref<512xf32, #tpu.memory_space<hbm>>
          %dma_wait3A_574 = tpu.memref_slice %arg3[%multiple_of3A_93] : memref<1281024xf32, #tpu.memory_space<hbm>> -> memref<512xf32, #tpu.memory_space<hbm>>
          tpu.wait_dma2 semaphore(%run_scoped3A : memref<!tpu.dma_semaphore, #tpu.memory_space<semaphore_mem>>) src(%dma_wait3A_574 : memref<512xf32, #tpu.memory_space<hbm>>) dst(%arg10 : memref<512xf32, #tpu.memory_space<vmem>>)
          tpu.yield
        }) : () -> ()
        %add3A_94 = arith.constant 496 : i32
        %add3A_95 = arith.addi %add3A_91, %add3A_94 : i32
        %min3A = arith.minsi %add3A_95, %reduce_max3A_45 : i32
        %get3A = arith.constant 0 : index
        %get3A_96 = tpu.vector_load %arg9[%get3A] {strides = array<i32>} : memref<512xi32, #tpu.memory_space<vmem>>, vector<16xi32>,
        %add3A_97 = arith.constant 0 : i32
        %add3A_98 = arith.addi %multiple_of3A_93, %add3A_97 : i32
        %add3A_99 = vector.broadcast %add3A_98 : i32 to vector<16xi32>
        %add3A_100 = arith.addi %add3A_99, %iota3A : vector<16xi32>
        %ge3A = vector.broadcast %add3A_91 : i32 to vector<16xi32>
        %ge3A_101 = arith.cmpi sge, %add3A_100, %ge3A : vector<16xi32>
        %lt3A = vector.broadcast %min3A : i32 to vector<16xi32>
        %lt3A_102 = arith.cmpi slt, %add3A_100, %lt3A : vector<16xi32>
        %and3A_103 = arith.andi %ge3A_101, %lt3A_102 : vector<16xi1>
        %broadcast_in_dim3A_104 = vector.broadcast %add3A_7 : i32 to vector<16xi32>
        %select_n3A = arith.select %and3A_103, %get3A_96, %broadcast_in_dim3A_104 : vector<16xi1>, vector<16xi32>
        %swap3A = arith.constant 0 : index
        %swap3A_105 = tpu.vector_load %arg11[%swap3A] {strides = array<i32>} : memref<512xi32, #tpu.memory_space<vmem>>, vector<16xi32>,
        tpu.vector_store %arg11[%swap3A], %select_n3A {strides = array<i32>} : memref<512xi32, #tpu.memory_space<vmem>>, vector<16xi32>,
        %get3A_106 = arith.constant 16 : index
        %get3A_107 = tpu.vector_load %arg9[%get3A_106] {strides = array<i32>} : memref<512xi32, #tpu.memory_space<vmem>>, vector<16xi32>,
        %add3A_108 = arith.constant 16 : i32
        %add3A_109 = arith.addi %multiple_of3A_93, %add3A_108 : i32
        %add3A_110 = vector.broadcast %add3A_109 : i32 to vector<16xi32>
        %add3A_111 = arith.addi %add3A_110, %iota3A : vector<16xi32>
        %ge3A_112 = vector.broadcast %add3A_91 : i32 to vector<16xi32>
        %ge3A_113 = arith.cmpi sge, %add3A_111, %ge3A_112 : vector<16xi32>
        %lt3A_114 = vector.broadcast %min3A : i32 to vector<16xi32>
        %lt3A_115 = arith.cmpi slt, %add3A_111, %lt3A_114 : vector<16xi32>
        %and3A_116 = arith.andi %ge3A_113, %lt3A_115 : vector<16xi1>
        %broadcast_in_dim3A_117 = vector.broadcast %add3A_7 : i32 to vector<16xi32>
        %select_n3A_118 = arith.select %and3A_116, %get3A_107, %broadcast_in_dim3A_117 : vector<16xi1>, vector<16xi32>
        %swap3A_119 = arith.constant 16 : index
        %swap3A_120 = tpu.vector_load %arg11[%swap3A_119] {strides = array<i32>} : memref<512xi32, #tpu.memory_space<vmem>>, vector<16xi32>,
        tpu.vector_store %arg11[%swap3A_119], %select_n3A_118 {strides = array<i32>} : memref<512xi32, #tpu.memory_space<vmem>>, vector<16xi32>,
        %get3A_121 = arith.constant 32 : index
        %get3A_122 = tpu.vector_load %arg9[%get3A_121] {strides = array<i32>} : memref<512xi32, #tpu.memory_space<vmem>>, vector<16xi32>,
        %add3A_123 = arith.constant 32 : i32
        %add3A_124 = arith.addi %multiple_of3A_93, %add3A_123 : i32
        %add3A_125 = vector.broadcast %add3A_124 : i32 to vector<16xi32>
        %add3A_126 = arith.addi %add3A_125, %iota3A : vector<16xi32>
        %ge3A_127 = vector.broadcast %add3A_91 : i32 to vector<16xi32>
        %ge3A_128 = arith.cmpi sge, %add3A_126, %ge3A_127 : vector<16xi32>
        %lt3A_129 = vector.broadcast %min3A : i32 to vector<16xi32>
        %lt3A_130 = arith.cmpi slt, %add3A_126, %lt3A_129 : vector<16xi32>
        %and3A_131 = arith.andi %ge3A_128, %lt3A_130 : vector<16xi1>
        %broadcast_in_dim3A_132 = vector.broadcast %add3A_7 : i32 to vector<16xi32>
        %select_n3A_133 = arith.select %and3A_131, %get3A_122, %broadcast_in_dim3A_132 : vector<16xi1>, vector<16xi32>
        %swap3A_134 = arith.constant 32 : index
        %swap3A_135 = tpu.vector_load %arg11[%swap3A_134] {strides = array<i32>} : memref<512xi32, #tpu.memory_space<vmem>>, vector<16xi32>,
        tpu.vector_store %arg11[%swap3A_134], %select_n3A_133 {strides = array<i32>} : memref<512xi32, #tpu.memory_space<vmem>>, vector<16xi32>,
        %get3A_136 = arith.constant 48 : index
        %get3A_137 = tpu.vector_load %arg9[%get3A_136] {strides = array<i32>} : memref<512xi32, #tpu.memory_space<vmem>>, vector<16xi32>,
        %add3A_138 = arith.constant 48 : i32
        %add3A_139 = arith.addi %multiple_of3A_93, %add3A_138 : i32
        %add3A_140 = vector.broadcast %add3A_139 : i32 to vector<16xi32>
        %add3A_141 = arith.addi %add3A_140, %iota3A : vector<16xi32>
        %ge3A_142 = vector.broadcast %add3A_91 : i32 to vector<16xi32>
        %ge3A_143 = arith.cmpi sge, %add3A_141, %ge3A_142 : vector<16xi32>
        %lt3A_144 = vector.broadcast %min3A : i32 to vector<16xi32>
        %lt3A_145 = arith.cmpi slt, %add3A_141, %lt3A_144 : vector<16xi32>
        %and3A_146 = arith.andi %ge3A_143, %lt3A_145 : vector<16xi1>
        %broadcast_in_dim3A_147 = vector.broadcast %add3A_7 : i32 to vector<16xi32>
        %select_n3A_148 = arith.select %and3A_146, %get3A_137, %broadcast_in_dim3A_147 : vector<16xi1>, vector<16xi32>
        %swap3A_149 = arith.constant 48 : index
        %swap3A_150 = tpu.vector_load %arg11[%swap3A_149] {strides = array<i32>} : memref<512xi32, #tpu.memory_space<vmem>>, vector<16xi32>,
        tpu.vector_store %arg11[%swap3A_149], %select_n3A_148 {strides = array<i32>} : memref<512xi32, #tpu.memory_space<vmem>>, vector<16xi32>,
        %get3A_151 = arith.constant 64 : index
        %get3A_152 = tpu.vector_load %arg9[%get3A_151] {strides = array<i32>} : memref<512xi32, #tpu.memory_space<vmem>>, vector<16xi32>,
        %add3A_153 = arith.constant 64 : i32
        %add3A_154 = arith.addi %multiple_of3A_93, %add3A_153 : i32
        %add3A_155 = vector.broadcast %add3A_154 : i32 to vector<16xi32>
        %add3A_156 = arith.addi %add3A_155, %iota3A : vector<16xi32>
        %ge3A_157 = vector.broadcast %add3A_91 : i32 to vector<16xi32>
        %ge3A_158 = arith.cmpi sge, %add3A_156, %ge3A_157 : vector<16xi32>
        %lt3A_159 = vector.broadcast %min3A : i32 to vector<16xi32>
        %lt3A_160 = arith.cmpi slt, %add3A_156, %lt3A_159 : vector<16xi32>
        %and3A_161 = arith.andi %ge3A_158, %lt3A_160 : vector<16xi1>
        %broadcast_in_dim3A_162 = vector.broadcast %add3A_7 : i32 to vector<16xi32>
        %select_n3A_163 = arith.select %and3A_161, %get3A_152, %broadcast_in_dim3A_162 : vector<16xi1>, vector<16xi32>
        %swap3A_164 = arith.constant 64 : index
        %swap3A_165 = tpu.vector_load %arg11[%swap3A_164] {strides = array<i32>} : memref<512xi32, #tpu.memory_space<vmem>>, vector<16xi32>,
        tpu.vector_store %arg11[%swap3A_164], %select_n3A_163 {strides = array<i32>} : memref<512xi32, #tpu.memory_space<vmem>>, vector<16xi32>,
        %get3A_166 = arith.constant 80 : index
        %get3A_167 = tpu.vector_load %arg9[%get3A_166] {strides = array<i32>} : memref<512xi32, #tpu.memory_space<vmem>>, vector<16xi32>,
        %add3A_168 = arith.constant 80 : i32
        %add3A_169 = arith.addi %multiple_of3A_93, %add3A_168 : i32
        %add3A_170 = vector.broadcast %add3A_169 : i32 to vector<16xi32>
        %add3A_171 = arith.addi %add3A_170, %iota3A : vector<16xi32>
        %ge3A_172 = vector.broadcast %add3A_91 : i32 to vector<16xi32>
        %ge3A_173 = arith.cmpi sge, %add3A_171, %ge3A_172 : vector<16xi32>
        %lt3A_174 = vector.broadcast %min3A : i32 to vector<16xi32>
        %lt3A_175 = arith.cmpi slt, %add3A_171, %lt3A_174 : vector<16xi32>
        %and3A_176 = arith.andi %ge3A_173, %lt3A_175 : vector<16xi1>
        %broadcast_in_dim3A_177 = vector.broadcast %add3A_7 : i32 to vector<16xi32>
        %select_n3A_178 = arith.select %and3A_176, %get3A_167, %broadcast_in_dim3A_177 : vector<16xi1>, vector<16xi32>
        %swap3A_179 = arith.constant 80 : index
        %swap3A_180 = tpu.vector_load %arg11[%swap3A_179] {strides = array<i32>} : memref<512xi32, #tpu.memory_space<vmem>>, vector<16xi32>,
        tpu.vector_store %arg11[%swap3A_179], %select_n3A_178 {strides = array<i32>} : memref<512xi32, #tpu.memory_space<vmem>>, vector<16xi32>,
        %get3A_181 = arith.constant 96 : index
        %get3A_182 = tpu.vector_load %arg9[%get3A_181] {strides = array<i32>} : memref<512xi32, #tpu.memory_space<vmem>>, vector<16xi32>,
        %add3A_183 = arith.constant 96 : i32
        %add3A_184 = arith.addi %multiple_of3A_93, %add3A_183 : i32
        %add3A_185 = vector.broadcast %add3A_184 : i32 to vector<16xi32>
        %add3A_186 = arith.addi %add3A_185, %iota3A : vector<16xi32>
        %ge3A_187 = vector.broadcast %add3A_91 : i32 to vector<16xi32>
        %ge3A_188 = arith.cmpi sge, %add3A_186, %ge3A_187 : vector<16xi32>
        %lt3A_189 = vector.broadcast %min3A : i32 to vector<16xi32>
        %lt3A_190 = arith.cmpi slt, %add3A_186, %lt3A_189 : vector<16xi32>
        %and3A_191 = arith.andi %ge3A_188, %lt3A_190 : vector<16xi1>
        %broadcast_in_dim3A_192 = vector.broadcast %add3A_7 : i32 to vector<16xi32>
        %select_n3A_193 = arith.select %and3A_191, %get3A_182, %broadcast_in_dim3A_192 : vector<16xi1>, vector<16xi32>
        %swap3A_194 = arith.constant 96 : index
        %swap3A_195 = tpu.vector_load %arg11[%swap3A_194] {strides = array<i32>} : memref<512xi32, #tpu.memory_space<vmem>>, vector<16xi32>,
        tpu.vector_store %arg11[%swap3A_194], %select_n3A_193 {strides = array<i32>} : memref<512xi32, #tpu.memory_space<vmem>>, vector<16xi32>,
        %get3A_196 = arith.constant 112 : index
        %get3A_197 = tpu.vector_load %arg9[%get3A_196] {strides = array<i32>} : memref<512xi32, #tpu.memory_space<vmem>>, vector<16xi32>,
        %add3A_198 = arith.constant 112 : i32
        %add3A_199 = arith.addi %multiple_of3A_93, %add3A_198 : i32
        %add3A_200 = vector.broadcast %add3A_199 : i32 to vector<16xi32>
        %add3A_201 = arith.addi %add3A_200, %iota3A : vector<16xi32>
        %ge3A_202 = vector.broadcast %add3A_91 : i32 to vector<16xi32>
        %ge3A_203 = arith.cmpi sge, %add3A_201, %ge3A_202 : vector<16xi32>
        %lt3A_204 = vector.broadcast %min3A : i32 to vector<16xi32>
        %lt3A_205 = arith.cmpi slt, %add3A_201, %lt3A_204 : vector<16xi32>
        %and3A_206 = arith.andi %ge3A_203, %lt3A_205 : vector<16xi1>
        %broadcast_in_dim3A_207 = vector.broadcast %add3A_7 : i32 to vector<16xi32>
        %select_n3A_208 = arith.select %and3A_206, %get3A_197, %broadcast_in_dim3A_207 : vector<16xi1>, vector<16xi32>
        %swap3A_209 = arith.constant 112 : index
        %swap3A_210 = tpu.vector_load %arg11[%swap3A_209] {strides = array<i32>} : memref<512xi32, #tpu.memory_space<vmem>>, vector<16xi32>,
        tpu.vector_store %arg11[%swap3A_209], %select_n3A_208 {strides = array<i32>} : memref<512xi32, #tpu.memory_space<vmem>>, vector<16xi32>,
        %get3A_211 = arith.constant 128 : index
        %get3A_212 = tpu.vector_load %arg9[%get3A_211] {strides = array<i32>} : memref<512xi32, #tpu.memory_space<vmem>>, vector<16xi32>,
        %add3A_213 = arith.constant 128 : i32
        %add3A_214 = arith.addi %multiple_of3A_93, %add3A_213 : i32
        %add3A_215 = vector.broadcast %add3A_214 : i32 to vector<16xi32>
        %add3A_216 = arith.addi %add3A_215, %iota3A : vector<16xi32>
        %ge3A_217 = vector.broadcast %add3A_91 : i32 to vector<16xi32>
        %ge3A_218 = arith.cmpi sge, %add3A_216, %ge3A_217 : vector<16xi32>
        %lt3A_219 = vector.broadcast %min3A : i32 to vector<16xi32>
        %lt3A_220 = arith.cmpi slt, %add3A_216, %lt3A_219 : vector<16xi32>
        %and3A_221 = arith.andi %ge3A_218, %lt3A_220 : vector<16xi1>
        %broadcast_in_dim3A_222 = vector.broadcast %add3A_7 : i32 to vector<16xi32>
        %select_n3A_223 = arith.select %and3A_221, %get3A_212, %broadcast_in_dim3A_222 : vector<16xi1>, vector<16xi32>
        %swap3A_224 = arith.constant 128 : index
        %swap3A_225 = tpu.vector_load %arg11[%swap3A_224] {strides = array<i32>} : memref<512xi32, #tpu.memory_space<vmem>>, vector<16xi32>,
        tpu.vector_store %arg11[%swap3A_224], %select_n3A_223 {strides = array<i32>} : memref<512xi32, #tpu.memory_space<vmem>>, vector<16xi32>,
        %get3A_226 = arith.constant 144 : index
        %get3A_227 = tpu.vector_load %arg9[%get3A_226] {strides = array<i32>} : memref<512xi32, #tpu.memory_space<vmem>>, vector<16xi32>,
        %add3A_228 = arith.constant 144 : i32
        %add3A_229 = arith.addi %multiple_of3A_93, %add3A_228 : i32
        %add3A_230 = vector.broadcast %add3A_229 : i32 to vector<16xi32>
        %add3A_231 = arith.addi %add3A_230, %iota3A : vector<16xi32>
        %ge3A_232 = vector.broadcast %add3A_91 : i32 to vector<16xi32>
        %ge3A_233 = arith.cmpi sge, %add3A_231, %ge3A_232 : vector<16xi32>
        %lt3A_234 = vector.broadcast %min3A : i32 to vector<16xi32>
        %lt3A_235 = arith.cmpi slt, %add3A_231, %lt3A_234 : vector<16xi32>
        %and3A_236 = arith.andi %ge3A_233, %lt3A_235 : vector<16xi1>
        %broadcast_in_dim3A_237 = vector.broadcast %add3A_7 : i32 to vector<16xi32>
        %select_n3A_238 = arith.select %and3A_236, %get3A_227, %broadcast_in_dim3A_237 : vector<16xi1>, vector<16xi32>
        %swap3A_239 = arith.constant 144 : index
        %swap3A_240 = tpu.vector_load %arg11[%swap3A_239] {strides = array<i32>} : memref<512xi32, #tpu.memory_space<vmem>>, vector<16xi32>,
        tpu.vector_store %arg11[%swap3A_239], %select_n3A_238 {strides = array<i32>} : memref<512xi32, #tpu.memory_space<vmem>>, vector<16xi32>,
        %get3A_241 = arith.constant 160 : index
        %get3A_242 = tpu.vector_load %arg9[%get3A_241] {strides = array<i32>} : memref<512xi32, #tpu.memory_space<vmem>>, vector<16xi32>,
        %add3A_243 = arith.constant 160 : i32
        %add3A_244 = arith.addi %multiple_of3A_93, %add3A_243 : i32
        %add3A_245 = vector.broadcast %add3A_244 : i32 to vector<16xi32>
        %add3A_246 = arith.addi %add3A_245, %iota3A : vector<16xi32>
        %ge3A_247 = vector.broadcast %add3A_91 : i32 to vector<16xi32>
        %ge3A_248 = arith.cmpi sge, %add3A_246, %ge3A_247 : vector<16xi32>
        %lt3A_249 = vector.broadcast %min3A : i32 to vector<16xi32>
        %lt3A_250 = arith.cmpi slt, %add3A_246, %lt3A_249 : vector<16xi32>
        %and3A_251 = arith.andi %ge3A_248, %lt3A_250 : vector<16xi1>
        %broadcast_in_dim3A_252 = vector.broadcast %add3A_7 : i32 to vector<16xi32>
        %select_n3A_253 = arith.select %and3A_251, %get3A_242, %broadcast_in_dim3A_252 : vector<16xi1>, vector<16xi32>
        %swap3A_254 = arith.constant 160 : index
        %swap3A_255 = tpu.vector_load %arg11[%swap3A_254] {strides = array<i32>} : memref<512xi32, #tpu.memory_space<vmem>>, vector<16xi32>,
        tpu.vector_store %arg11[%swap3A_254], %select_n3A_253 {strides = array<i32>} : memref<512xi32, #tpu.memory_space<vmem>>, vector<16xi32>,
        %get3A_256 = arith.constant 176 : index
        %get3A_257 = tpu.vector_load %arg9[%get3A_256] {strides = array<i32>} : memref<512xi32, #tpu.memory_space<vmem>>, vector<16xi32>,
        %add3A_258 = arith.constant 176 : i32
        %add3A_259 = arith.addi %multiple_of3A_93, %add3A_258 : i32
        %add3A_260 = vector.broadcast %add3A_259 : i32 to vector<16xi32>
        %add3A_261 = arith.addi %add3A_260, %iota3A : vector<16xi32>
        %ge3A_262 = vector.broadcast %add3A_91 : i32 to vector<16xi32>
        %ge3A_263 = arith.cmpi sge, %add3A_261, %ge3A_262 : vector<16xi32>
        %lt3A_264 = vector.broadcast %min3A : i32 to vector<16xi32>
        %lt3A_265 = arith.cmpi slt, %add3A_261, %lt3A_264 : vector<16xi32>
        %and3A_266 = arith.andi %ge3A_263, %lt3A_265 : vector<16xi1>
        %broadcast_in_dim3A_267 = vector.broadcast %add3A_7 : i32 to vector<16xi32>
        %select_n3A_268 = arith.select %and3A_266, %get3A_257, %broadcast_in_dim3A_267 : vector<16xi1>, vector<16xi32>
        %swap3A_269 = arith.constant 176 : index
        %swap3A_270 = tpu.vector_load %arg11[%swap3A_269] {strides = array<i32>} : memref<512xi32, #tpu.memory_space<vmem>>, vector<16xi32>,
        tpu.vector_store %arg11[%swap3A_269], %select_n3A_268 {strides = array<i32>} : memref<512xi32, #tpu.memory_space<vmem>>, vector<16xi32>,
        %get3A_271 = arith.constant 192 : index
        %get3A_272 = tpu.vector_load %arg9[%get3A_271] {strides = array<i32>} : memref<512xi32, #tpu.memory_space<vmem>>, vector<16xi32>,
        %add3A_273 = arith.constant 192 : i32
        %add3A_274 = arith.addi %multiple_of3A_93, %add3A_273 : i32
        %add3A_275 = vector.broadcast %add3A_274 : i32 to vector<16xi32>
        %add3A_276 = arith.addi %add3A_275, %iota3A : vector<16xi32>
        %ge3A_277 = vector.broadcast %add3A_91 : i32 to vector<16xi32>
        %ge3A_278 = arith.cmpi sge, %add3A_276, %ge3A_277 : vector<16xi32>
        %lt3A_279 = vector.broadcast %min3A : i32 to vector<16xi32>
        %lt3A_280 = arith.cmpi slt, %add3A_276, %lt3A_279 : vector<16xi32>
        %and3A_281 = arith.andi %ge3A_278, %lt3A_280 : vector<16xi1>
        %broadcast_in_dim3A_282 = vector.broadcast %add3A_7 : i32 to vector<16xi32>
        %select_n3A_283 = arith.select %and3A_281, %get3A_272, %broadcast_in_dim3A_282 : vector<16xi1>, vector<16xi32>
        %swap3A_284 = arith.constant 192 : index
        %swap3A_285 = tpu.vector_load %arg11[%swap3A_284] {strides = array<i32>} : memref<512xi32, #tpu.memory_space<vmem>>, vector<16xi32>,
        tpu.vector_store %arg11[%swap3A_284], %select_n3A_283 {strides = array<i32>} : memref<512xi32, #tpu.memory_space<vmem>>, vector<16xi32>,
        %get3A_286 = arith.constant 208 : index
        %get3A_287 = tpu.vector_load %arg9[%get3A_286] {strides = array<i32>} : memref<512xi32, #tpu.memory_space<vmem>>, vector<16xi32>,
        %add3A_288 = arith.constant 208 : i32
        %add3A_289 = arith.addi %multiple_of3A_93, %add3A_288 : i32
        %add3A_290 = vector.broadcast %add3A_289 : i32 to vector<16xi32>
        %add3A_291 = arith.addi %add3A_290, %iota3A : vector<16xi32>
        %ge3A_292 = vector.broadcast %add3A_91 : i32 to vector<16xi32>
        %ge3A_293 = arith.cmpi sge, %add3A_291, %ge3A_292 : vector<16xi32>
        %lt3A_294 = vector.broadcast %min3A : i32 to vector<16xi32>
        %lt3A_295 = arith.cmpi slt, %add3A_291, %lt3A_294 : vector<16xi32>
        %and3A_296 = arith.andi %ge3A_293, %lt3A_295 : vector<16xi1>
        %broadcast_in_dim3A_297 = vector.broadcast %add3A_7 : i32 to vector<16xi32>
        %select_n3A_298 = arith.select %and3A_296, %get3A_287, %broadcast_in_dim3A_297 : vector<16xi1>, vector<16xi32>
        %swap3A_299 = arith.constant 208 : index
        %swap3A_300 = tpu.vector_load %arg11[%swap3A_299] {strides = array<i32>} : memref<512xi32, #tpu.memory_space<vmem>>, vector<16xi32>,
        tpu.vector_store %arg11[%swap3A_299], %select_n3A_298 {strides = array<i32>} : memref<512xi32, #tpu.memory_space<vmem>>, vector<16xi32>,
        %get3A_301 = arith.constant 224 : index
        %get3A_302 = tpu.vector_load %arg9[%get3A_301] {strides = array<i32>} : memref<512xi32, #tpu.memory_space<vmem>>, vector<16xi32>,
        %add3A_303 = arith.constant 224 : i32
        %add3A_304 = arith.addi %multiple_of3A_93, %add3A_303 : i32
        %add3A_305 = vector.broadcast %add3A_304 : i32 to vector<16xi32>
        %add3A_306 = arith.addi %add3A_305, %iota3A : vector<16xi32>
        %ge3A_307 = vector.broadcast %add3A_91 : i32 to vector<16xi32>
        %ge3A_308 = arith.cmpi sge, %add3A_306, %ge3A_307 : vector<16xi32>
        %lt3A_309 = vector.broadcast %min3A : i32 to vector<16xi32>
        %lt3A_310 = arith.cmpi slt, %add3A_306, %lt3A_309 : vector<16xi32>
        %and3A_311 = arith.andi %ge3A_308, %lt3A_310 : vector<16xi1>
        %broadcast_in_dim3A_312 = vector.broadcast %add3A_7 : i32 to vector<16xi32>
        %select_n3A_313 = arith.select %and3A_311, %get3A_302, %broadcast_in_dim3A_312 : vector<16xi1>, vector<16xi32>
        %swap3A_314 = arith.constant 224 : index
        %swap3A_315 = tpu.vector_load %arg11[%swap3A_314] {strides = array<i32>} : memref<512xi32, #tpu.memory_space<vmem>>, vector<16xi32>,
        tpu.vector_store %arg11[%swap3A_314], %select_n3A_313 {strides = array<i32>} : memref<512xi32, #tpu.memory_space<vmem>>, vector<16xi32>,
        %get3A_316 = arith.constant 240 : index
        %get3A_317 = tpu.vector_load %arg9[%get3A_316] {strides = array<i32>} : memref<512xi32, #tpu.memory_space<vmem>>, vector<16xi32>,
        %add3A_318 = arith.constant 240 : i32
        %add3A_319 = arith.addi %multiple_of3A_93, %add3A_318 : i32
        %add3A_320 = vector.broadcast %add3A_319 : i32 to vector<16xi32>
        %add3A_321 = arith.addi %add3A_320, %iota3A : vector<16xi32>
        %ge3A_322 = vector.broadcast %add3A_91 : i32 to vector<16xi32>
        %ge3A_323 = arith.cmpi sge, %add3A_321, %ge3A_322 : vector<16xi32>
        %lt3A_324 = vector.broadcast %min3A : i32 to vector<16xi32>
        %lt3A_325 = arith.cmpi slt, %add3A_321, %lt3A_324 : vector<16xi32>
        %and3A_326 = arith.andi %ge3A_323, %lt3A_325 : vector<16xi1>
        %broadcast_in_dim3A_327 = vector.broadcast %add3A_7 : i32 to vector<16xi32>
        %select_n3A_328 = arith.select %and3A_326, %get3A_317, %broadcast_in_dim3A_327 : vector<16xi1>, vector<16xi32>
        %swap3A_329 = arith.constant 240 : index
        %swap3A_330 = tpu.vector_load %arg11[%swap3A_329] {strides = array<i32>} : memref<512xi32, #tpu.memory_space<vmem>>, vector<16xi32>,
        tpu.vector_store %arg11[%swap3A_329], %select_n3A_328 {strides = array<i32>} : memref<512xi32, #tpu.memory_space<vmem>>, vector<16xi32>,
        %get3A_331 = arith.constant 256 : index
        %get3A_332 = tpu.vector_load %arg9[%get3A_331] {strides = array<i32>} : memref<512xi32, #tpu.memory_space<vmem>>, vector<16xi32>,
        %add3A_333 = arith.constant 256 : i32
        %add3A_334 = arith.addi %multiple_of3A_93, %add3A_333 : i32
        %add3A_335 = vector.broadcast %add3A_334 : i32 to vector<16xi32>
        %add3A_336 = arith.addi %add3A_335, %iota3A : vector<16xi32>
        %ge3A_337 = vector.broadcast %add3A_91 : i32 to vector<16xi32>
        %ge3A_338 = arith.cmpi sge, %add3A_336, %ge3A_337 : vector<16xi32>
        %lt3A_339 = vector.broadcast %min3A : i32 to vector<16xi32>
        %lt3A_340 = arith.cmpi slt, %add3A_336, %lt3A_339 : vector<16xi32>
        %and3A_341 = arith.andi %ge3A_338, %lt3A_340 : vector<16xi1>
        %broadcast_in_dim3A_342 = vector.broadcast %add3A_7 : i32 to vector<16xi32>
        %select_n3A_343 = arith.select %and3A_341, %get3A_332, %broadcast_in_dim3A_342 : vector<16xi1>, vector<16xi32>
        %swap3A_344 = arith.constant 256 : index
        %swap3A_345 = tpu.vector_load %arg11[%swap3A_344] {strides = array<i32>} : memref<512xi32, #tpu.memory_space<vmem>>, vector<16xi32>,
        tpu.vector_store %arg11[%swap3A_344], %select_n3A_343 {strides = array<i32>} : memref<512xi32, #tpu.memory_space<vmem>>, vector<16xi32>,
        %get3A_346 = arith.constant 272 : index
        %get3A_347 = tpu.vector_load %arg9[%get3A_346] {strides = array<i32>} : memref<512xi32, #tpu.memory_space<vmem>>, vector<16xi32>,
        %add3A_348 = arith.constant 272 : i32
        %add3A_349 = arith.addi %multiple_of3A_93, %add3A_348 : i32
        %add3A_350 = vector.broadcast %add3A_349 : i32 to vector<16xi32>
        %add3A_351 = arith.addi %add3A_350, %iota3A : vector<16xi32>
        %ge3A_352 = vector.broadcast %add3A_91 : i32 to vector<16xi32>
        %ge3A_353 = arith.cmpi sge, %add3A_351, %ge3A_352 : vector<16xi32>
        %lt3A_354 = vector.broadcast %min3A : i32 to vector<16xi32>
        %lt3A_355 = arith.cmpi slt, %add3A_351, %lt3A_354 : vector<16xi32>
        %and3A_356 = arith.andi %ge3A_353, %lt3A_355 : vector<16xi1>
        %broadcast_in_dim3A_357 = vector.broadcast %add3A_7 : i32 to vector<16xi32>
        %select_n3A_358 = arith.select %and3A_356, %get3A_347, %broadcast_in_dim3A_357 : vector<16xi1>, vector<16xi32>
        %swap3A_359 = arith.constant 272 : index
        %swap3A_360 = tpu.vector_load %arg11[%swap3A_359] {strides = array<i32>} : memref<512xi32, #tpu.memory_space<vmem>>, vector<16xi32>,
        tpu.vector_store %arg11[%swap3A_359], %select_n3A_358 {strides = array<i32>} : memref<512xi32, #tpu.memory_space<vmem>>, vector<16xi32>,
        %get3A_361 = arith.constant 288 : index
        %get3A_362 = tpu.vector_load %arg9[%get3A_361] {strides = array<i32>} : memref<512xi32, #tpu.memory_space<vmem>>, vector<16xi32>,
        %add3A_363 = arith.constant 288 : i32
        %add3A_364 = arith.addi %multiple_of3A_93, %add3A_363 : i32
        %add3A_365 = vector.broadcast %add3A_364 : i32 to vector<16xi32>
        %add3A_366 = arith.addi %add3A_365, %iota3A : vector<16xi32>
        %ge3A_367 = vector.broadcast %add3A_91 : i32 to vector<16xi32>
        %ge3A_368 = arith.cmpi sge, %add3A_366, %ge3A_367 : vector<16xi32>
        %lt3A_369 = vector.broadcast %min3A : i32 to vector<16xi32>
        %lt3A_370 = arith.cmpi slt, %add3A_366, %lt3A_369 : vector<16xi32>
        %and3A_371 = arith.andi %ge3A_368, %lt3A_370 : vector<16xi1>
        %broadcast_in_dim3A_372 = vector.broadcast %add3A_7 : i32 to vector<16xi32>
        %select_n3A_373 = arith.select %and3A_371, %get3A_362, %broadcast_in_dim3A_372 : vector<16xi1>, vector<16xi32>
        %swap3A_374 = arith.constant 288 : index
        %swap3A_375 = tpu.vector_load %arg11[%swap3A_374] {strides = array<i32>} : memref<512xi32, #tpu.memory_space<vmem>>, vector<16xi32>,
        tpu.vector_store %arg11[%swap3A_374], %select_n3A_373 {strides = array<i32>} : memref<512xi32, #tpu.memory_space<vmem>>, vector<16xi32>,
        %get3A_376 = arith.constant 304 : index
        %get3A_377 = tpu.vector_load %arg9[%get3A_376] {strides = array<i32>} : memref<512xi32, #tpu.memory_space<vmem>>, vector<16xi32>,
        %add3A_378 = arith.constant 304 : i32
        %add3A_379 = arith.addi %multiple_of3A_93, %add3A_378 : i32
        %add3A_380 = vector.broadcast %add3A_379 : i32 to vector<16xi32>
        %add3A_381 = arith.addi %add3A_380, %iota3A : vector<16xi32>
        %ge3A_382 = vector.broadcast %add3A_91 : i32 to vector<16xi32>
        %ge3A_383 = arith.cmpi sge, %add3A_381, %ge3A_382 : vector<16xi32>
        %lt3A_384 = vector.broadcast %min3A : i32 to vector<16xi32>
        %lt3A_385 = arith.cmpi slt, %add3A_381, %lt3A_384 : vector<16xi32>
        %and3A_386 = arith.andi %ge3A_383, %lt3A_385 : vector<16xi1>
        %broadcast_in_dim3A_387 = vector.broadcast %add3A_7 : i32 to vector<16xi32>
        %select_n3A_388 = arith.select %and3A_386, %get3A_377, %broadcast_in_dim3A_387 : vector<16xi1>, vector<16xi32>
        %swap3A_389 = arith.constant 304 : index
        %swap3A_390 = tpu.vector_load %arg11[%swap3A_389] {strides = array<i32>} : memref<512xi32, #tpu.memory_space<vmem>>, vector<16xi32>,
        tpu.vector_store %arg11[%swap3A_389], %select_n3A_388 {strides = array<i32>} : memref<512xi32, #tpu.memory_space<vmem>>, vector<16xi32>,
        %get3A_391 = arith.constant 320 : index
        %get3A_392 = tpu.vector_load %arg9[%get3A_391] {strides = array<i32>} : memref<512xi32, #tpu.memory_space<vmem>>, vector<16xi32>,
        %add3A_393 = arith.constant 320 : i32
        %add3A_394 = arith.addi %multiple_of3A_93, %add3A_393 : i32
        %add3A_395 = vector.broadcast %add3A_394 : i32 to vector<16xi32>
        %add3A_396 = arith.addi %add3A_395, %iota3A : vector<16xi32>
        %ge3A_397 = vector.broadcast %add3A_91 : i32 to vector<16xi32>
        %ge3A_398 = arith.cmpi sge, %add3A_396, %ge3A_397 : vector<16xi32>
        %lt3A_399 = vector.broadcast %min3A : i32 to vector<16xi32>
        %lt3A_400 = arith.cmpi slt, %add3A_396, %lt3A_399 : vector<16xi32>
        %and3A_401 = arith.andi %ge3A_398, %lt3A_400 : vector<16xi1>
        %broadcast_in_dim3A_402 = vector.broadcast %add3A_7 : i32 to vector<16xi32>
        %select_n3A_403 = arith.select %and3A_401, %get3A_392, %broadcast_in_dim3A_402 : vector<16xi1>, vector<16xi32>
        %swap3A_404 = arith.constant 320 : index
        %swap3A_405 = tpu.vector_load %arg11[%swap3A_404] {strides = array<i32>} : memref<512xi32, #tpu.memory_space<vmem>>, vector<16xi32>,
        tpu.vector_store %arg11[%swap3A_404], %select_n3A_403 {strides = array<i32>} : memref<512xi32, #tpu.memory_space<vmem>>, vector<16xi32>,
        %get3A_406 = arith.constant 336 : index
        %get3A_407 = tpu.vector_load %arg9[%get3A_406] {strides = array<i32>} : memref<512xi32, #tpu.memory_space<vmem>>, vector<16xi32>,
        %add3A_408 = arith.constant 336 : i32
        %add3A_409 = arith.addi %multiple_of3A_93, %add3A_408 : i32
        %add3A_410 = vector.broadcast %add3A_409 : i32 to vector<16xi32>
        %add3A_411 = arith.addi %add3A_410, %iota3A : vector<16xi32>
        %ge3A_412 = vector.broadcast %add3A_91 : i32 to vector<16xi32>
        %ge3A_413 = arith.cmpi sge, %add3A_411, %ge3A_412 : vector<16xi32>
        %lt3A_414 = vector.broadcast %min3A : i32 to vector<16xi32>
        %lt3A_415 = arith.cmpi slt, %add3A_411, %lt3A_414 : vector<16xi32>
        %and3A_416 = arith.andi %ge3A_413, %lt3A_415 : vector<16xi1>
        %broadcast_in_dim3A_417 = vector.broadcast %add3A_7 : i32 to vector<16xi32>
        %select_n3A_418 = arith.select %and3A_416, %get3A_407, %broadcast_in_dim3A_417 : vector<16xi1>, vector<16xi32>
        %swap3A_419 = arith.constant 336 : index
        %swap3A_420 = tpu.vector_load %arg11[%swap3A_419] {strides = array<i32>} : memref<512xi32, #tpu.memory_space<vmem>>, vector<16xi32>,
        tpu.vector_store %arg11[%swap3A_419], %select_n3A_418 {strides = array<i32>} : memref<512xi32, #tpu.memory_space<vmem>>, vector<16xi32>,
        %get3A_421 = arith.constant 352 : index
        %get3A_422 = tpu.vector_load %arg9[%get3A_421] {strides = array<i32>} : memref<512xi32, #tpu.memory_space<vmem>>, vector<16xi32>,
        %add3A_423 = arith.constant 352 : i32
        %add3A_424 = arith.addi %multiple_of3A_93, %add3A_423 : i32
        %add3A_425 = vector.broadcast %add3A_424 : i32 to vector<16xi32>
        %add3A_426 = arith.addi %add3A_425, %iota3A : vector<16xi32>
        %ge3A_427 = vector.broadcast %add3A_91 : i32 to vector<16xi32>
        %ge3A_428 = arith.cmpi sge, %add3A_426, %ge3A_427 : vector<16xi32>
        %lt3A_429 = vector.broadcast %min3A : i32 to vector<16xi32>
        %lt3A_430 = arith.cmpi slt, %add3A_426, %lt3A_429 : vector<16xi32>
        %and3A_431 = arith.andi %ge3A_428, %lt3A_430 : vector<16xi1>
        %broadcast_in_dim3A_432 = vector.broadcast %add3A_7 : i32 to vector<16xi32>
        %select_n3A_433 = arith.select %and3A_431, %get3A_422, %broadcast_in_dim3A_432 : vector<16xi1>, vector<16xi32>
        %swap3A_434 = arith.constant 352 : index
        %swap3A_435 = tpu.vector_load %arg11[%swap3A_434] {strides = array<i32>} : memref<512xi32, #tpu.memory_space<vmem>>, vector<16xi32>,
        tpu.vector_store %arg11[%swap3A_434], %select_n3A_433 {strides = array<i32>} : memref<512xi32, #tpu.memory_space<vmem>>, vector<16xi32>,
        %get3A_436 = arith.constant 368 : index
        %get3A_437 = tpu.vector_load %arg9[%get3A_436] {strides = array<i32>} : memref<512xi32, #tpu.memory_space<vmem>>, vector<16xi32>,
        %add3A_438 = arith.constant 368 : i32
        %add3A_439 = arith.addi %multiple_of3A_93, %add3A_438 : i32
        %add3A_440 = vector.broadcast %add3A_439 : i32 to vector<16xi32>
        %add3A_441 = arith.addi %add3A_440, %iota3A : vector<16xi32>
        %ge3A_442 = vector.broadcast %add3A_91 : i32 to vector<16xi32>
        %ge3A_443 = arith.cmpi sge, %add3A_441, %ge3A_442 : vector<16xi32>
        %lt3A_444 = vector.broadcast %min3A : i32 to vector<16xi32>
        %lt3A_445 = arith.cmpi slt, %add3A_441, %lt3A_444 : vector<16xi32>
        %and3A_446 = arith.andi %ge3A_443, %lt3A_445 : vector<16xi1>
        %broadcast_in_dim3A_447 = vector.broadcast %add3A_7 : i32 to vector<16xi32>
        %select_n3A_448 = arith.select %and3A_446, %get3A_437, %broadcast_in_dim3A_447 : vector<16xi1>, vector<16xi32>
        %swap3A_449 = arith.constant 368 : index
        %swap3A_450 = tpu.vector_load %arg11[%swap3A_449] {strides = array<i32>} : memref<512xi32, #tpu.memory_space<vmem>>, vector<16xi32>,
        tpu.vector_store %arg11[%swap3A_449], %select_n3A_448 {strides = array<i32>} : memref<512xi32, #tpu.memory_space<vmem>>, vector<16xi32>,
        %get3A_451 = arith.constant 384 : index
        %get3A_452 = tpu.vector_load %arg9[%get3A_451] {strides = array<i32>} : memref<512xi32, #tpu.memory_space<vmem>>, vector<16xi32>,
        %add3A_453 = arith.constant 384 : i32
        %add3A_454 = arith.addi %multiple_of3A_93, %add3A_453 : i32
        %add3A_455 = vector.broadcast %add3A_454 : i32 to vector<16xi32>
        %add3A_456 = arith.addi %add3A_455, %iota3A : vector<16xi32>
        %ge3A_457 = vector.broadcast %add3A_91 : i32 to vector<16xi32>
        %ge3A_458 = arith.cmpi sge, %add3A_456, %ge3A_457 : vector<16xi32>
        %lt3A_459 = vector.broadcast %min3A : i32 to vector<16xi32>
        %lt3A_460 = arith.cmpi slt, %add3A_456, %lt3A_459 : vector<16xi32>
        %and3A_461 = arith.andi %ge3A_458, %lt3A_460 : vector<16xi1>
        %broadcast_in_dim3A_462 = vector.broadcast %add3A_7 : i32 to vector<16xi32>
        %select_n3A_463 = arith.select %and3A_461, %get3A_452, %broadcast_in_dim3A_462 : vector<16xi1>, vector<16xi32>
        %swap3A_464 = arith.constant 384 : index
        %swap3A_465 = tpu.vector_load %arg11[%swap3A_464] {strides = array<i32>} : memref<512xi32, #tpu.memory_space<vmem>>, vector<16xi32>,
        tpu.vector_store %arg11[%swap3A_464], %select_n3A_463 {strides = array<i32>} : memref<512xi32, #tpu.memory_space<vmem>>, vector<16xi32>,
        %get3A_466 = arith.constant 400 : index
        %get3A_467 = tpu.vector_load %arg9[%get3A_466] {strides = array<i32>} : memref<512xi32, #tpu.memory_space<vmem>>, vector<16xi32>,
        %add3A_468 = arith.constant 400 : i32
        %add3A_469 = arith.addi %multiple_of3A_93, %add3A_468 : i32
        %add3A_470 = vector.broadcast %add3A_469 : i32 to vector<16xi32>
        %add3A_471 = arith.addi %add3A_470, %iota3A : vector<16xi32>
        %ge3A_472 = vector.broadcast %add3A_91 : i32 to vector<16xi32>
        %ge3A_473 = arith.cmpi sge, %add3A_471, %ge3A_472 : vector<16xi32>
        %lt3A_474 = vector.broadcast %min3A : i32 to vector<16xi32>
        %lt3A_475 = arith.cmpi slt, %add3A_471, %lt3A_474 : vector<16xi32>
        %and3A_476 = arith.andi %ge3A_473, %lt3A_475 : vector<16xi1>
        %broadcast_in_dim3A_477 = vector.broadcast %add3A_7 : i32 to vector<16xi32>
        %select_n3A_478 = arith.select %and3A_476, %get3A_467, %broadcast_in_dim3A_477 : vector<16xi1>, vector<16xi32>
        %swap3A_479 = arith.constant 400 : index
        %swap3A_480 = tpu.vector_load %arg11[%swap3A_479] {strides = array<i32>} : memref<512xi32, #tpu.memory_space<vmem>>, vector<16xi32>,
        tpu.vector_store %arg11[%swap3A_479], %select_n3A_478 {strides = array<i32>} : memref<512xi32, #tpu.memory_space<vmem>>, vector<16xi32>,
        %get3A_481 = arith.constant 416 : index
        %get3A_482 = tpu.vector_load %arg9[%get3A_481] {strides = array<i32>} : memref<512xi32, #tpu.memory_space<vmem>>, vector<16xi32>,
        %add3A_483 = arith.constant 416 : i32
        %add3A_484 = arith.addi %multiple_of3A_93, %add3A_483 : i32
        %add3A_485 = vector.broadcast %add3A_484 : i32 to vector<16xi32>
        %add3A_486 = arith.addi %add3A_485, %iota3A : vector<16xi32>
        %ge3A_487 = vector.broadcast %add3A_91 : i32 to vector<16xi32>
        %ge3A_488 = arith.cmpi sge, %add3A_486, %ge3A_487 : vector<16xi32>
        %lt3A_489 = vector.broadcast %min3A : i32 to vector<16xi32>
        %lt3A_490 = arith.cmpi slt, %add3A_486, %lt3A_489 : vector<16xi32>
        %and3A_491 = arith.andi %ge3A_488, %lt3A_490 : vector<16xi1>
        %broadcast_in_dim3A_492 = vector.broadcast %add3A_7 : i32 to vector<16xi32>
        %select_n3A_493 = arith.select %and3A_491, %get3A_482, %broadcast_in_dim3A_492 : vector<16xi1>, vector<16xi32>
        %swap3A_494 = arith.constant 416 : index
        %swap3A_495 = tpu.vector_load %arg11[%swap3A_494] {strides = array<i32>} : memref<512xi32, #tpu.memory_space<vmem>>, vector<16xi32>,
        tpu.vector_store %arg11[%swap3A_494], %select_n3A_493 {strides = array<i32>} : memref<512xi32, #tpu.memory_space<vmem>>, vector<16xi32>,
        %get3A_496 = arith.constant 432 : index
        %get3A_497 = tpu.vector_load %arg9[%get3A_496] {strides = array<i32>} : memref<512xi32, #tpu.memory_space<vmem>>, vector<16xi32>,
        %add3A_498 = arith.constant 432 : i32
        %add3A_499 = arith.addi %multiple_of3A_93, %add3A_498 : i32
        %add3A_500 = vector.broadcast %add3A_499 : i32 to vector<16xi32>
        %add3A_501 = arith.addi %add3A_500, %iota3A : vector<16xi32>
        %ge3A_502 = vector.broadcast %add3A_91 : i32 to vector<16xi32>
        %ge3A_503 = arith.cmpi sge, %add3A_501, %ge3A_502 : vector<16xi32>
        %lt3A_504 = vector.broadcast %min3A : i32 to vector<16xi32>
        %lt3A_505 = arith.cmpi slt, %add3A_501, %lt3A_504 : vector<16xi32>
        %and3A_506 = arith.andi %ge3A_503, %lt3A_505 : vector<16xi1>
        %broadcast_in_dim3A_507 = vector.broadcast %add3A_7 : i32 to vector<16xi32>
        %select_n3A_508 = arith.select %and3A_506, %get3A_497, %broadcast_in_dim3A_507 : vector<16xi1>, vector<16xi32>
        %swap3A_509 = arith.constant 432 : index
        %swap3A_510 = tpu.vector_load %arg11[%swap3A_509] {strides = array<i32>} : memref<512xi32, #tpu.memory_space<vmem>>, vector<16xi32>,
        tpu.vector_store %arg11[%swap3A_509], %select_n3A_508 {strides = array<i32>} : memref<512xi32, #tpu.memory_space<vmem>>, vector<16xi32>,
        %get3A_511 = arith.constant 448 : index
        %get3A_512 = tpu.vector_load %arg9[%get3A_511] {strides = array<i32>} : memref<512xi32, #tpu.memory_space<vmem>>, vector<16xi32>,
        %add3A_513 = arith.constant 448 : i32
        %add3A_514 = arith.addi %multiple_of3A_93, %add3A_513 : i32
        %add3A_515 = vector.broadcast %add3A_514 : i32 to vector<16xi32>
        %add3A_516 = arith.addi %add3A_515, %iota3A : vector<16xi32>
        %ge3A_517 = vector.broadcast %add3A_91 : i32 to vector<16xi32>
        %ge3A_518 = arith.cmpi sge, %add3A_516, %ge3A_517 : vector<16xi32>
        %lt3A_519 = vector.broadcast %min3A : i32 to vector<16xi32>
        %lt3A_520 = arith.cmpi slt, %add3A_516, %lt3A_519 : vector<16xi32>
        %and3A_521 = arith.andi %ge3A_518, %lt3A_520 : vector<16xi1>
        %broadcast_in_dim3A_522 = vector.broadcast %add3A_7 : i32 to vector<16xi32>
        %select_n3A_523 = arith.select %and3A_521, %get3A_512, %broadcast_in_dim3A_522 : vector<16xi1>, vector<16xi32>
        %swap3A_524 = arith.constant 448 : index
        %swap3A_525 = tpu.vector_load %arg11[%swap3A_524] {strides = array<i32>} : memref<512xi32, #tpu.memory_space<vmem>>, vector<16xi32>,
        tpu.vector_store %arg11[%swap3A_524], %select_n3A_523 {strides = array<i32>} : memref<512xi32, #tpu.memory_space<vmem>>, vector<16xi32>,
        %get3A_526 = arith.constant 464 : index
        %get3A_527 = tpu.vector_load %arg9[%get3A_526] {strides = array<i32>} : memref<512xi32, #tpu.memory_space<vmem>>, vector<16xi32>,
        %add3A_528 = arith.constant 464 : i32
        %add3A_529 = arith.addi %multiple_of3A_93, %add3A_528 : i32
        %add3A_530 = vector.broadcast %add3A_529 : i32 to vector<16xi32>
        %add3A_531 = arith.addi %add3A_530, %iota3A : vector<16xi32>
        %ge3A_532 = vector.broadcast %add3A_91 : i32 to vector<16xi32>
        %ge3A_533 = arith.cmpi sge, %add3A_531, %ge3A_532 : vector<16xi32>
        %lt3A_534 = vector.broadcast %min3A : i32 to vector<16xi32>
        %lt3A_535 = arith.cmpi slt, %add3A_531, %lt3A_534 : vector<16xi32>
        %and3A_536 = arith.andi %ge3A_533, %lt3A_535 : vector<16xi1>
        %broadcast_in_dim3A_537 = vector.broadcast %add3A_7 : i32 to vector<16xi32>
        %select_n3A_538 = arith.select %and3A_536, %get3A_527, %broadcast_in_dim3A_537 : vector<16xi1>, vector<16xi32>
        %swap3A_539 = arith.constant 464 : index
        %swap3A_540 = tpu.vector_load %arg11[%swap3A_539] {strides = array<i32>} : memref<512xi32, #tpu.memory_space<vmem>>, vector<16xi32>,
        tpu.vector_store %arg11[%swap3A_539], %select_n3A_538 {strides = array<i32>} : memref<512xi32, #tpu.memory_space<vmem>>, vector<16xi32>,
        %get3A_541 = arith.constant 480 : index
        %get3A_542 = tpu.vector_load %arg9[%get3A_541] {strides = array<i32>} : memref<512xi32, #tpu.memory_space<vmem>>, vector<16xi32>,
        %add3A_543 = arith.constant 480 : i32
        %add3A_544 = arith.addi %multiple_of3A_93, %add3A_543 : i32
        %add3A_545 = vector.broadcast %add3A_544 : i32 to vector<16xi32>
        %add3A_546 = arith.addi %add3A_545, %iota3A : vector<16xi32>
        %ge3A_547 = vector.broadcast %add3A_91 : i32 to vector<16xi32>
        %ge3A_548 = arith.cmpi sge, %add3A_546, %ge3A_547 : vector<16xi32>
        %lt3A_549 = vector.broadcast %min3A : i32 to vector<16xi32>
        %lt3A_550 = arith.cmpi slt, %add3A_546, %lt3A_549 : vector<16xi32>
        %and3A_551 = arith.andi %ge3A_548, %lt3A_550 : vector<16xi1>
        %broadcast_in_dim3A_552 = vector.broadcast %add3A_7 : i32 to vector<16xi32>
        %select_n3A_553 = arith.select %and3A_551, %get3A_542, %broadcast_in_dim3A_552 : vector<16xi1>, vector<16xi32>
        %swap3A_554 = arith.constant 480 : index
        %swap3A_555 = tpu.vector_load %arg11[%swap3A_554] {strides = array<i32>} : memref<512xi32, #tpu.memory_space<vmem>>, vector<16xi32>,
        tpu.vector_store %arg11[%swap3A_554], %select_n3A_553 {strides = array<i32>} : memref<512xi32, #tpu.memory_space<vmem>>, vector<16xi32>,
        %get3A_556 = arith.constant 496 : index
        %get3A_557 = tpu.vector_load %arg9[%get3A_556] {strides = array<i32>} : memref<512xi32, #tpu.memory_space<vmem>>, vector<16xi32>,
        %add3A_558 = arith.constant 496 : i32
        %add3A_559 = arith.addi %multiple_of3A_93, %add3A_558 : i32
        %add3A_560 = vector.broadcast %add3A_559 : i32 to vector<16xi32>
        %add3A_561 = arith.addi %add3A_560, %iota3A : vector<16xi32>
        %ge3A_562 = vector.broadcast %add3A_91 : i32 to vector<16xi32>
        %ge3A_563 = arith.cmpi sge, %add3A_561, %ge3A_562 : vector<16xi32>
        %lt3A_564 = vector.broadcast %min3A : i32 to vector<16xi32>
        %lt3A_565 = arith.cmpi slt, %add3A_561, %lt3A_564 : vector<16xi32>
        %and3A_566 = arith.andi %ge3A_563, %lt3A_565 : vector<16xi1>
        %broadcast_in_dim3A_567 = vector.broadcast %add3A_7 : i32 to vector<16xi32>
        %select_n3A_568 = arith.select %and3A_566, %get3A_557, %broadcast_in_dim3A_567 : vector<16xi1>, vector<16xi32>
        %swap3A_569 = arith.constant 496 : index
        %swap3A_570 = tpu.vector_load %arg11[%swap3A_569] {strides = array<i32>} : memref<512xi32, #tpu.memory_space<vmem>>, vector<16xi32>,
        tpu.vector_store %arg11[%swap3A_569], %select_n3A_568 {strides = array<i32>} : memref<512xi32, #tpu.memory_space<vmem>>, vector<16xi32>,
        "tpu.region"() ({
          %run_scoped3A = tpu.sem_alloc : memref<!tpu.dma_semaphore, #tpu.memory_space<semaphore_mem>>
          %dma_start3A = arith.constant 0 : i32
          %dma_start3A_573 = tpu.memref_slice %arg6[%dma_start3A] : memref<640016xf32, #tpu.memory_space<vmem_shared>> -> memref<640016xf32, #tpu.memory_space<vmem_shared>>
          tpu.enqueue_indirect_dma source(%arg10 : memref<512xf32, #tpu.memory_space<vmem>>) target(%dma_start3A_573 : memref<640016xf32, #tpu.memory_space<vmem_shared>>) offsets(%arg11 : memref<512xi32, #tpu.memory_space<vmem>>) semaphore(%run_scoped3A : memref<!tpu.dma_semaphore, #tpu.memory_space<semaphore_mem>>) {add = true}
          %dma_wait3A = arith.constant 0 : i32
          %dma_wait3A_574 = tpu.memref_slice %arg6[%dma_wait3A] : memref<640016xf32, #tpu.memory_space<vmem_shared>> -> memref<640016xf32, #tpu.memory_space<vmem_shared>>
          tpu.wait_indirect_dma semaphore(%run_scoped3A : memref<!tpu.dma_semaphore, #tpu.memory_space<semaphore_mem>>) src(%arg10 : memref<512xf32, #tpu.memory_space<vmem>>) dst(%dma_wait3A_574 : memref<640016xf32, #tpu.memory_space<vmem_shared>>)
          tpu.yield
        }) : () -> ()
        %add3A_571 = arith.constant 1 : i32
        %add3A_572 = arith.addi %while3A_88, %add3A_571 : i32
        scf.yield %add3A_572 : i32
      }
      %mul3A_47 = arith.constant 2 : i32
      %mul3A_48 = arith.muli %mul3A_47, %arg1 : i32
      %add3A_49 = arith.constant 1 : i32
      %add3A_50 = arith.addi %mul3A_48, %add3A_49 : i32
      %broadcast_in_dim3A_51 = vector.broadcast %add3A_50 : i32 to vector<16xi32>
      %broadcast_in_dim3A_52 = vector.broadcast %add3A_18 : i32 to vector<16xi32>
      %gather3A_53 = tpu.vector_load_idx %arg8[%broadcast_in_dim3A_51, %broadcast_in_dim3A_52] : memref<32x176xi32, #tpu.memory_space<vmem>>[vector<16xi32>, vector<16xi32>], vector<16xi32>,
      %reduce_max3A_54 = arith.constant true
      %reduce_max3A_55 = vector.broadcast %reduce_max3A_54 : i1 to vector<16xi1>
      %reduce_max3A_56 = arith.constant -2147483648 : i32
      %reduce_max3A_57 = vector.broadcast %reduce_max3A_56 : i32 to vector<16xi32>
      %reduce_max3A_58 = arith.xori %gather3A_53, %reduce_max3A_57 : vector<16xi32>
      %reduce_max3A_59 = tpu.scan <max>, %reduce_max3A_58 masked %reduce_max3A_55 : vector<16xi32>, vector<16xi1> -> vector<16xi32>
      %reduce_max3A_60 = arith.xori %reduce_max3A_59, %reduce_max3A_57 : vector<16xi32>
      %reduce_max3A_61 = vector.extract %reduce_max3A_60[15] : i32 from vector<16xi32>
      %add3A_62 = arith.constant 1 : i32
      %add3A_63 = arith.addi %add3A_18, %add3A_62 : i32
      %broadcast_in_dim3A_64 = vector.broadcast %add3A_63 : i32 to vector<16xi32>
      %gather3A_65 = tpu.vector_load_idx %arg8[%broadcast_in_dim3A_51, %broadcast_in_dim3A_64] : memref<32x176xi32, #tpu.memory_space<vmem>>[vector<16xi32>, vector<16xi32>], vector<16xi32>,
      %reduce_max3A_66 = arith.constant true
      %reduce_max3A_67 = vector.broadcast %reduce_max3A_66 : i1 to vector<16xi1>
      %reduce_max3A_68 = arith.constant -2147483648 : i32
      %reduce_max3A_69 = vector.broadcast %reduce_max3A_68 : i32 to vector<16xi32>
      %reduce_max3A_70 = arith.xori %gather3A_65, %reduce_max3A_69 : vector<16xi32>
      %reduce_max3A_71 = tpu.scan <max>, %reduce_max3A_70 masked %reduce_max3A_67 : vector<16xi32>, vector<16xi1> -> vector<16xi32>
      %reduce_max3A_72 = arith.xori %reduce_max3A_71, %reduce_max3A_69 : vector<16xi32>
      %reduce_max3A_73 = vector.extract %reduce_max3A_72[15] : i32 from vector<16xi32>
      %while3A_74 = arith.constant 0 : i32
      %while3A_75 = scf.while (%while3A_88 = %while3A_74) : (i32) -> i32 {
        %mul3A_89 = arith.constant 496 : i32
        %mul3A_90 = arith.muli %while3A_88, %mul3A_89 : i32
        %add3A_91 = arith.addi %reduce_max3A_61, %mul3A_90 : i32
        %lt3A = arith.cmpi slt, %add3A_91, %reduce_max3A_73 : i32
        scf.condition(%lt3A) %while3A_88 : i32
      } do {
      ^bb0(%while3A_88: i32):
        %mul3A_89 = arith.constant 496 : i32
        %mul3A_90 = arith.muli %while3A_88, %mul3A_89 : i32
        %add3A_91 = arith.addi %reduce_max3A_61, %mul3A_90 : i32
        %and3A = arith.constant -8 : i32
        %and3A_92 = arith.andi %add3A_91, %and3A : i32
        %multiple_of3A_93 = tpu.assume_multiple %and3A_92, 8 : i32
        "tpu.region"() ({
          %run_scoped3A = tpu.sem_alloc : memref<!tpu.dma_semaphore, #tpu.memory_space<semaphore_mem>>
          %dma_start3A = tpu.memref_slice %arg2[%multiple_of3A_93] : memref<1281024xi32, #tpu.memory_space<hbm>> -> memref<512xi32, #tpu.memory_space<hbm>>
          %dma_start3A_573 = tpu.memref_slice %arg2[%multiple_of3A_93] : memref<1281024xi32, #tpu.memory_space<hbm>> -> memref<512xi32, #tpu.memory_space<hbm>>
          tpu.enqueue_dma source(%dma_start3A_573 : memref<512xi32, #tpu.memory_space<hbm>>) target(%arg9 : memref<512xi32, #tpu.memory_space<vmem>>) target_semaphore(%run_scoped3A : memref<!tpu.dma_semaphore, #tpu.memory_space<semaphore_mem>>)
          %dma_wait3A = tpu.memref_slice %arg2[%multiple_of3A_93] : memref<1281024xi32, #tpu.memory_space<hbm>> -> memref<512xi32, #tpu.memory_space<hbm>>
          %dma_wait3A_574 = tpu.memref_slice %arg2[%multiple_of3A_93] : memref<1281024xi32, #tpu.memory_space<hbm>> -> memref<512xi32, #tpu.memory_space<hbm>>
          tpu.wait_dma2 semaphore(%run_scoped3A : memref<!tpu.dma_semaphore, #tpu.memory_space<semaphore_mem>>) src(%dma_wait3A_574 : memref<512xi32, #tpu.memory_space<hbm>>) dst(%arg9 : memref<512xi32, #tpu.memory_space<vmem>>)
          tpu.yield
        }) : () -> ()
        "tpu.region"() ({
          %run_scoped3A = tpu.sem_alloc : memref<!tpu.dma_semaphore, #tpu.memory_space<semaphore_mem>>
          %dma_start3A = tpu.memref_slice %arg3[%multiple_of3A_93] : memref<1281024xf32, #tpu.memory_space<hbm>> -> memref<512xf32, #tpu.memory_space<hbm>>
          %dma_start3A_573 = tpu.memref_slice %arg3[%multiple_of3A_93] : memref<1281024xf32, #tpu.memory_space<hbm>> -> memref<512xf32, #tpu.memory_space<hbm>>
          tpu.enqueue_dma source(%dma_start3A_573 : memref<512xf32, #tpu.memory_space<hbm>>) target(%arg10 : memref<512xf32, #tpu.memory_space<vmem>>) target_semaphore(%run_scoped3A : memref<!tpu.dma_semaphore, #tpu.memory_space<semaphore_mem>>)
          %dma_wait3A = tpu.memref_slice %arg3[%multiple_of3A_93] : memref<1281024xf32, #tpu.memory_space<hbm>> -> memref<512xf32, #tpu.memory_space<hbm>>
          %dma_wait3A_574 = tpu.memref_slice %arg3[%multiple_of3A_93] : memref<1281024xf32, #tpu.memory_space<hbm>> -> memref<512xf32, #tpu.memory_space<hbm>>
          tpu.wait_dma2 semaphore(%run_scoped3A : memref<!tpu.dma_semaphore, #tpu.memory_space<semaphore_mem>>) src(%dma_wait3A_574 : memref<512xf32, #tpu.memory_space<hbm>>) dst(%arg10 : memref<512xf32, #tpu.memory_space<vmem>>)
          tpu.yield
        }) : () -> ()
        %add3A_94 = arith.constant 496 : i32
        %add3A_95 = arith.addi %add3A_91, %add3A_94 : i32
        %min3A = arith.minsi %add3A_95, %reduce_max3A_73 : i32
        %get3A = arith.constant 0 : index
        %get3A_96 = tpu.vector_load %arg9[%get3A] {strides = array<i32>} : memref<512xi32, #tpu.memory_space<vmem>>, vector<16xi32>,
        %add3A_97 = arith.constant 0 : i32
        %add3A_98 = arith.addi %multiple_of3A_93, %add3A_97 : i32
        %add3A_99 = vector.broadcast %add3A_98 : i32 to vector<16xi32>
        %add3A_100 = arith.addi %add3A_99, %iota3A : vector<16xi32>
        %ge3A = vector.broadcast %add3A_91 : i32 to vector<16xi32>
        %ge3A_101 = arith.cmpi sge, %add3A_100, %ge3A : vector<16xi32>
        %lt3A = vector.broadcast %min3A : i32 to vector<16xi32>
        %lt3A_102 = arith.cmpi slt, %add3A_100, %lt3A : vector<16xi32>
        %and3A_103 = arith.andi %ge3A_101, %lt3A_102 : vector<16xi1>
        %broadcast_in_dim3A_104 = vector.broadcast %add3A_7 : i32 to vector<16xi32>
        %select_n3A = arith.select %and3A_103, %get3A_96, %broadcast_in_dim3A_104 : vector<16xi1>, vector<16xi32>
        %swap3A = arith.constant 0 : index
        %swap3A_105 = tpu.vector_load %arg11[%swap3A] {strides = array<i32>} : memref<512xi32, #tpu.memory_space<vmem>>, vector<16xi32>,
        tpu.vector_store %arg11[%swap3A], %select_n3A {strides = array<i32>} : memref<512xi32, #tpu.memory_space<vmem>>, vector<16xi32>,
        %get3A_106 = arith.constant 16 : index
        %get3A_107 = tpu.vector_load %arg9[%get3A_106] {strides = array<i32>} : memref<512xi32, #tpu.memory_space<vmem>>, vector<16xi32>,
        %add3A_108 = arith.constant 16 : i32
        %add3A_109 = arith.addi %multiple_of3A_93, %add3A_108 : i32
        %add3A_110 = vector.broadcast %add3A_109 : i32 to vector<16xi32>
        %add3A_111 = arith.addi %add3A_110, %iota3A : vector<16xi32>
        %ge3A_112 = vector.broadcast %add3A_91 : i32 to vector<16xi32>
        %ge3A_113 = arith.cmpi sge, %add3A_111, %ge3A_112 : vector<16xi32>
        %lt3A_114 = vector.broadcast %min3A : i32 to vector<16xi32>
        %lt3A_115 = arith.cmpi slt, %add3A_111, %lt3A_114 : vector<16xi32>
        %and3A_116 = arith.andi %ge3A_113, %lt3A_115 : vector<16xi1>
        %broadcast_in_dim3A_117 = vector.broadcast %add3A_7 : i32 to vector<16xi32>
        %select_n3A_118 = arith.select %and3A_116, %get3A_107, %broadcast_in_dim3A_117 : vector<16xi1>, vector<16xi32>
        %swap3A_119 = arith.constant 16 : index
        %swap3A_120 = tpu.vector_load %arg11[%swap3A_119] {strides = array<i32>} : memref<512xi32, #tpu.memory_space<vmem>>, vector<16xi32>,
        tpu.vector_store %arg11[%swap3A_119], %select_n3A_118 {strides = array<i32>} : memref<512xi32, #tpu.memory_space<vmem>>, vector<16xi32>,
        %get3A_121 = arith.constant 32 : index
        %get3A_122 = tpu.vector_load %arg9[%get3A_121] {strides = array<i32>} : memref<512xi32, #tpu.memory_space<vmem>>, vector<16xi32>,
        %add3A_123 = arith.constant 32 : i32
        %add3A_124 = arith.addi %multiple_of3A_93, %add3A_123 : i32
        %add3A_125 = vector.broadcast %add3A_124 : i32 to vector<16xi32>
        %add3A_126 = arith.addi %add3A_125, %iota3A : vector<16xi32>
        %ge3A_127 = vector.broadcast %add3A_91 : i32 to vector<16xi32>
        %ge3A_128 = arith.cmpi sge, %add3A_126, %ge3A_127 : vector<16xi32>
        %lt3A_129 = vector.broadcast %min3A : i32 to vector<16xi32>
        %lt3A_130 = arith.cmpi slt, %add3A_126, %lt3A_129 : vector<16xi32>
        %and3A_131 = arith.andi %ge3A_128, %lt3A_130 : vector<16xi1>
        %broadcast_in_dim3A_132 = vector.broadcast %add3A_7 : i32 to vector<16xi32>
        %select_n3A_133 = arith.select %and3A_131, %get3A_122, %broadcast_in_dim3A_132 : vector<16xi1>, vector<16xi32>
        %swap3A_134 = arith.constant 32 : index
        %swap3A_135 = tpu.vector_load %arg11[%swap3A_134] {strides = array<i32>} : memref<512xi32, #tpu.memory_space<vmem>>, vector<16xi32>,
        tpu.vector_store %arg11[%swap3A_134], %select_n3A_133 {strides = array<i32>} : memref<512xi32, #tpu.memory_space<vmem>>, vector<16xi32>,
        %get3A_136 = arith.constant 48 : index
        %get3A_137 = tpu.vector_load %arg9[%get3A_136] {strides = array<i32>} : memref<512xi32, #tpu.memory_space<vmem>>, vector<16xi32>,
        %add3A_138 = arith.constant 48 : i32
        %add3A_139 = arith.addi %multiple_of3A_93, %add3A_138 : i32
        %add3A_140 = vector.broadcast %add3A_139 : i32 to vector<16xi32>
        %add3A_141 = arith.addi %add3A_140, %iota3A : vector<16xi32>
        %ge3A_142 = vector.broadcast %add3A_91 : i32 to vector<16xi32>
        %ge3A_143 = arith.cmpi sge, %add3A_141, %ge3A_142 : vector<16xi32>
        %lt3A_144 = vector.broadcast %min3A : i32 to vector<16xi32>
        %lt3A_145 = arith.cmpi slt, %add3A_141, %lt3A_144 : vector<16xi32>
        %and3A_146 = arith.andi %ge3A_143, %lt3A_145 : vector<16xi1>
        %broadcast_in_dim3A_147 = vector.broadcast %add3A_7 : i32 to vector<16xi32>
        %select_n3A_148 = arith.select %and3A_146, %get3A_137, %broadcast_in_dim3A_147 : vector<16xi1>, vector<16xi32>
        %swap3A_149 = arith.constant 48 : index
        %swap3A_150 = tpu.vector_load %arg11[%swap3A_149] {strides = array<i32>} : memref<512xi32, #tpu.memory_space<vmem>>, vector<16xi32>,
        tpu.vector_store %arg11[%swap3A_149], %select_n3A_148 {strides = array<i32>} : memref<512xi32, #tpu.memory_space<vmem>>, vector<16xi32>,
        %get3A_151 = arith.constant 64 : index
        %get3A_152 = tpu.vector_load %arg9[%get3A_151] {strides = array<i32>} : memref<512xi32, #tpu.memory_space<vmem>>, vector<16xi32>,
        %add3A_153 = arith.constant 64 : i32
        %add3A_154 = arith.addi %multiple_of3A_93, %add3A_153 : i32
        %add3A_155 = vector.broadcast %add3A_154 : i32 to vector<16xi32>
        %add3A_156 = arith.addi %add3A_155, %iota3A : vector<16xi32>
        %ge3A_157 = vector.broadcast %add3A_91 : i32 to vector<16xi32>
        %ge3A_158 = arith.cmpi sge, %add3A_156, %ge3A_157 : vector<16xi32>
        %lt3A_159 = vector.broadcast %min3A : i32 to vector<16xi32>
        %lt3A_160 = arith.cmpi slt, %add3A_156, %lt3A_159 : vector<16xi32>
        %and3A_161 = arith.andi %ge3A_158, %lt3A_160 : vector<16xi1>
        %broadcast_in_dim3A_162 = vector.broadcast %add3A_7 : i32 to vector<16xi32>
        %select_n3A_163 = arith.select %and3A_161, %get3A_152, %broadcast_in_dim3A_162 : vector<16xi1>, vector<16xi32>
        %swap3A_164 = arith.constant 64 : index
        %swap3A_165 = tpu.vector_load %arg11[%swap3A_164] {strides = array<i32>} : memref<512xi32, #tpu.memory_space<vmem>>, vector<16xi32>,
        tpu.vector_store %arg11[%swap3A_164], %select_n3A_163 {strides = array<i32>} : memref<512xi32, #tpu.memory_space<vmem>>, vector<16xi32>,
        %get3A_166 = arith.constant 80 : index
        %get3A_167 = tpu.vector_load %arg9[%get3A_166] {strides = array<i32>} : memref<512xi32, #tpu.memory_space<vmem>>, vector<16xi32>,
        %add3A_168 = arith.constant 80 : i32
        %add3A_169 = arith.addi %multiple_of3A_93, %add3A_168 : i32
        %add3A_170 = vector.broadcast %add3A_169 : i32 to vector<16xi32>
        %add3A_171 = arith.addi %add3A_170, %iota3A : vector<16xi32>
        %ge3A_172 = vector.broadcast %add3A_91 : i32 to vector<16xi32>
        %ge3A_173 = arith.cmpi sge, %add3A_171, %ge3A_172 : vector<16xi32>
        %lt3A_174 = vector.broadcast %min3A : i32 to vector<16xi32>
        %lt3A_175 = arith.cmpi slt, %add3A_171, %lt3A_174 : vector<16xi32>
        %and3A_176 = arith.andi %ge3A_173, %lt3A_175 : vector<16xi1>
        %broadcast_in_dim3A_177 = vector.broadcast %add3A_7 : i32 to vector<16xi32>
        %select_n3A_178 = arith.select %and3A_176, %get3A_167, %broadcast_in_dim3A_177 : vector<16xi1>, vector<16xi32>
        %swap3A_179 = arith.constant 80 : index
        %swap3A_180 = tpu.vector_load %arg11[%swap3A_179] {strides = array<i32>} : memref<512xi32, #tpu.memory_space<vmem>>, vector<16xi32>,
        tpu.vector_store %arg11[%swap3A_179], %select_n3A_178 {strides = array<i32>} : memref<512xi32, #tpu.memory_space<vmem>>, vector<16xi32>,
        %get3A_181 = arith.constant 96 : index
        %get3A_182 = tpu.vector_load %arg9[%get3A_181] {strides = array<i32>} : memref<512xi32, #tpu.memory_space<vmem>>, vector<16xi32>,
        %add3A_183 = arith.constant 96 : i32
        %add3A_184 = arith.addi %multiple_of3A_93, %add3A_183 : i32
        %add3A_185 = vector.broadcast %add3A_184 : i32 to vector<16xi32>
        %add3A_186 = arith.addi %add3A_185, %iota3A : vector<16xi32>
        %ge3A_187 = vector.broadcast %add3A_91 : i32 to vector<16xi32>
        %ge3A_188 = arith.cmpi sge, %add3A_186, %ge3A_187 : vector<16xi32>
        %lt3A_189 = vector.broadcast %min3A : i32 to vector<16xi32>
        %lt3A_190 = arith.cmpi slt, %add3A_186, %lt3A_189 : vector<16xi32>
        %and3A_191 = arith.andi %ge3A_188, %lt3A_190 : vector<16xi1>
        %broadcast_in_dim3A_192 = vector.broadcast %add3A_7 : i32 to vector<16xi32>
        %select_n3A_193 = arith.select %and3A_191, %get3A_182, %broadcast_in_dim3A_192 : vector<16xi1>, vector<16xi32>
        %swap3A_194 = arith.constant 96 : index
        %swap3A_195 = tpu.vector_load %arg11[%swap3A_194] {strides = array<i32>} : memref<512xi32, #tpu.memory_space<vmem>>, vector<16xi32>,
        tpu.vector_store %arg11[%swap3A_194], %select_n3A_193 {strides = array<i32>} : memref<512xi32, #tpu.memory_space<vmem>>, vector<16xi32>,
        %get3A_196 = arith.constant 112 : index
        %get3A_197 = tpu.vector_load %arg9[%get3A_196] {strides = array<i32>} : memref<512xi32, #tpu.memory_space<vmem>>, vector<16xi32>,
        %add3A_198 = arith.constant 112 : i32
        %add3A_199 = arith.addi %multiple_of3A_93, %add3A_198 : i32
        %add3A_200 = vector.broadcast %add3A_199 : i32 to vector<16xi32>
        %add3A_201 = arith.addi %add3A_200, %iota3A : vector<16xi32>
        %ge3A_202 = vector.broadcast %add3A_91 : i32 to vector<16xi32>
        %ge3A_203 = arith.cmpi sge, %add3A_201, %ge3A_202 : vector<16xi32>
        %lt3A_204 = vector.broadcast %min3A : i32 to vector<16xi32>
        %lt3A_205 = arith.cmpi slt, %add3A_201, %lt3A_204 : vector<16xi32>
        %and3A_206 = arith.andi %ge3A_203, %lt3A_205 : vector<16xi1>
        %broadcast_in_dim3A_207 = vector.broadcast %add3A_7 : i32 to vector<16xi32>
        %select_n3A_208 = arith.select %and3A_206, %get3A_197, %broadcast_in_dim3A_207 : vector<16xi1>, vector<16xi32>
        %swap3A_209 = arith.constant 112 : index
        %swap3A_210 = tpu.vector_load %arg11[%swap3A_209] {strides = array<i32>} : memref<512xi32, #tpu.memory_space<vmem>>, vector<16xi32>,
        tpu.vector_store %arg11[%swap3A_209], %select_n3A_208 {strides = array<i32>} : memref<512xi32, #tpu.memory_space<vmem>>, vector<16xi32>,
        %get3A_211 = arith.constant 128 : index
        %get3A_212 = tpu.vector_load %arg9[%get3A_211] {strides = array<i32>} : memref<512xi32, #tpu.memory_space<vmem>>, vector<16xi32>,
        %add3A_213 = arith.constant 128 : i32
        %add3A_214 = arith.addi %multiple_of3A_93, %add3A_213 : i32
        %add3A_215 = vector.broadcast %add3A_214 : i32 to vector<16xi32>
        %add3A_216 = arith.addi %add3A_215, %iota3A : vector<16xi32>
        %ge3A_217 = vector.broadcast %add3A_91 : i32 to vector<16xi32>
        %ge3A_218 = arith.cmpi sge, %add3A_216, %ge3A_217 : vector<16xi32>
        %lt3A_219 = vector.broadcast %min3A : i32 to vector<16xi32>
        %lt3A_220 = arith.cmpi slt, %add3A_216, %lt3A_219 : vector<16xi32>
        %and3A_221 = arith.andi %ge3A_218, %lt3A_220 : vector<16xi1>
        %broadcast_in_dim3A_222 = vector.broadcast %add3A_7 : i32 to vector<16xi32>
        %select_n3A_223 = arith.select %and3A_221, %get3A_212, %broadcast_in_dim3A_222 : vector<16xi1>, vector<16xi32>
        %swap3A_224 = arith.constant 128 : index
        %swap3A_225 = tpu.vector_load %arg11[%swap3A_224] {strides = array<i32>} : memref<512xi32, #tpu.memory_space<vmem>>, vector<16xi32>,
        tpu.vector_store %arg11[%swap3A_224], %select_n3A_223 {strides = array<i32>} : memref<512xi32, #tpu.memory_space<vmem>>, vector<16xi32>,
        %get3A_226 = arith.constant 144 : index
        %get3A_227 = tpu.vector_load %arg9[%get3A_226] {strides = array<i32>} : memref<512xi32, #tpu.memory_space<vmem>>, vector<16xi32>,
        %add3A_228 = arith.constant 144 : i32
        %add3A_229 = arith.addi %multiple_of3A_93, %add3A_228 : i32
        %add3A_230 = vector.broadcast %add3A_229 : i32 to vector<16xi32>
        %add3A_231 = arith.addi %add3A_230, %iota3A : vector<16xi32>
        %ge3A_232 = vector.broadcast %add3A_91 : i32 to vector<16xi32>
        %ge3A_233 = arith.cmpi sge, %add3A_231, %ge3A_232 : vector<16xi32>
        %lt3A_234 = vector.broadcast %min3A : i32 to vector<16xi32>
        %lt3A_235 = arith.cmpi slt, %add3A_231, %lt3A_234 : vector<16xi32>
        %and3A_236 = arith.andi %ge3A_233, %lt3A_235 : vector<16xi1>
        %broadcast_in_dim3A_237 = vector.broadcast %add3A_7 : i32 to vector<16xi32>
        %select_n3A_238 = arith.select %and3A_236, %get3A_227, %broadcast_in_dim3A_237 : vector<16xi1>, vector<16xi32>
        %swap3A_239 = arith.constant 144 : index
        %swap3A_240 = tpu.vector_load %arg11[%swap3A_239] {strides = array<i32>} : memref<512xi32, #tpu.memory_space<vmem>>, vector<16xi32>,
        tpu.vector_store %arg11[%swap3A_239], %select_n3A_238 {strides = array<i32>} : memref<512xi32, #tpu.memory_space<vmem>>, vector<16xi32>,
        %get3A_241 = arith.constant 160 : index
        %get3A_242 = tpu.vector_load %arg9[%get3A_241] {strides = array<i32>} : memref<512xi32, #tpu.memory_space<vmem>>, vector<16xi32>,
        %add3A_243 = arith.constant 160 : i32
        %add3A_244 = arith.addi %multiple_of3A_93, %add3A_243 : i32
        %add3A_245 = vector.broadcast %add3A_244 : i32 to vector<16xi32>
        %add3A_246 = arith.addi %add3A_245, %iota3A : vector<16xi32>
        %ge3A_247 = vector.broadcast %add3A_91 : i32 to vector<16xi32>
        %ge3A_248 = arith.cmpi sge, %add3A_246, %ge3A_247 : vector<16xi32>
        %lt3A_249 = vector.broadcast %min3A : i32 to vector<16xi32>
        %lt3A_250 = arith.cmpi slt, %add3A_246, %lt3A_249 : vector<16xi32>
        %and3A_251 = arith.andi %ge3A_248, %lt3A_250 : vector<16xi1>
        %broadcast_in_dim3A_252 = vector.broadcast %add3A_7 : i32 to vector<16xi32>
        %select_n3A_253 = arith.select %and3A_251, %get3A_242, %broadcast_in_dim3A_252 : vector<16xi1>, vector<16xi32>
        %swap3A_254 = arith.constant 160 : index
        %swap3A_255 = tpu.vector_load %arg11[%swap3A_254] {strides = array<i32>} : memref<512xi32, #tpu.memory_space<vmem>>, vector<16xi32>,
        tpu.vector_store %arg11[%swap3A_254], %select_n3A_253 {strides = array<i32>} : memref<512xi32, #tpu.memory_space<vmem>>, vector<16xi32>,
        %get3A_256 = arith.constant 176 : index
        %get3A_257 = tpu.vector_load %arg9[%get3A_256] {strides = array<i32>} : memref<512xi32, #tpu.memory_space<vmem>>, vector<16xi32>,
        %add3A_258 = arith.constant 176 : i32
        %add3A_259 = arith.addi %multiple_of3A_93, %add3A_258 : i32
        %add3A_260 = vector.broadcast %add3A_259 : i32 to vector<16xi32>
        %add3A_261 = arith.addi %add3A_260, %iota3A : vector<16xi32>
        %ge3A_262 = vector.broadcast %add3A_91 : i32 to vector<16xi32>
        %ge3A_263 = arith.cmpi sge, %add3A_261, %ge3A_262 : vector<16xi32>
        %lt3A_264 = vector.broadcast %min3A : i32 to vector<16xi32>
        %lt3A_265 = arith.cmpi slt, %add3A_261, %lt3A_264 : vector<16xi32>
        %and3A_266 = arith.andi %ge3A_263, %lt3A_265 : vector<16xi1>
        %broadcast_in_dim3A_267 = vector.broadcast %add3A_7 : i32 to vector<16xi32>
        %select_n3A_268 = arith.select %and3A_266, %get3A_257, %broadcast_in_dim3A_267 : vector<16xi1>, vector<16xi32>
        %swap3A_269 = arith.constant 176 : index
        %swap3A_270 = tpu.vector_load %arg11[%swap3A_269] {strides = array<i32>} : memref<512xi32, #tpu.memory_space<vmem>>, vector<16xi32>,
        tpu.vector_store %arg11[%swap3A_269], %select_n3A_268 {strides = array<i32>} : memref<512xi32, #tpu.memory_space<vmem>>, vector<16xi32>,
        %get3A_271 = arith.constant 192 : index
        %get3A_272 = tpu.vector_load %arg9[%get3A_271] {strides = array<i32>} : memref<512xi32, #tpu.memory_space<vmem>>, vector<16xi32>,
        %add3A_273 = arith.constant 192 : i32
        %add3A_274 = arith.addi %multiple_of3A_93, %add3A_273 : i32
        %add3A_275 = vector.broadcast %add3A_274 : i32 to vector<16xi32>
        %add3A_276 = arith.addi %add3A_275, %iota3A : vector<16xi32>
        %ge3A_277 = vector.broadcast %add3A_91 : i32 to vector<16xi32>
        %ge3A_278 = arith.cmpi sge, %add3A_276, %ge3A_277 : vector<16xi32>
        %lt3A_279 = vector.broadcast %min3A : i32 to vector<16xi32>
        %lt3A_280 = arith.cmpi slt, %add3A_276, %lt3A_279 : vector<16xi32>
        %and3A_281 = arith.andi %ge3A_278, %lt3A_280 : vector<16xi1>
        %broadcast_in_dim3A_282 = vector.broadcast %add3A_7 : i32 to vector<16xi32>
        %select_n3A_283 = arith.select %and3A_281, %get3A_272, %broadcast_in_dim3A_282 : vector<16xi1>, vector<16xi32>
        %swap3A_284 = arith.constant 192 : index
        %swap3A_285 = tpu.vector_load %arg11[%swap3A_284] {strides = array<i32>} : memref<512xi32, #tpu.memory_space<vmem>>, vector<16xi32>,
        tpu.vector_store %arg11[%swap3A_284], %select_n3A_283 {strides = array<i32>} : memref<512xi32, #tpu.memory_space<vmem>>, vector<16xi32>,
        %get3A_286 = arith.constant 208 : index
        %get3A_287 = tpu.vector_load %arg9[%get3A_286] {strides = array<i32>} : memref<512xi32, #tpu.memory_space<vmem>>, vector<16xi32>,
        %add3A_288 = arith.constant 208 : i32
        %add3A_289 = arith.addi %multiple_of3A_93, %add3A_288 : i32
        %add3A_290 = vector.broadcast %add3A_289 : i32 to vector<16xi32>
        %add3A_291 = arith.addi %add3A_290, %iota3A : vector<16xi32>
        %ge3A_292 = vector.broadcast %add3A_91 : i32 to vector<16xi32>
        %ge3A_293 = arith.cmpi sge, %add3A_291, %ge3A_292 : vector<16xi32>
        %lt3A_294 = vector.broadcast %min3A : i32 to vector<16xi32>
        %lt3A_295 = arith.cmpi slt, %add3A_291, %lt3A_294 : vector<16xi32>
        %and3A_296 = arith.andi %ge3A_293, %lt3A_295 : vector<16xi1>
        %broadcast_in_dim3A_297 = vector.broadcast %add3A_7 : i32 to vector<16xi32>
        %select_n3A_298 = arith.select %and3A_296, %get3A_287, %broadcast_in_dim3A_297 : vector<16xi1>, vector<16xi32>
        %swap3A_299 = arith.constant 208 : index
        %swap3A_300 = tpu.vector_load %arg11[%swap3A_299] {strides = array<i32>} : memref<512xi32, #tpu.memory_space<vmem>>, vector<16xi32>,
        tpu.vector_store %arg11[%swap3A_299], %select_n3A_298 {strides = array<i32>} : memref<512xi32, #tpu.memory_space<vmem>>, vector<16xi32>,
        %get3A_301 = arith.constant 224 : index
        %get3A_302 = tpu.vector_load %arg9[%get3A_301] {strides = array<i32>} : memref<512xi32, #tpu.memory_space<vmem>>, vector<16xi32>,
        %add3A_303 = arith.constant 224 : i32
        %add3A_304 = arith.addi %multiple_of3A_93, %add3A_303 : i32
        %add3A_305 = vector.broadcast %add3A_304 : i32 to vector<16xi32>
        %add3A_306 = arith.addi %add3A_305, %iota3A : vector<16xi32>
        %ge3A_307 = vector.broadcast %add3A_91 : i32 to vector<16xi32>
        %ge3A_308 = arith.cmpi sge, %add3A_306, %ge3A_307 : vector<16xi32>
        %lt3A_309 = vector.broadcast %min3A : i32 to vector<16xi32>
        %lt3A_310 = arith.cmpi slt, %add3A_306, %lt3A_309 : vector<16xi32>
        %and3A_311 = arith.andi %ge3A_308, %lt3A_310 : vector<16xi1>
        %broadcast_in_dim3A_312 = vector.broadcast %add3A_7 : i32 to vector<16xi32>
        %select_n3A_313 = arith.select %and3A_311, %get3A_302, %broadcast_in_dim3A_312 : vector<16xi1>, vector<16xi32>
        %swap3A_314 = arith.constant 224 : index
        %swap3A_315 = tpu.vector_load %arg11[%swap3A_314] {strides = array<i32>} : memref<512xi32, #tpu.memory_space<vmem>>, vector<16xi32>,
        tpu.vector_store %arg11[%swap3A_314], %select_n3A_313 {strides = array<i32>} : memref<512xi32, #tpu.memory_space<vmem>>, vector<16xi32>,
        %get3A_316 = arith.constant 240 : index
        %get3A_317 = tpu.vector_load %arg9[%get3A_316] {strides = array<i32>} : memref<512xi32, #tpu.memory_space<vmem>>, vector<16xi32>,
        %add3A_318 = arith.constant 240 : i32
        %add3A_319 = arith.addi %multiple_of3A_93, %add3A_318 : i32
        %add3A_320 = vector.broadcast %add3A_319 : i32 to vector<16xi32>
        %add3A_321 = arith.addi %add3A_320, %iota3A : vector<16xi32>
        %ge3A_322 = vector.broadcast %add3A_91 : i32 to vector<16xi32>
        %ge3A_323 = arith.cmpi sge, %add3A_321, %ge3A_322 : vector<16xi32>
        %lt3A_324 = vector.broadcast %min3A : i32 to vector<16xi32>
        %lt3A_325 = arith.cmpi slt, %add3A_321, %lt3A_324 : vector<16xi32>
        %and3A_326 = arith.andi %ge3A_323, %lt3A_325 : vector<16xi1>
        %broadcast_in_dim3A_327 = vector.broadcast %add3A_7 : i32 to vector<16xi32>
        %select_n3A_328 = arith.select %and3A_326, %get3A_317, %broadcast_in_dim3A_327 : vector<16xi1>, vector<16xi32>
        %swap3A_329 = arith.constant 240 : index
        %swap3A_330 = tpu.vector_load %arg11[%swap3A_329] {strides = array<i32>} : memref<512xi32, #tpu.memory_space<vmem>>, vector<16xi32>,
        tpu.vector_store %arg11[%swap3A_329], %select_n3A_328 {strides = array<i32>} : memref<512xi32, #tpu.memory_space<vmem>>, vector<16xi32>,
        %get3A_331 = arith.constant 256 : index
        %get3A_332 = tpu.vector_load %arg9[%get3A_331] {strides = array<i32>} : memref<512xi32, #tpu.memory_space<vmem>>, vector<16xi32>,
        %add3A_333 = arith.constant 256 : i32
        %add3A_334 = arith.addi %multiple_of3A_93, %add3A_333 : i32
        %add3A_335 = vector.broadcast %add3A_334 : i32 to vector<16xi32>
        %add3A_336 = arith.addi %add3A_335, %iota3A : vector<16xi32>
        %ge3A_337 = vector.broadcast %add3A_91 : i32 to vector<16xi32>
        %ge3A_338 = arith.cmpi sge, %add3A_336, %ge3A_337 : vector<16xi32>
        %lt3A_339 = vector.broadcast %min3A : i32 to vector<16xi32>
        %lt3A_340 = arith.cmpi slt, %add3A_336, %lt3A_339 : vector<16xi32>
        %and3A_341 = arith.andi %ge3A_338, %lt3A_340 : vector<16xi1>
        %broadcast_in_dim3A_342 = vector.broadcast %add3A_7 : i32 to vector<16xi32>
        %select_n3A_343 = arith.select %and3A_341, %get3A_332, %broadcast_in_dim3A_342 : vector<16xi1>, vector<16xi32>
        %swap3A_344 = arith.constant 256 : index
        %swap3A_345 = tpu.vector_load %arg11[%swap3A_344] {strides = array<i32>} : memref<512xi32, #tpu.memory_space<vmem>>, vector<16xi32>,
        tpu.vector_store %arg11[%swap3A_344], %select_n3A_343 {strides = array<i32>} : memref<512xi32, #tpu.memory_space<vmem>>, vector<16xi32>,
        %get3A_346 = arith.constant 272 : index
        %get3A_347 = tpu.vector_load %arg9[%get3A_346] {strides = array<i32>} : memref<512xi32, #tpu.memory_space<vmem>>, vector<16xi32>,
        %add3A_348 = arith.constant 272 : i32
        %add3A_349 = arith.addi %multiple_of3A_93, %add3A_348 : i32
        %add3A_350 = vector.broadcast %add3A_349 : i32 to vector<16xi32>
        %add3A_351 = arith.addi %add3A_350, %iota3A : vector<16xi32>
        %ge3A_352 = vector.broadcast %add3A_91 : i32 to vector<16xi32>
        %ge3A_353 = arith.cmpi sge, %add3A_351, %ge3A_352 : vector<16xi32>
        %lt3A_354 = vector.broadcast %min3A : i32 to vector<16xi32>
        %lt3A_355 = arith.cmpi slt, %add3A_351, %lt3A_354 : vector<16xi32>
        %and3A_356 = arith.andi %ge3A_353, %lt3A_355 : vector<16xi1>
        %broadcast_in_dim3A_357 = vector.broadcast %add3A_7 : i32 to vector<16xi32>
        %select_n3A_358 = arith.select %and3A_356, %get3A_347, %broadcast_in_dim3A_357 : vector<16xi1>, vector<16xi32>
        %swap3A_359 = arith.constant 272 : index
        %swap3A_360 = tpu.vector_load %arg11[%swap3A_359] {strides = array<i32>} : memref<512xi32, #tpu.memory_space<vmem>>, vector<16xi32>,
        tpu.vector_store %arg11[%swap3A_359], %select_n3A_358 {strides = array<i32>} : memref<512xi32, #tpu.memory_space<vmem>>, vector<16xi32>,
        %get3A_361 = arith.constant 288 : index
        %get3A_362 = tpu.vector_load %arg9[%get3A_361] {strides = array<i32>} : memref<512xi32, #tpu.memory_space<vmem>>, vector<16xi32>,
        %add3A_363 = arith.constant 288 : i32
        %add3A_364 = arith.addi %multiple_of3A_93, %add3A_363 : i32
        %add3A_365 = vector.broadcast %add3A_364 : i32 to vector<16xi32>
        %add3A_366 = arith.addi %add3A_365, %iota3A : vector<16xi32>
        %ge3A_367 = vector.broadcast %add3A_91 : i32 to vector<16xi32>
        %ge3A_368 = arith.cmpi sge, %add3A_366, %ge3A_367 : vector<16xi32>
        %lt3A_369 = vector.broadcast %min3A : i32 to vector<16xi32>
        %lt3A_370 = arith.cmpi slt, %add3A_366, %lt3A_369 : vector<16xi32>
        %and3A_371 = arith.andi %ge3A_368, %lt3A_370 : vector<16xi1>
        %broadcast_in_dim3A_372 = vector.broadcast %add3A_7 : i32 to vector<16xi32>
        %select_n3A_373 = arith.select %and3A_371, %get3A_362, %broadcast_in_dim3A_372 : vector<16xi1>, vector<16xi32>
        %swap3A_374 = arith.constant 288 : index
        %swap3A_375 = tpu.vector_load %arg11[%swap3A_374] {strides = array<i32>} : memref<512xi32, #tpu.memory_space<vmem>>, vector<16xi32>,
        tpu.vector_store %arg11[%swap3A_374], %select_n3A_373 {strides = array<i32>} : memref<512xi32, #tpu.memory_space<vmem>>, vector<16xi32>,
        %get3A_376 = arith.constant 304 : index
        %get3A_377 = tpu.vector_load %arg9[%get3A_376] {strides = array<i32>} : memref<512xi32, #tpu.memory_space<vmem>>, vector<16xi32>,
        %add3A_378 = arith.constant 304 : i32
        %add3A_379 = arith.addi %multiple_of3A_93, %add3A_378 : i32
        %add3A_380 = vector.broadcast %add3A_379 : i32 to vector<16xi32>
        %add3A_381 = arith.addi %add3A_380, %iota3A : vector<16xi32>
        %ge3A_382 = vector.broadcast %add3A_91 : i32 to vector<16xi32>
        %ge3A_383 = arith.cmpi sge, %add3A_381, %ge3A_382 : vector<16xi32>
        %lt3A_384 = vector.broadcast %min3A : i32 to vector<16xi32>
        %lt3A_385 = arith.cmpi slt, %add3A_381, %lt3A_384 : vector<16xi32>
        %and3A_386 = arith.andi %ge3A_383, %lt3A_385 : vector<16xi1>
        %broadcast_in_dim3A_387 = vector.broadcast %add3A_7 : i32 to vector<16xi32>
        %select_n3A_388 = arith.select %and3A_386, %get3A_377, %broadcast_in_dim3A_387 : vector<16xi1>, vector<16xi32>
        %swap3A_389 = arith.constant 304 : index
        %swap3A_390 = tpu.vector_load %arg11[%swap3A_389] {strides = array<i32>} : memref<512xi32, #tpu.memory_space<vmem>>, vector<16xi32>,
        tpu.vector_store %arg11[%swap3A_389], %select_n3A_388 {strides = array<i32>} : memref<512xi32, #tpu.memory_space<vmem>>, vector<16xi32>,
        %get3A_391 = arith.constant 320 : index
        %get3A_392 = tpu.vector_load %arg9[%get3A_391] {strides = array<i32>} : memref<512xi32, #tpu.memory_space<vmem>>, vector<16xi32>,
        %add3A_393 = arith.constant 320 : i32
        %add3A_394 = arith.addi %multiple_of3A_93, %add3A_393 : i32
        %add3A_395 = vector.broadcast %add3A_394 : i32 to vector<16xi32>
        %add3A_396 = arith.addi %add3A_395, %iota3A : vector<16xi32>
        %ge3A_397 = vector.broadcast %add3A_91 : i32 to vector<16xi32>
        %ge3A_398 = arith.cmpi sge, %add3A_396, %ge3A_397 : vector<16xi32>
        %lt3A_399 = vector.broadcast %min3A : i32 to vector<16xi32>
        %lt3A_400 = arith.cmpi slt, %add3A_396, %lt3A_399 : vector<16xi32>
        %and3A_401 = arith.andi %ge3A_398, %lt3A_400 : vector<16xi1>
        %broadcast_in_dim3A_402 = vector.broadcast %add3A_7 : i32 to vector<16xi32>
        %select_n3A_403 = arith.select %and3A_401, %get3A_392, %broadcast_in_dim3A_402 : vector<16xi1>, vector<16xi32>
        %swap3A_404 = arith.constant 320 : index
        %swap3A_405 = tpu.vector_load %arg11[%swap3A_404] {strides = array<i32>} : memref<512xi32, #tpu.memory_space<vmem>>, vector<16xi32>,
        tpu.vector_store %arg11[%swap3A_404], %select_n3A_403 {strides = array<i32>} : memref<512xi32, #tpu.memory_space<vmem>>, vector<16xi32>,
        %get3A_406 = arith.constant 336 : index
        %get3A_407 = tpu.vector_load %arg9[%get3A_406] {strides = array<i32>} : memref<512xi32, #tpu.memory_space<vmem>>, vector<16xi32>,
        %add3A_408 = arith.constant 336 : i32
        %add3A_409 = arith.addi %multiple_of3A_93, %add3A_408 : i32
        %add3A_410 = vector.broadcast %add3A_409 : i32 to vector<16xi32>
        %add3A_411 = arith.addi %add3A_410, %iota3A : vector<16xi32>
        %ge3A_412 = vector.broadcast %add3A_91 : i32 to vector<16xi32>
        %ge3A_413 = arith.cmpi sge, %add3A_411, %ge3A_412 : vector<16xi32>
        %lt3A_414 = vector.broadcast %min3A : i32 to vector<16xi32>
        %lt3A_415 = arith.cmpi slt, %add3A_411, %lt3A_414 : vector<16xi32>
        %and3A_416 = arith.andi %ge3A_413, %lt3A_415 : vector<16xi1>
        %broadcast_in_dim3A_417 = vector.broadcast %add3A_7 : i32 to vector<16xi32>
        %select_n3A_418 = arith.select %and3A_416, %get3A_407, %broadcast_in_dim3A_417 : vector<16xi1>, vector<16xi32>
        %swap3A_419 = arith.constant 336 : index
        %swap3A_420 = tpu.vector_load %arg11[%swap3A_419] {strides = array<i32>} : memref<512xi32, #tpu.memory_space<vmem>>, vector<16xi32>,
        tpu.vector_store %arg11[%swap3A_419], %select_n3A_418 {strides = array<i32>} : memref<512xi32, #tpu.memory_space<vmem>>, vector<16xi32>,
        %get3A_421 = arith.constant 352 : index
        %get3A_422 = tpu.vector_load %arg9[%get3A_421] {strides = array<i32>} : memref<512xi32, #tpu.memory_space<vmem>>, vector<16xi32>,
        %add3A_423 = arith.constant 352 : i32
        %add3A_424 = arith.addi %multiple_of3A_93, %add3A_423 : i32
        %add3A_425 = vector.broadcast %add3A_424 : i32 to vector<16xi32>
        %add3A_426 = arith.addi %add3A_425, %iota3A : vector<16xi32>
        %ge3A_427 = vector.broadcast %add3A_91 : i32 to vector<16xi32>
        %ge3A_428 = arith.cmpi sge, %add3A_426, %ge3A_427 : vector<16xi32>
        %lt3A_429 = vector.broadcast %min3A : i32 to vector<16xi32>
        %lt3A_430 = arith.cmpi slt, %add3A_426, %lt3A_429 : vector<16xi32>
        %and3A_431 = arith.andi %ge3A_428, %lt3A_430 : vector<16xi1>
        %broadcast_in_dim3A_432 = vector.broadcast %add3A_7 : i32 to vector<16xi32>
        %select_n3A_433 = arith.select %and3A_431, %get3A_422, %broadcast_in_dim3A_432 : vector<16xi1>, vector<16xi32>
        %swap3A_434 = arith.constant 352 : index
        %swap3A_435 = tpu.vector_load %arg11[%swap3A_434] {strides = array<i32>} : memref<512xi32, #tpu.memory_space<vmem>>, vector<16xi32>,
        tpu.vector_store %arg11[%swap3A_434], %select_n3A_433 {strides = array<i32>} : memref<512xi32, #tpu.memory_space<vmem>>, vector<16xi32>,
        %get3A_436 = arith.constant 368 : index
        %get3A_437 = tpu.vector_load %arg9[%get3A_436] {strides = array<i32>} : memref<512xi32, #tpu.memory_space<vmem>>, vector<16xi32>,
        %add3A_438 = arith.constant 368 : i32
        %add3A_439 = arith.addi %multiple_of3A_93, %add3A_438 : i32
        %add3A_440 = vector.broadcast %add3A_439 : i32 to vector<16xi32>
        %add3A_441 = arith.addi %add3A_440, %iota3A : vector<16xi32>
        %ge3A_442 = vector.broadcast %add3A_91 : i32 to vector<16xi32>
        %ge3A_443 = arith.cmpi sge, %add3A_441, %ge3A_442 : vector<16xi32>
        %lt3A_444 = vector.broadcast %min3A : i32 to vector<16xi32>
        %lt3A_445 = arith.cmpi slt, %add3A_441, %lt3A_444 : vector<16xi32>
        %and3A_446 = arith.andi %ge3A_443, %lt3A_445 : vector<16xi1>
        %broadcast_in_dim3A_447 = vector.broadcast %add3A_7 : i32 to vector<16xi32>
        %select_n3A_448 = arith.select %and3A_446, %get3A_437, %broadcast_in_dim3A_447 : vector<16xi1>, vector<16xi32>
        %swap3A_449 = arith.constant 368 : index
        %swap3A_450 = tpu.vector_load %arg11[%swap3A_449] {strides = array<i32>} : memref<512xi32, #tpu.memory_space<vmem>>, vector<16xi32>,
        tpu.vector_store %arg11[%swap3A_449], %select_n3A_448 {strides = array<i32>} : memref<512xi32, #tpu.memory_space<vmem>>, vector<16xi32>,
        %get3A_451 = arith.constant 384 : index
        %get3A_452 = tpu.vector_load %arg9[%get3A_451] {strides = array<i32>} : memref<512xi32, #tpu.memory_space<vmem>>, vector<16xi32>,
        %add3A_453 = arith.constant 384 : i32
        %add3A_454 = arith.addi %multiple_of3A_93, %add3A_453 : i32
        %add3A_455 = vector.broadcast %add3A_454 : i32 to vector<16xi32>
        %add3A_456 = arith.addi %add3A_455, %iota3A : vector<16xi32>
        %ge3A_457 = vector.broadcast %add3A_91 : i32 to vector<16xi32>
        %ge3A_458 = arith.cmpi sge, %add3A_456, %ge3A_457 : vector<16xi32>
        %lt3A_459 = vector.broadcast %min3A : i32 to vector<16xi32>
        %lt3A_460 = arith.cmpi slt, %add3A_456, %lt3A_459 : vector<16xi32>
        %and3A_461 = arith.andi %ge3A_458, %lt3A_460 : vector<16xi1>
        %broadcast_in_dim3A_462 = vector.broadcast %add3A_7 : i32 to vector<16xi32>
        %select_n3A_463 = arith.select %and3A_461, %get3A_452, %broadcast_in_dim3A_462 : vector<16xi1>, vector<16xi32>
        %swap3A_464 = arith.constant 384 : index
        %swap3A_465 = tpu.vector_load %arg11[%swap3A_464] {strides = array<i32>} : memref<512xi32, #tpu.memory_space<vmem>>, vector<16xi32>,
        tpu.vector_store %arg11[%swap3A_464], %select_n3A_463 {strides = array<i32>} : memref<512xi32, #tpu.memory_space<vmem>>, vector<16xi32>,
        %get3A_466 = arith.constant 400 : index
        %get3A_467 = tpu.vector_load %arg9[%get3A_466] {strides = array<i32>} : memref<512xi32, #tpu.memory_space<vmem>>, vector<16xi32>,
        %add3A_468 = arith.constant 400 : i32
        %add3A_469 = arith.addi %multiple_of3A_93, %add3A_468 : i32
        %add3A_470 = vector.broadcast %add3A_469 : i32 to vector<16xi32>
        %add3A_471 = arith.addi %add3A_470, %iota3A : vector<16xi32>
        %ge3A_472 = vector.broadcast %add3A_91 : i32 to vector<16xi32>
        %ge3A_473 = arith.cmpi sge, %add3A_471, %ge3A_472 : vector<16xi32>
        %lt3A_474 = vector.broadcast %min3A : i32 to vector<16xi32>
        %lt3A_475 = arith.cmpi slt, %add3A_471, %lt3A_474 : vector<16xi32>
        %and3A_476 = arith.andi %ge3A_473, %lt3A_475 : vector<16xi1>
        %broadcast_in_dim3A_477 = vector.broadcast %add3A_7 : i32 to vector<16xi32>
        %select_n3A_478 = arith.select %and3A_476, %get3A_467, %broadcast_in_dim3A_477 : vector<16xi1>, vector<16xi32>
        %swap3A_479 = arith.constant 400 : index
        %swap3A_480 = tpu.vector_load %arg11[%swap3A_479] {strides = array<i32>} : memref<512xi32, #tpu.memory_space<vmem>>, vector<16xi32>,
        tpu.vector_store %arg11[%swap3A_479], %select_n3A_478 {strides = array<i32>} : memref<512xi32, #tpu.memory_space<vmem>>, vector<16xi32>,
        %get3A_481 = arith.constant 416 : index
        %get3A_482 = tpu.vector_load %arg9[%get3A_481] {strides = array<i32>} : memref<512xi32, #tpu.memory_space<vmem>>, vector<16xi32>,
        %add3A_483 = arith.constant 416 : i32
        %add3A_484 = arith.addi %multiple_of3A_93, %add3A_483 : i32
        %add3A_485 = vector.broadcast %add3A_484 : i32 to vector<16xi32>
        %add3A_486 = arith.addi %add3A_485, %iota3A : vector<16xi32>
        %ge3A_487 = vector.broadcast %add3A_91 : i32 to vector<16xi32>
        %ge3A_488 = arith.cmpi sge, %add3A_486, %ge3A_487 : vector<16xi32>
        %lt3A_489 = vector.broadcast %min3A : i32 to vector<16xi32>
        %lt3A_490 = arith.cmpi slt, %add3A_486, %lt3A_489 : vector<16xi32>
        %and3A_491 = arith.andi %ge3A_488, %lt3A_490 : vector<16xi1>
        %broadcast_in_dim3A_492 = vector.broadcast %add3A_7 : i32 to vector<16xi32>
        %select_n3A_493 = arith.select %and3A_491, %get3A_482, %broadcast_in_dim3A_492 : vector<16xi1>, vector<16xi32>
        %swap3A_494 = arith.constant 416 : index
        %swap3A_495 = tpu.vector_load %arg11[%swap3A_494] {strides = array<i32>} : memref<512xi32, #tpu.memory_space<vmem>>, vector<16xi32>,
        tpu.vector_store %arg11[%swap3A_494], %select_n3A_493 {strides = array<i32>} : memref<512xi32, #tpu.memory_space<vmem>>, vector<16xi32>,
        %get3A_496 = arith.constant 432 : index
        %get3A_497 = tpu.vector_load %arg9[%get3A_496] {strides = array<i32>} : memref<512xi32, #tpu.memory_space<vmem>>, vector<16xi32>,
        %add3A_498 = arith.constant 432 : i32
        %add3A_499 = arith.addi %multiple_of3A_93, %add3A_498 : i32
        %add3A_500 = vector.broadcast %add3A_499 : i32 to vector<16xi32>
        %add3A_501 = arith.addi %add3A_500, %iota3A : vector<16xi32>
        %ge3A_502 = vector.broadcast %add3A_91 : i32 to vector<16xi32>
        %ge3A_503 = arith.cmpi sge, %add3A_501, %ge3A_502 : vector<16xi32>
        %lt3A_504 = vector.broadcast %min3A : i32 to vector<16xi32>
        %lt3A_505 = arith.cmpi slt, %add3A_501, %lt3A_504 : vector<16xi32>
        %and3A_506 = arith.andi %ge3A_503, %lt3A_505 : vector<16xi1>
        %broadcast_in_dim3A_507 = vector.broadcast %add3A_7 : i32 to vector<16xi32>
        %select_n3A_508 = arith.select %and3A_506, %get3A_497, %broadcast_in_dim3A_507 : vector<16xi1>, vector<16xi32>
        %swap3A_509 = arith.constant 432 : index
        %swap3A_510 = tpu.vector_load %arg11[%swap3A_509] {strides = array<i32>} : memref<512xi32, #tpu.memory_space<vmem>>, vector<16xi32>,
        tpu.vector_store %arg11[%swap3A_509], %select_n3A_508 {strides = array<i32>} : memref<512xi32, #tpu.memory_space<vmem>>, vector<16xi32>,
        %get3A_511 = arith.constant 448 : index
        %get3A_512 = tpu.vector_load %arg9[%get3A_511] {strides = array<i32>} : memref<512xi32, #tpu.memory_space<vmem>>, vector<16xi32>,
        %add3A_513 = arith.constant 448 : i32
        %add3A_514 = arith.addi %multiple_of3A_93, %add3A_513 : i32
        %add3A_515 = vector.broadcast %add3A_514 : i32 to vector<16xi32>
        %add3A_516 = arith.addi %add3A_515, %iota3A : vector<16xi32>
        %ge3A_517 = vector.broadcast %add3A_91 : i32 to vector<16xi32>
        %ge3A_518 = arith.cmpi sge, %add3A_516, %ge3A_517 : vector<16xi32>
        %lt3A_519 = vector.broadcast %min3A : i32 to vector<16xi32>
        %lt3A_520 = arith.cmpi slt, %add3A_516, %lt3A_519 : vector<16xi32>
        %and3A_521 = arith.andi %ge3A_518, %lt3A_520 : vector<16xi1>
        %broadcast_in_dim3A_522 = vector.broadcast %add3A_7 : i32 to vector<16xi32>
        %select_n3A_523 = arith.select %and3A_521, %get3A_512, %broadcast_in_dim3A_522 : vector<16xi1>, vector<16xi32>
        %swap3A_524 = arith.constant 448 : index
        %swap3A_525 = tpu.vector_load %arg11[%swap3A_524] {strides = array<i32>} : memref<512xi32, #tpu.memory_space<vmem>>, vector<16xi32>,
        tpu.vector_store %arg11[%swap3A_524], %select_n3A_523 {strides = array<i32>} : memref<512xi32, #tpu.memory_space<vmem>>, vector<16xi32>,
        %get3A_526 = arith.constant 464 : index
        %get3A_527 = tpu.vector_load %arg9[%get3A_526] {strides = array<i32>} : memref<512xi32, #tpu.memory_space<vmem>>, vector<16xi32>,
        %add3A_528 = arith.constant 464 : i32
        %add3A_529 = arith.addi %multiple_of3A_93, %add3A_528 : i32
        %add3A_530 = vector.broadcast %add3A_529 : i32 to vector<16xi32>
        %add3A_531 = arith.addi %add3A_530, %iota3A : vector<16xi32>
        %ge3A_532 = vector.broadcast %add3A_91 : i32 to vector<16xi32>
        %ge3A_533 = arith.cmpi sge, %add3A_531, %ge3A_532 : vector<16xi32>
        %lt3A_534 = vector.broadcast %min3A : i32 to vector<16xi32>
        %lt3A_535 = arith.cmpi slt, %add3A_531, %lt3A_534 : vector<16xi32>
        %and3A_536 = arith.andi %ge3A_533, %lt3A_535 : vector<16xi1>
        %broadcast_in_dim3A_537 = vector.broadcast %add3A_7 : i32 to vector<16xi32>
        %select_n3A_538 = arith.select %and3A_536, %get3A_527, %broadcast_in_dim3A_537 : vector<16xi1>, vector<16xi32>
        %swap3A_539 = arith.constant 464 : index
        %swap3A_540 = tpu.vector_load %arg11[%swap3A_539] {strides = array<i32>} : memref<512xi32, #tpu.memory_space<vmem>>, vector<16xi32>,
        tpu.vector_store %arg11[%swap3A_539], %select_n3A_538 {strides = array<i32>} : memref<512xi32, #tpu.memory_space<vmem>>, vector<16xi32>,
        %get3A_541 = arith.constant 480 : index
        %get3A_542 = tpu.vector_load %arg9[%get3A_541] {strides = array<i32>} : memref<512xi32, #tpu.memory_space<vmem>>, vector<16xi32>,
        %add3A_543 = arith.constant 480 : i32
        %add3A_544 = arith.addi %multiple_of3A_93, %add3A_543 : i32
        %add3A_545 = vector.broadcast %add3A_544 : i32 to vector<16xi32>
        %add3A_546 = arith.addi %add3A_545, %iota3A : vector<16xi32>
        %ge3A_547 = vector.broadcast %add3A_91 : i32 to vector<16xi32>
        %ge3A_548 = arith.cmpi sge, %add3A_546, %ge3A_547 : vector<16xi32>
        %lt3A_549 = vector.broadcast %min3A : i32 to vector<16xi32>
        %lt3A_550 = arith.cmpi slt, %add3A_546, %lt3A_549 : vector<16xi32>
        %and3A_551 = arith.andi %ge3A_548, %lt3A_550 : vector<16xi1>
        %broadcast_in_dim3A_552 = vector.broadcast %add3A_7 : i32 to vector<16xi32>
        %select_n3A_553 = arith.select %and3A_551, %get3A_542, %broadcast_in_dim3A_552 : vector<16xi1>, vector<16xi32>
        %swap3A_554 = arith.constant 480 : index
        %swap3A_555 = tpu.vector_load %arg11[%swap3A_554] {strides = array<i32>} : memref<512xi32, #tpu.memory_space<vmem>>, vector<16xi32>,
        tpu.vector_store %arg11[%swap3A_554], %select_n3A_553 {strides = array<i32>} : memref<512xi32, #tpu.memory_space<vmem>>, vector<16xi32>,
        %get3A_556 = arith.constant 496 : index
        %get3A_557 = tpu.vector_load %arg9[%get3A_556] {strides = array<i32>} : memref<512xi32, #tpu.memory_space<vmem>>, vector<16xi32>,
        %add3A_558 = arith.constant 496 : i32
        %add3A_559 = arith.addi %multiple_of3A_93, %add3A_558 : i32
        %add3A_560 = vector.broadcast %add3A_559 : i32 to vector<16xi32>
        %add3A_561 = arith.addi %add3A_560, %iota3A : vector<16xi32>
        %ge3A_562 = vector.broadcast %add3A_91 : i32 to vector<16xi32>
        %ge3A_563 = arith.cmpi sge, %add3A_561, %ge3A_562 : vector<16xi32>
        %lt3A_564 = vector.broadcast %min3A : i32 to vector<16xi32>
        %lt3A_565 = arith.cmpi slt, %add3A_561, %lt3A_564 : vector<16xi32>
        %and3A_566 = arith.andi %ge3A_563, %lt3A_565 : vector<16xi1>
        %broadcast_in_dim3A_567 = vector.broadcast %add3A_7 : i32 to vector<16xi32>
        %select_n3A_568 = arith.select %and3A_566, %get3A_557, %broadcast_in_dim3A_567 : vector<16xi1>, vector<16xi32>
        %swap3A_569 = arith.constant 496 : index
        %swap3A_570 = tpu.vector_load %arg11[%swap3A_569] {strides = array<i32>} : memref<512xi32, #tpu.memory_space<vmem>>, vector<16xi32>,
        tpu.vector_store %arg11[%swap3A_569], %select_n3A_568 {strides = array<i32>} : memref<512xi32, #tpu.memory_space<vmem>>, vector<16xi32>,
        "tpu.region"() ({
          %run_scoped3A = tpu.sem_alloc : memref<!tpu.dma_semaphore, #tpu.memory_space<semaphore_mem>>
          %dma_start3A = arith.constant 0 : i32
          %dma_start3A_573 = tpu.memref_slice %arg6[%dma_start3A] : memref<640016xf32, #tpu.memory_space<vmem_shared>> -> memref<640016xf32, #tpu.memory_space<vmem_shared>>
          tpu.enqueue_indirect_dma source(%arg10 : memref<512xf32, #tpu.memory_space<vmem>>) target(%dma_start3A_573 : memref<640016xf32, #tpu.memory_space<vmem_shared>>) offsets(%arg11 : memref<512xi32, #tpu.memory_space<vmem>>) semaphore(%run_scoped3A : memref<!tpu.dma_semaphore, #tpu.memory_space<semaphore_mem>>) {add = true}
          %dma_wait3A = arith.constant 0 : i32
          %dma_wait3A_574 = tpu.memref_slice %arg6[%dma_wait3A] : memref<640016xf32, #tpu.memory_space<vmem_shared>> -> memref<640016xf32, #tpu.memory_space<vmem_shared>>
          tpu.wait_indirect_dma semaphore(%run_scoped3A : memref<!tpu.dma_semaphore, #tpu.memory_space<semaphore_mem>>) src(%arg10 : memref<512xf32, #tpu.memory_space<vmem>>) dst(%dma_wait3A_574 : memref<640016xf32, #tpu.memory_space<vmem_shared>>)
          tpu.yield
        }) : () -> ()
        %add3A_571 = arith.constant 1 : i32
        %add3A_572 = arith.addi %while3A_88, %add3A_571 : i32
        scf.yield %add3A_572 : i32
      }
      %barrier3A_76 = arith.constant 0 : index
      tpu.barrier barrier_id(%barrier3A_76)
      %mul3A_77 = arith.constant 640000 : i32
      %mul3A_78 = arith.muli %add3A_18, %mul3A_77 : i32
      %mul3A_79 = arith.constant 40000 : i32
      %mul3A_80 = arith.muli %arg1, %mul3A_79 : i32
      %add3A_81 = arith.addi %mul3A_78, %mul3A_80 : i32
      %multiple_of3A_82 = tpu.assume_multiple %add3A_81, 8 : i32
      %add3A_83 = arith.constant 40000 : i32
      %add3A_84 = arith.addi %multiple_of3A_82, %add3A_83 : i32
      %le3A = arith.constant 100000000 : i32
      %le3A_85 = arith.cmpi sle, %add3A_84, %le3A : i32
      %convert_element_type3A = arith.extui %le3A_85 : i1 to i32
      %cond3A = arith.constant 0 : i32
      %cond3A_86 = arith.cmpi ne, %convert_element_type3A, %cond3A : i32
      scf.if %cond3A_86 {
        "tpu.region"() ({
          %run_scoped3A = tpu.sem_alloc : memref<!tpu.dma_semaphore, #tpu.memory_space<semaphore_mem>>
          %dma_start3A = tpu.memref_slice %arg6[%multiple_of3A] : memref<640016xf32, #tpu.memory_space<vmem_shared>> -> memref<40000xf32, #tpu.memory_space<vmem_shared>>
          %dma_start3A_88 = tpu.memref_slice %arg6[%multiple_of3A] : memref<640016xf32, #tpu.memory_space<vmem_shared>> -> memref<40000xf32, #tpu.memory_space<vmem_shared>>
          tpu.enqueue_dma source(%dma_start3A_88 : memref<40000xf32, #tpu.memory_space<vmem_shared>>) target(%arg12 : memref<40000xf32, #tpu.memory_space<vmem>>) target_semaphore(%run_scoped3A : memref<!tpu.dma_semaphore, #tpu.memory_space<semaphore_mem>>)
          %dma_wait3A = tpu.memref_slice %arg6[%multiple_of3A] : memref<640016xf32, #tpu.memory_space<vmem_shared>> -> memref<40000xf32, #tpu.memory_space<vmem_shared>>
          %dma_wait3A_89 = tpu.memref_slice %arg6[%multiple_of3A] : memref<640016xf32, #tpu.memory_space<vmem_shared>> -> memref<40000xf32, #tpu.memory_space<vmem_shared>>
          tpu.wait_dma2 semaphore(%run_scoped3A : memref<!tpu.dma_semaphore, #tpu.memory_space<semaphore_mem>>) src(%dma_wait3A_89 : memref<40000xf32, #tpu.memory_space<vmem_shared>>) dst(%arg12 : memref<40000xf32, #tpu.memory_space<vmem>>)
          tpu.yield
        }) : () -> ()
        "tpu.region"() ({
          %run_scoped3A = tpu.sem_alloc : memref<!tpu.dma_semaphore, #tpu.memory_space<semaphore_mem>>
          %dma_start3A = tpu.memref_slice %arg5[%multiple_of3A_82] : memref<100000000xf32, #tpu.memory_space<hbm>> -> memref<40000xf32, #tpu.memory_space<hbm>>
          %dma_start3A_88 = tpu.memref_slice %arg5[%multiple_of3A_82] : memref<100000000xf32, #tpu.memory_space<hbm>> -> memref<40000xf32, #tpu.memory_space<hbm>>
          tpu.enqueue_dma source(%arg12 : memref<40000xf32, #tpu.memory_space<vmem>>) target(%dma_start3A_88 : memref<40000xf32, #tpu.memory_space<hbm>>) target_semaphore(%run_scoped3A : memref<!tpu.dma_semaphore, #tpu.memory_space<semaphore_mem>>)
          %dma_wait3A = tpu.memref_slice %arg5[%multiple_of3A_82] : memref<100000000xf32, #tpu.memory_space<hbm>> -> memref<40000xf32, #tpu.memory_space<hbm>>
          %dma_wait3A_89 = tpu.memref_slice %arg5[%multiple_of3A_82] : memref<100000000xf32, #tpu.memory_space<hbm>> -> memref<40000xf32, #tpu.memory_space<hbm>>
          tpu.wait_dma2 semaphore(%run_scoped3A : memref<!tpu.dma_semaphore, #tpu.memory_space<semaphore_mem>>) src(%arg12 : memref<40000xf32, #tpu.memory_space<vmem>>) dst(%dma_wait3A_89 : memref<40000xf32, #tpu.memory_space<hbm>>)
          tpu.yield
        }) : () -> ()
      } else {
      }
      %scan3A_87 = arith.constant 0 : i32
      scf.yield %scan3A_87 : i32
    }
    %scan3A_14 = arith.constant 79 : i32
    return
  }
}

#map = affine_map<(d0, d1) -> (0)>
#map1 = affine_map<(d0, d1) -> (0, 0)>
module attributes {stable_mosaic.version = 14 : i64} {
  func.func @_bin_kernel(%arg0: i32, %arg1: i32, %arg2: memref<1280000xi32, #tpu.memory_space<hbm>>, %arg3: memref<1280000xi32, #tpu.memory_space<hbm>>, %arg4: memref<1280000xf32, #tpu.memory_space<hbm>>, %arg5: memref<16xf32, #tpu.memory_space<hbm>>, %arg6: memref<1281024xi32, #tpu.memory_space<hbm>>, %arg7: memref<1281024xf32, #tpu.memory_space<hbm>>, %arg8: memref<32x176xi32, #tpu.memory_space<hbm>>, %arg9: memref<160xi32, #tpu.memory_space<vmem>>, %arg10: memref<176xi32, #tpu.memory_space<vmem>>, %arg11: memref<16xf32, #tpu.memory_space<vmem>>, %arg12: memref<2000xi32, #tpu.memory_space<vmem>>, %arg13: memref<2000xi32, #tpu.memory_space<vmem>>, %arg14: memref<2000xf32, #tpu.memory_space<vmem>>, %arg15: memref<40000xi32, #tpu.memory_space<vmem>>, %arg16: memref<40000xf32, #tpu.memory_space<vmem>>) attributes {dimension_semantics = [#tpu.dimension_semantics<core_parallel>, #tpu.dimension_semantics<subcore_parallel>], iteration_bounds = array<i64: 2, 16>, scalar_prefetch = 0 : i64, scratch_operands = 8 : i64, tpu.core_type = #tpu.core_type<sc_vector_subcore>, window_params = [{transform_indices = #map}, {transform_indices = #map}, {transform_indices = #map}, {transform_indices = #map}, {transform_indices = #map}, {transform_indices = #map}, {transform_indices = #map1}]} {
    %mul3A = arith.constant 2 : i32
    %mul3A_0 = arith.muli %arg1, %mul3A : i32
    %add3A = arith.addi %mul3A_0, %arg0 : i32
    %shift_right_logical3A = arith.constant 3 : i32
    %shift_right_logical3A_1 = arith.shrui %add3A, %shift_right_logical3A : i32
    %mul3A_2 = arith.constant 40000 : i32
    %mul3A_3 = arith.muli %add3A, %mul3A_2 : i32
    "tpu.region"() ({
      %run_scoped3A = tpu.sem_alloc : memref<!tpu.dma_semaphore, #tpu.memory_space<semaphore_mem>>
      tpu.enqueue_dma source(%arg5 : memref<16xf32, #tpu.memory_space<hbm>>) target(%arg11 : memref<16xf32, #tpu.memory_space<vmem>>) target_semaphore(%run_scoped3A : memref<!tpu.dma_semaphore, #tpu.memory_space<semaphore_mem>>)
      tpu.wait_dma2 semaphore(%run_scoped3A : memref<!tpu.dma_semaphore, #tpu.memory_space<semaphore_mem>>) src(%arg5 : memref<16xf32, #tpu.memory_space<hbm>>) dst(%arg11 : memref<16xf32, #tpu.memory_space<vmem>>)
      tpu.yield
    }) : () -> ()
    %broadcast_in_dim3A = arith.constant 0 : i32
    %broadcast_in_dim3A_4 = vector.broadcast %broadcast_in_dim3A : i32 to vector<16xi32>
    %swap3A = arith.constant 0 : index
    %swap3A_5 = tpu.vector_load %arg9[%swap3A] {strides = array<i32>} : memref<160xi32, #tpu.memory_space<vmem>>, vector<16xi32>,
    tpu.vector_store %arg9[%swap3A], %broadcast_in_dim3A_4 {strides = array<i32>} : memref<160xi32, #tpu.memory_space<vmem>>, vector<16xi32>,
    %swap3A_6 = arith.constant 16 : index
    %swap3A_7 = tpu.vector_load %arg9[%swap3A_6] {strides = array<i32>} : memref<160xi32, #tpu.memory_space<vmem>>, vector<16xi32>,
    tpu.vector_store %arg9[%swap3A_6], %broadcast_in_dim3A_4 {strides = array<i32>} : memref<160xi32, #tpu.memory_space<vmem>>, vector<16xi32>,
    %swap3A_8 = arith.constant 32 : index
    %swap3A_9 = tpu.vector_load %arg9[%swap3A_8] {strides = array<i32>} : memref<160xi32, #tpu.memory_space<vmem>>, vector<16xi32>,
    tpu.vector_store %arg9[%swap3A_8], %broadcast_in_dim3A_4 {strides = array<i32>} : memref<160xi32, #tpu.memory_space<vmem>>, vector<16xi32>,
    %swap3A_10 = arith.constant 48 : index
    %swap3A_11 = tpu.vector_load %arg9[%swap3A_10] {strides = array<i32>} : memref<160xi32, #tpu.memory_space<vmem>>, vector<16xi32>,
    tpu.vector_store %arg9[%swap3A_10], %broadcast_in_dim3A_4 {strides = array<i32>} : memref<160xi32, #tpu.memory_space<vmem>>, vector<16xi32>,
    %swap3A_12 = arith.constant 64 : index
    %swap3A_13 = tpu.vector_load %arg9[%swap3A_12] {strides = array<i32>} : memref<160xi32, #tpu.memory_space<vmem>>, vector<16xi32>,
    tpu.vector_store %arg9[%swap3A_12], %broadcast_in_dim3A_4 {strides = array<i32>} : memref<160xi32, #tpu.memory_space<vmem>>, vector<16xi32>,
    %swap3A_14 = arith.constant 80 : index
    %swap3A_15 = tpu.vector_load %arg9[%swap3A_14] {strides = array<i32>} : memref<160xi32, #tpu.memory_space<vmem>>, vector<16xi32>,
    tpu.vector_store %arg9[%swap3A_14], %broadcast_in_dim3A_4 {strides = array<i32>} : memref<160xi32, #tpu.memory_space<vmem>>, vector<16xi32>,
    %swap3A_16 = arith.constant 96 : index
    %swap3A_17 = tpu.vector_load %arg9[%swap3A_16] {strides = array<i32>} : memref<160xi32, #tpu.memory_space<vmem>>, vector<16xi32>,
    tpu.vector_store %arg9[%swap3A_16], %broadcast_in_dim3A_4 {strides = array<i32>} : memref<160xi32, #tpu.memory_space<vmem>>, vector<16xi32>,
    %swap3A_18 = arith.constant 112 : index
    %swap3A_19 = tpu.vector_load %arg9[%swap3A_18] {strides = array<i32>} : memref<160xi32, #tpu.memory_space<vmem>>, vector<16xi32>,
    tpu.vector_store %arg9[%swap3A_18], %broadcast_in_dim3A_4 {strides = array<i32>} : memref<160xi32, #tpu.memory_space<vmem>>, vector<16xi32>,
    %swap3A_20 = arith.constant 128 : index
    %swap3A_21 = tpu.vector_load %arg9[%swap3A_20] {strides = array<i32>} : memref<160xi32, #tpu.memory_space<vmem>>, vector<16xi32>,
    tpu.vector_store %arg9[%swap3A_20], %broadcast_in_dim3A_4 {strides = array<i32>} : memref<160xi32, #tpu.memory_space<vmem>>, vector<16xi32>,
    %swap3A_22 = arith.constant 144 : index
    %swap3A_23 = tpu.vector_load %arg9[%swap3A_22] {strides = array<i32>} : memref<160xi32, #tpu.memory_space<vmem>>, vector<16xi32>,
    tpu.vector_store %arg9[%swap3A_22], %broadcast_in_dim3A_4 {strides = array<i32>} : memref<160xi32, #tpu.memory_space<vmem>>, vector<16xi32>,
    %scan3A = arith.constant 0 : i32
    %scan3A_24 = arith.constant 0 : i32
    %scan3A_25 = arith.constant 20 : i32
    %scan3A_26 = arith.addi %scan3A_24, %scan3A_25 : i32
    %scan3A_27 = arith.constant 1 : i32
    %scan3A_28 = scf.for %scan3A_232 = %scan3A_24 to %scan3A_26 step %scan3A_27 iter_args(%scan3A_233 = %scan3A) -> (i32)  : i32 {
      %mul3A_234 = arith.constant 2000 : i32
      %mul3A_235 = arith.muli %scan3A_232, %mul3A_234 : i32
      %add3A_236 = arith.addi %mul3A_3, %mul3A_235 : i32
      %multiple_of3A_237 = tpu.assume_multiple %add3A_236, 8 : i32
      "tpu.region"() ({
        %run_scoped3A = tpu.sem_alloc : memref<!tpu.dma_semaphore, #tpu.memory_space<semaphore_mem>>
        %dma_start3A = tpu.memref_slice %arg2[%multiple_of3A_237] : memref<1280000xi32, #tpu.memory_space<hbm>> -> memref<2000xi32, #tpu.memory_space<hbm>>
        %dma_start3A_245 = tpu.memref_slice %arg2[%multiple_of3A_237] : memref<1280000xi32, #tpu.memory_space<hbm>> -> memref<2000xi32, #tpu.memory_space<hbm>>
        tpu.enqueue_dma source(%dma_start3A_245 : memref<2000xi32, #tpu.memory_space<hbm>>) target(%arg12 : memref<2000xi32, #tpu.memory_space<vmem>>) target_semaphore(%run_scoped3A : memref<!tpu.dma_semaphore, #tpu.memory_space<semaphore_mem>>)
        %dma_wait3A = tpu.memref_slice %arg2[%multiple_of3A_237] : memref<1280000xi32, #tpu.memory_space<hbm>> -> memref<2000xi32, #tpu.memory_space<hbm>>
        %dma_wait3A_246 = tpu.memref_slice %arg2[%multiple_of3A_237] : memref<1280000xi32, #tpu.memory_space<hbm>> -> memref<2000xi32, #tpu.memory_space<hbm>>
        tpu.wait_dma2 semaphore(%run_scoped3A : memref<!tpu.dma_semaphore, #tpu.memory_space<semaphore_mem>>) src(%dma_wait3A_246 : memref<2000xi32, #tpu.memory_space<hbm>>) dst(%arg12 : memref<2000xi32, #tpu.memory_space<vmem>>)
        tpu.yield
      }) : () -> ()
      %scan3A_238 = arith.constant 0 : i32
      %scan3A_239 = arith.constant 0 : i32
      %scan3A_240 = arith.constant 125 : i32
      %scan3A_241 = arith.addi %scan3A_239, %scan3A_240 : i32
      %scan3A_242 = arith.constant 1 : i32
      %scan3A_243 = scf.for %scan3A_245 = %scan3A_239 to %scan3A_241 step %scan3A_242 iter_args(%scan3A_246 = %scan3A_238) -> (i32)  : i32 {
        %mul3A_247 = arith.constant 16 : i32
        %mul3A_248 = arith.muli %scan3A_245, %mul3A_247 : i32
        %multiple_of3A_249 = tpu.assume_multiple %mul3A_248, 16 : i32
        %get3A_250 = arith.index_cast %multiple_of3A_249 : i32 to index
        %get3A_251 = tpu.vector_load %arg12[%get3A_250] {strides = array<i32>} : memref<2000xi32, #tpu.memory_space<vmem>>, vector<16xi32>,
        %shift_right_logical3A_252 = arith.constant 6 : i32
        %shift_right_logical3A_253 = vector.broadcast %shift_right_logical3A_252 : i32 to vector<16xi32>
        %shift_right_logical3A_254 = arith.shrui %get3A_251, %shift_right_logical3A_253 : vector<16xi32>
        %broadcast_in_dim3A_255 = arith.constant true
        %broadcast_in_dim3A_256 = vector.broadcast %broadcast_in_dim3A_255 : i1 to vector<16xi1>
        %unique3A, %unique3A_257 = tpu.scan_count mask(%broadcast_in_dim3A_256 : vector<16xi1>) value(%shift_right_logical3A_254 : vector<16xi32>) : vector<16xi1>, vector<16xi32>
        tpu.vector_store_idx %arg9[%shift_right_logical3A_254], %unique3A_257 masked %unique3A {add = true} : memref<160xi32, #tpu.memory_space<vmem>>[vector<16xi32>], vector<16xi32>, vector<16xi1>
        %scan3A_258 = arith.constant 0 : i32
        scf.yield %scan3A_258 : i32
      }
      %scan3A_244 = arith.constant 125 : i32
      scf.yield %scan3A_243 : i32
    }
    %scan3A_29 = arith.constant 20 : i32
    %get3A = arith.constant 0 : index
    %get3A_30 = tpu.vector_load %arg9[%get3A] {strides = array<i32>} : memref<160xi32, #tpu.memory_space<vmem>>, vector<16xi32>,
    %broadcast_in_dim3A_31 = arith.constant true
    %broadcast_in_dim3A_32 = vector.broadcast %broadcast_in_dim3A_31 : i1 to vector<16xi1>
    %masked_cumsum3A = tpu.scan <sum>, %get3A_30 masked %broadcast_in_dim3A_32 : vector<16xi32>, vector<16xi1> -> vector<16xi32>
    %sub3A = arith.subi %masked_cumsum3A, %get3A_30 : vector<16xi32>
    %add3A_33 = arith.constant 0 : i32
    %add3A_34 = vector.broadcast %add3A_33 : i32 to vector<16xi32>
    %add3A_35 = arith.addi %sub3A, %add3A_34 : vector<16xi32>
    %swap3A_36 = arith.constant 0 : index
    %swap3A_37 = tpu.vector_load %arg9[%swap3A_36] {strides = array<i32>} : memref<160xi32, #tpu.memory_space<vmem>>, vector<16xi32>,
    tpu.vector_store %arg9[%swap3A_36], %add3A_35 {strides = array<i32>} : memref<160xi32, #tpu.memory_space<vmem>>, vector<16xi32>,
    %add3A_38 = vector.broadcast %mul3A_3 : i32 to vector<16xi32>
    %add3A_39 = arith.addi %add3A_35, %add3A_38 : vector<16xi32>
    %swap3A_40 = arith.constant 0 : index
    %swap3A_41 = tpu.vector_load %arg10[%swap3A_40] {strides = array<i32>} : memref<176xi32, #tpu.memory_space<vmem>>, vector<16xi32>,
    tpu.vector_store %arg10[%swap3A_40], %add3A_39 {strides = array<i32>} : memref<176xi32, #tpu.memory_space<vmem>>, vector<16xi32>,
    %reduce_sum3A = arith.constant true
    %reduce_sum3A_42 = vector.broadcast %reduce_sum3A : i1 to vector<16xi1>
    %reduce_sum3A_43 = tpu.scan <sum>, %get3A_30 masked %reduce_sum3A_42 : vector<16xi32>, vector<16xi1> -> vector<16xi32>
    %reduce_sum3A_44 = vector.extract %reduce_sum3A_43[15] : i32 from vector<16xi32>
    %add3A_45 = arith.constant 0 : i32
    %add3A_46 = arith.addi %add3A_45, %reduce_sum3A_44 : i32
    %get3A_47 = arith.constant 16 : index
    %get3A_48 = tpu.vector_load %arg9[%get3A_47] {strides = array<i32>} : memref<160xi32, #tpu.memory_space<vmem>>, vector<16xi32>,
    %broadcast_in_dim3A_49 = arith.constant true
    %broadcast_in_dim3A_50 = vector.broadcast %broadcast_in_dim3A_49 : i1 to vector<16xi1>
    %masked_cumsum3A_51 = tpu.scan <sum>, %get3A_48 masked %broadcast_in_dim3A_50 : vector<16xi32>, vector<16xi1> -> vector<16xi32>
    %sub3A_52 = arith.subi %masked_cumsum3A_51, %get3A_48 : vector<16xi32>
    %add3A_53 = vector.broadcast %add3A_46 : i32 to vector<16xi32>
    %add3A_54 = arith.addi %sub3A_52, %add3A_53 : vector<16xi32>
    %swap3A_55 = arith.constant 16 : index
    %swap3A_56 = tpu.vector_load %arg9[%swap3A_55] {strides = array<i32>} : memref<160xi32, #tpu.memory_space<vmem>>, vector<16xi32>,
    tpu.vector_store %arg9[%swap3A_55], %add3A_54 {strides = array<i32>} : memref<160xi32, #tpu.memory_space<vmem>>, vector<16xi32>,
    %add3A_57 = vector.broadcast %mul3A_3 : i32 to vector<16xi32>
    %add3A_58 = arith.addi %add3A_54, %add3A_57 : vector<16xi32>
    %swap3A_59 = arith.constant 16 : index
    %swap3A_60 = tpu.vector_load %arg10[%swap3A_59] {strides = array<i32>} : memref<176xi32, #tpu.memory_space<vmem>>, vector<16xi32>,
    tpu.vector_store %arg10[%swap3A_59], %add3A_58 {strides = array<i32>} : memref<176xi32, #tpu.memory_space<vmem>>, vector<16xi32>,
    %reduce_sum3A_61 = arith.constant true
    %reduce_sum3A_62 = vector.broadcast %reduce_sum3A_61 : i1 to vector<16xi1>
    %reduce_sum3A_63 = tpu.scan <sum>, %get3A_48 masked %reduce_sum3A_62 : vector<16xi32>, vector<16xi1> -> vector<16xi32>
    %reduce_sum3A_64 = vector.extract %reduce_sum3A_63[15] : i32 from vector<16xi32>
    %add3A_65 = arith.addi %add3A_46, %reduce_sum3A_64 : i32
    %get3A_66 = arith.constant 32 : index
    %get3A_67 = tpu.vector_load %arg9[%get3A_66] {strides = array<i32>} : memref<160xi32, #tpu.memory_space<vmem>>, vector<16xi32>,
    %broadcast_in_dim3A_68 = arith.constant true
    %broadcast_in_dim3A_69 = vector.broadcast %broadcast_in_dim3A_68 : i1 to vector<16xi1>
    %masked_cumsum3A_70 = tpu.scan <sum>, %get3A_67 masked %broadcast_in_dim3A_69 : vector<16xi32>, vector<16xi1> -> vector<16xi32>
    %sub3A_71 = arith.subi %masked_cumsum3A_70, %get3A_67 : vector<16xi32>
    %add3A_72 = vector.broadcast %add3A_65 : i32 to vector<16xi32>
    %add3A_73 = arith.addi %sub3A_71, %add3A_72 : vector<16xi32>
    %swap3A_74 = arith.constant 32 : index
    %swap3A_75 = tpu.vector_load %arg9[%swap3A_74] {strides = array<i32>} : memref<160xi32, #tpu.memory_space<vmem>>, vector<16xi32>,
    tpu.vector_store %arg9[%swap3A_74], %add3A_73 {strides = array<i32>} : memref<160xi32, #tpu.memory_space<vmem>>, vector<16xi32>,
    %add3A_76 = vector.broadcast %mul3A_3 : i32 to vector<16xi32>
    %add3A_77 = arith.addi %add3A_73, %add3A_76 : vector<16xi32>
    %swap3A_78 = arith.constant 32 : index
    %swap3A_79 = tpu.vector_load %arg10[%swap3A_78] {strides = array<i32>} : memref<176xi32, #tpu.memory_space<vmem>>, vector<16xi32>,
    tpu.vector_store %arg10[%swap3A_78], %add3A_77 {strides = array<i32>} : memref<176xi32, #tpu.memory_space<vmem>>, vector<16xi32>,
    %reduce_sum3A_80 = arith.constant true
    %reduce_sum3A_81 = vector.broadcast %reduce_sum3A_80 : i1 to vector<16xi1>
    %reduce_sum3A_82 = tpu.scan <sum>, %get3A_67 masked %reduce_sum3A_81 : vector<16xi32>, vector<16xi1> -> vector<16xi32>
    %reduce_sum3A_83 = vector.extract %reduce_sum3A_82[15] : i32 from vector<16xi32>
    %add3A_84 = arith.addi %add3A_65, %reduce_sum3A_83 : i32
    %get3A_85 = arith.constant 48 : index
    %get3A_86 = tpu.vector_load %arg9[%get3A_85] {strides = array<i32>} : memref<160xi32, #tpu.memory_space<vmem>>, vector<16xi32>,
    %broadcast_in_dim3A_87 = arith.constant true
    %broadcast_in_dim3A_88 = vector.broadcast %broadcast_in_dim3A_87 : i1 to vector<16xi1>
    %masked_cumsum3A_89 = tpu.scan <sum>, %get3A_86 masked %broadcast_in_dim3A_88 : vector<16xi32>, vector<16xi1> -> vector<16xi32>
    %sub3A_90 = arith.subi %masked_cumsum3A_89, %get3A_86 : vector<16xi32>
    %add3A_91 = vector.broadcast %add3A_84 : i32 to vector<16xi32>
    %add3A_92 = arith.addi %sub3A_90, %add3A_91 : vector<16xi32>
    %swap3A_93 = arith.constant 48 : index
    %swap3A_94 = tpu.vector_load %arg9[%swap3A_93] {strides = array<i32>} : memref<160xi32, #tpu.memory_space<vmem>>, vector<16xi32>,
    tpu.vector_store %arg9[%swap3A_93], %add3A_92 {strides = array<i32>} : memref<160xi32, #tpu.memory_space<vmem>>, vector<16xi32>,
    %add3A_95 = vector.broadcast %mul3A_3 : i32 to vector<16xi32>
    %add3A_96 = arith.addi %add3A_92, %add3A_95 : vector<16xi32>
    %swap3A_97 = arith.constant 48 : index
    %swap3A_98 = tpu.vector_load %arg10[%swap3A_97] {strides = array<i32>} : memref<176xi32, #tpu.memory_space<vmem>>, vector<16xi32>,
    tpu.vector_store %arg10[%swap3A_97], %add3A_96 {strides = array<i32>} : memref<176xi32, #tpu.memory_space<vmem>>, vector<16xi32>,
    %reduce_sum3A_99 = arith.constant true
    %reduce_sum3A_100 = vector.broadcast %reduce_sum3A_99 : i1 to vector<16xi1>
    %reduce_sum3A_101 = tpu.scan <sum>, %get3A_86 masked %reduce_sum3A_100 : vector<16xi32>, vector<16xi1> -> vector<16xi32>
    %reduce_sum3A_102 = vector.extract %reduce_sum3A_101[15] : i32 from vector<16xi32>
    %add3A_103 = arith.addi %add3A_84, %reduce_sum3A_102 : i32
    %get3A_104 = arith.constant 64 : index
    %get3A_105 = tpu.vector_load %arg9[%get3A_104] {strides = array<i32>} : memref<160xi32, #tpu.memory_space<vmem>>, vector<16xi32>,
    %broadcast_in_dim3A_106 = arith.constant true
    %broadcast_in_dim3A_107 = vector.broadcast %broadcast_in_dim3A_106 : i1 to vector<16xi1>
    %masked_cumsum3A_108 = tpu.scan <sum>, %get3A_105 masked %broadcast_in_dim3A_107 : vector<16xi32>, vector<16xi1> -> vector<16xi32>
    %sub3A_109 = arith.subi %masked_cumsum3A_108, %get3A_105 : vector<16xi32>
    %add3A_110 = vector.broadcast %add3A_103 : i32 to vector<16xi32>
    %add3A_111 = arith.addi %sub3A_109, %add3A_110 : vector<16xi32>
    %swap3A_112 = arith.constant 64 : index
    %swap3A_113 = tpu.vector_load %arg9[%swap3A_112] {strides = array<i32>} : memref<160xi32, #tpu.memory_space<vmem>>, vector<16xi32>,
    tpu.vector_store %arg9[%swap3A_112], %add3A_111 {strides = array<i32>} : memref<160xi32, #tpu.memory_space<vmem>>, vector<16xi32>,
    %add3A_114 = vector.broadcast %mul3A_3 : i32 to vector<16xi32>
    %add3A_115 = arith.addi %add3A_111, %add3A_114 : vector<16xi32>
    %swap3A_116 = arith.constant 64 : index
    %swap3A_117 = tpu.vector_load %arg10[%swap3A_116] {strides = array<i32>} : memref<176xi32, #tpu.memory_space<vmem>>, vector<16xi32>,
    tpu.vector_store %arg10[%swap3A_116], %add3A_115 {strides = array<i32>} : memref<176xi32, #tpu.memory_space<vmem>>, vector<16xi32>,
    %reduce_sum3A_118 = arith.constant true
    %reduce_sum3A_119 = vector.broadcast %reduce_sum3A_118 : i1 to vector<16xi1>
    %reduce_sum3A_120 = tpu.scan <sum>, %get3A_105 masked %reduce_sum3A_119 : vector<16xi32>, vector<16xi1> -> vector<16xi32>
    %reduce_sum3A_121 = vector.extract %reduce_sum3A_120[15] : i32 from vector<16xi32>
    %add3A_122 = arith.addi %add3A_103, %reduce_sum3A_121 : i32
    %get3A_123 = arith.constant 80 : index
    %get3A_124 = tpu.vector_load %arg9[%get3A_123] {strides = array<i32>} : memref<160xi32, #tpu.memory_space<vmem>>, vector<16xi32>,
    %broadcast_in_dim3A_125 = arith.constant true
    %broadcast_in_dim3A_126 = vector.broadcast %broadcast_in_dim3A_125 : i1 to vector<16xi1>
    %masked_cumsum3A_127 = tpu.scan <sum>, %get3A_124 masked %broadcast_in_dim3A_126 : vector<16xi32>, vector<16xi1> -> vector<16xi32>
    %sub3A_128 = arith.subi %masked_cumsum3A_127, %get3A_124 : vector<16xi32>
    %add3A_129 = vector.broadcast %add3A_122 : i32 to vector<16xi32>
    %add3A_130 = arith.addi %sub3A_128, %add3A_129 : vector<16xi32>
    %swap3A_131 = arith.constant 80 : index
    %swap3A_132 = tpu.vector_load %arg9[%swap3A_131] {strides = array<i32>} : memref<160xi32, #tpu.memory_space<vmem>>, vector<16xi32>,
    tpu.vector_store %arg9[%swap3A_131], %add3A_130 {strides = array<i32>} : memref<160xi32, #tpu.memory_space<vmem>>, vector<16xi32>,
    %add3A_133 = vector.broadcast %mul3A_3 : i32 to vector<16xi32>
    %add3A_134 = arith.addi %add3A_130, %add3A_133 : vector<16xi32>
    %swap3A_135 = arith.constant 80 : index
    %swap3A_136 = tpu.vector_load %arg10[%swap3A_135] {strides = array<i32>} : memref<176xi32, #tpu.memory_space<vmem>>, vector<16xi32>,
    tpu.vector_store %arg10[%swap3A_135], %add3A_134 {strides = array<i32>} : memref<176xi32, #tpu.memory_space<vmem>>, vector<16xi32>,
    %reduce_sum3A_137 = arith.constant true
    %reduce_sum3A_138 = vector.broadcast %reduce_sum3A_137 : i1 to vector<16xi1>
    %reduce_sum3A_139 = tpu.scan <sum>, %get3A_124 masked %reduce_sum3A_138 : vector<16xi32>, vector<16xi1> -> vector<16xi32>
    %reduce_sum3A_140 = vector.extract %reduce_sum3A_139[15] : i32 from vector<16xi32>
    %add3A_141 = arith.addi %add3A_122, %reduce_sum3A_140 : i32
    %get3A_142 = arith.constant 96 : index
    %get3A_143 = tpu.vector_load %arg9[%get3A_142] {strides = array<i32>} : memref<160xi32, #tpu.memory_space<vmem>>, vector<16xi32>,
    %broadcast_in_dim3A_144 = arith.constant true
    %broadcast_in_dim3A_145 = vector.broadcast %broadcast_in_dim3A_144 : i1 to vector<16xi1>
    %masked_cumsum3A_146 = tpu.scan <sum>, %get3A_143 masked %broadcast_in_dim3A_145 : vector<16xi32>, vector<16xi1> -> vector<16xi32>
    %sub3A_147 = arith.subi %masked_cumsum3A_146, %get3A_143 : vector<16xi32>
    %add3A_148 = vector.broadcast %add3A_141 : i32 to vector<16xi32>
    %add3A_149 = arith.addi %sub3A_147, %add3A_148 : vector<16xi32>
    %swap3A_150 = arith.constant 96 : index
    %swap3A_151 = tpu.vector_load %arg9[%swap3A_150] {strides = array<i32>} : memref<160xi32, #tpu.memory_space<vmem>>, vector<16xi32>,
    tpu.vector_store %arg9[%swap3A_150], %add3A_149 {strides = array<i32>} : memref<160xi32, #tpu.memory_space<vmem>>, vector<16xi32>,
    %add3A_152 = vector.broadcast %mul3A_3 : i32 to vector<16xi32>
    %add3A_153 = arith.addi %add3A_149, %add3A_152 : vector<16xi32>
    %swap3A_154 = arith.constant 96 : index
    %swap3A_155 = tpu.vector_load %arg10[%swap3A_154] {strides = array<i32>} : memref<176xi32, #tpu.memory_space<vmem>>, vector<16xi32>,
    tpu.vector_store %arg10[%swap3A_154], %add3A_153 {strides = array<i32>} : memref<176xi32, #tpu.memory_space<vmem>>, vector<16xi32>,
    %reduce_sum3A_156 = arith.constant true
    %reduce_sum3A_157 = vector.broadcast %reduce_sum3A_156 : i1 to vector<16xi1>
    %reduce_sum3A_158 = tpu.scan <sum>, %get3A_143 masked %reduce_sum3A_157 : vector<16xi32>, vector<16xi1> -> vector<16xi32>
    %reduce_sum3A_159 = vector.extract %reduce_sum3A_158[15] : i32 from vector<16xi32>
    %add3A_160 = arith.addi %add3A_141, %reduce_sum3A_159 : i32
    %get3A_161 = arith.constant 112 : index
    %get3A_162 = tpu.vector_load %arg9[%get3A_161] {strides = array<i32>} : memref<160xi32, #tpu.memory_space<vmem>>, vector<16xi32>,
    %broadcast_in_dim3A_163 = arith.constant true
    %broadcast_in_dim3A_164 = vector.broadcast %broadcast_in_dim3A_163 : i1 to vector<16xi1>
    %masked_cumsum3A_165 = tpu.scan <sum>, %get3A_162 masked %broadcast_in_dim3A_164 : vector<16xi32>, vector<16xi1> -> vector<16xi32>
    %sub3A_166 = arith.subi %masked_cumsum3A_165, %get3A_162 : vector<16xi32>
    %add3A_167 = vector.broadcast %add3A_160 : i32 to vector<16xi32>
    %add3A_168 = arith.addi %sub3A_166, %add3A_167 : vector<16xi32>
    %swap3A_169 = arith.constant 112 : index
    %swap3A_170 = tpu.vector_load %arg9[%swap3A_169] {strides = array<i32>} : memref<160xi32, #tpu.memory_space<vmem>>, vector<16xi32>,
    tpu.vector_store %arg9[%swap3A_169], %add3A_168 {strides = array<i32>} : memref<160xi32, #tpu.memory_space<vmem>>, vector<16xi32>,
    %add3A_171 = vector.broadcast %mul3A_3 : i32 to vector<16xi32>
    %add3A_172 = arith.addi %add3A_168, %add3A_171 : vector<16xi32>
    %swap3A_173 = arith.constant 112 : index
    %swap3A_174 = tpu.vector_load %arg10[%swap3A_173] {strides = array<i32>} : memref<176xi32, #tpu.memory_space<vmem>>, vector<16xi32>,
    tpu.vector_store %arg10[%swap3A_173], %add3A_172 {strides = array<i32>} : memref<176xi32, #tpu.memory_space<vmem>>, vector<16xi32>,
    %reduce_sum3A_175 = arith.constant true
    %reduce_sum3A_176 = vector.broadcast %reduce_sum3A_175 : i1 to vector<16xi1>
    %reduce_sum3A_177 = tpu.scan <sum>, %get3A_162 masked %reduce_sum3A_176 : vector<16xi32>, vector<16xi1> -> vector<16xi32>
    %reduce_sum3A_178 = vector.extract %reduce_sum3A_177[15] : i32 from vector<16xi32>
    %add3A_179 = arith.addi %add3A_160, %reduce_sum3A_178 : i32
    %get3A_180 = arith.constant 128 : index
    %get3A_181 = tpu.vector_load %arg9[%get3A_180] {strides = array<i32>} : memref<160xi32, #tpu.memory_space<vmem>>, vector<16xi32>,
    %broadcast_in_dim3A_182 = arith.constant true
    %broadcast_in_dim3A_183 = vector.broadcast %broadcast_in_dim3A_182 : i1 to vector<16xi1>
    %masked_cumsum3A_184 = tpu.scan <sum>, %get3A_181 masked %broadcast_in_dim3A_183 : vector<16xi32>, vector<16xi1> -> vector<16xi32>
    %sub3A_185 = arith.subi %masked_cumsum3A_184, %get3A_181 : vector<16xi32>
    %add3A_186 = vector.broadcast %add3A_179 : i32 to vector<16xi32>
    %add3A_187 = arith.addi %sub3A_185, %add3A_186 : vector<16xi32>
    %swap3A_188 = arith.constant 128 : index
    %swap3A_189 = tpu.vector_load %arg9[%swap3A_188] {strides = array<i32>} : memref<160xi32, #tpu.memory_space<vmem>>, vector<16xi32>,
    tpu.vector_store %arg9[%swap3A_188], %add3A_187 {strides = array<i32>} : memref<160xi32, #tpu.memory_space<vmem>>, vector<16xi32>,
    %add3A_190 = vector.broadcast %mul3A_3 : i32 to vector<16xi32>
    %add3A_191 = arith.addi %add3A_187, %add3A_190 : vector<16xi32>
    %swap3A_192 = arith.constant 128 : index
    %swap3A_193 = tpu.vector_load %arg10[%swap3A_192] {strides = array<i32>} : memref<176xi32, #tpu.memory_space<vmem>>, vector<16xi32>,
    tpu.vector_store %arg10[%swap3A_192], %add3A_191 {strides = array<i32>} : memref<176xi32, #tpu.memory_space<vmem>>, vector<16xi32>,
    %reduce_sum3A_194 = arith.constant true
    %reduce_sum3A_195 = vector.broadcast %reduce_sum3A_194 : i1 to vector<16xi1>
    %reduce_sum3A_196 = tpu.scan <sum>, %get3A_181 masked %reduce_sum3A_195 : vector<16xi32>, vector<16xi1> -> vector<16xi32>
    %reduce_sum3A_197 = vector.extract %reduce_sum3A_196[15] : i32 from vector<16xi32>
    %add3A_198 = arith.addi %add3A_179, %reduce_sum3A_197 : i32
    %get3A_199 = arith.constant 144 : index
    %get3A_200 = tpu.vector_load %arg9[%get3A_199] {strides = array<i32>} : memref<160xi32, #tpu.memory_space<vmem>>, vector<16xi32>,
    %broadcast_in_dim3A_201 = arith.constant true
    %broadcast_in_dim3A_202 = vector.broadcast %broadcast_in_dim3A_201 : i1 to vector<16xi1>
    %masked_cumsum3A_203 = tpu.scan <sum>, %get3A_200 masked %broadcast_in_dim3A_202 : vector<16xi32>, vector<16xi1> -> vector<16xi32>
    %sub3A_204 = arith.subi %masked_cumsum3A_203, %get3A_200 : vector<16xi32>
    %add3A_205 = vector.broadcast %add3A_198 : i32 to vector<16xi32>
    %add3A_206 = arith.addi %sub3A_204, %add3A_205 : vector<16xi32>
    %swap3A_207 = arith.constant 144 : index
    %swap3A_208 = tpu.vector_load %arg9[%swap3A_207] {strides = array<i32>} : memref<160xi32, #tpu.memory_space<vmem>>, vector<16xi32>,
    tpu.vector_store %arg9[%swap3A_207], %add3A_206 {strides = array<i32>} : memref<160xi32, #tpu.memory_space<vmem>>, vector<16xi32>,
    %add3A_209 = vector.broadcast %mul3A_3 : i32 to vector<16xi32>
    %add3A_210 = arith.addi %add3A_206, %add3A_209 : vector<16xi32>
    %swap3A_211 = arith.constant 144 : index
    %swap3A_212 = tpu.vector_load %arg10[%swap3A_211] {strides = array<i32>} : memref<176xi32, #tpu.memory_space<vmem>>, vector<16xi32>,
    tpu.vector_store %arg10[%swap3A_211], %add3A_210 {strides = array<i32>} : memref<176xi32, #tpu.memory_space<vmem>>, vector<16xi32>,
    %reduce_sum3A_213 = arith.constant true
    %reduce_sum3A_214 = vector.broadcast %reduce_sum3A_213 : i1 to vector<16xi1>
    %reduce_sum3A_215 = tpu.scan <sum>, %get3A_200 masked %reduce_sum3A_214 : vector<16xi32>, vector<16xi1> -> vector<16xi32>
    %reduce_sum3A_216 = vector.extract %reduce_sum3A_215[15] : i32 from vector<16xi32>
    %add3A_217 = arith.addi %add3A_198, %reduce_sum3A_216 : i32
    %broadcast_in_dim3A_218 = arith.constant 40000 : i32
    %broadcast_in_dim3A_219 = vector.broadcast %broadcast_in_dim3A_218 : i32 to vector<16xi32>
    %add3A_220 = vector.broadcast %mul3A_3 : i32 to vector<16xi32>
    %add3A_221 = arith.addi %broadcast_in_dim3A_219, %add3A_220 : vector<16xi32>
    %swap3A_222 = arith.constant 160 : index
    %swap3A_223 = tpu.vector_load %arg10[%swap3A_222] {strides = array<i32>} : memref<176xi32, #tpu.memory_space<vmem>>, vector<16xi32>,
    tpu.vector_store %arg10[%swap3A_222], %add3A_221 {strides = array<i32>} : memref<176xi32, #tpu.memory_space<vmem>>, vector<16xi32>,
    "tpu.region"() ({
      %run_scoped3A = tpu.sem_alloc : memref<!tpu.dma_semaphore, #tpu.memory_space<semaphore_mem>>
      %dma_start3A = arith.constant 0 : i32
      %dma_start3A_232 = tpu.memref_slice %arg8[%add3A, %dma_start3A] : memref<32x176xi32, #tpu.memory_space<hbm>> -> memref<1x176xi32, #tpu.memory_space<hbm>>
      %dma_start3A_233 = tpu.memref_squeeze %dma_start3A_232 : memref<1x176xi32, #tpu.memory_space<hbm>> -> memref<176xi32, #tpu.memory_space<hbm>>
      %dma_start3A_234 = arith.constant 0 : i32
      %dma_start3A_235 = tpu.memref_slice %arg8[%add3A, %dma_start3A_234] : memref<32x176xi32, #tpu.memory_space<hbm>> -> memref<1x176xi32, #tpu.memory_space<hbm>>
      %dma_start3A_236 = tpu.memref_squeeze %dma_start3A_235 : memref<1x176xi32, #tpu.memory_space<hbm>> -> memref<176xi32, #tpu.memory_space<hbm>>
      tpu.enqueue_dma source(%arg10 : memref<176xi32, #tpu.memory_space<vmem>>) target(%dma_start3A_236 : memref<176xi32, #tpu.memory_space<hbm>>) target_semaphore(%run_scoped3A : memref<!tpu.dma_semaphore, #tpu.memory_space<semaphore_mem>>)
      %dma_wait3A = arith.constant 0 : i32
      %dma_wait3A_237 = tpu.memref_slice %arg8[%add3A, %dma_wait3A] : memref<32x176xi32, #tpu.memory_space<hbm>> -> memref<1x176xi32, #tpu.memory_space<hbm>>
      %dma_wait3A_238 = tpu.memref_squeeze %dma_wait3A_237 : memref<1x176xi32, #tpu.memory_space<hbm>> -> memref<176xi32, #tpu.memory_space<hbm>>
      %dma_wait3A_239 = arith.constant 0 : i32
      %dma_wait3A_240 = tpu.memref_slice %arg8[%add3A, %dma_wait3A_239] : memref<32x176xi32, #tpu.memory_space<hbm>> -> memref<1x176xi32, #tpu.memory_space<hbm>>
      %dma_wait3A_241 = tpu.memref_squeeze %dma_wait3A_240 : memref<1x176xi32, #tpu.memory_space<hbm>> -> memref<176xi32, #tpu.memory_space<hbm>>
      tpu.wait_dma2 semaphore(%run_scoped3A : memref<!tpu.dma_semaphore, #tpu.memory_space<semaphore_mem>>) src(%arg10 : memref<176xi32, #tpu.memory_space<vmem>>) dst(%dma_wait3A_241 : memref<176xi32, #tpu.memory_space<hbm>>)
      tpu.yield
    }) : () -> ()
    %broadcast_in_dim3A_224 = vector.broadcast %shift_right_logical3A_1 : i32 to vector<16xi32>
    %gather3A = tpu.vector_load_idx %arg11[%broadcast_in_dim3A_224] : memref<16xf32, #tpu.memory_space<vmem>>[vector<16xi32>], vector<16xf32>,
    %scan3A_225 = arith.constant 0 : i32
    %scan3A_226 = arith.constant 0 : i32
    %scan3A_227 = arith.constant 20 : i32
    %scan3A_228 = arith.addi %scan3A_226, %scan3A_227 : i32
    %scan3A_229 = arith.constant 1 : i32
    %scan3A_230 = scf.for %scan3A_232 = %scan3A_226 to %scan3A_228 step %scan3A_229 iter_args(%scan3A_233 = %scan3A_225) -> (i32)  : i32 {
      %mul3A_234 = arith.constant 2000 : i32
      %mul3A_235 = arith.muli %scan3A_232, %mul3A_234 : i32
      %add3A_236 = arith.addi %mul3A_3, %mul3A_235 : i32
      %multiple_of3A_237 = tpu.assume_multiple %add3A_236, 8 : i32
      "tpu.region"() ({
        %run_scoped3A = tpu.sem_alloc : memref<!tpu.dma_semaphore, #tpu.memory_space<semaphore_mem>>
        %dma_start3A = tpu.memref_slice %arg2[%multiple_of3A_237] : memref<1280000xi32, #tpu.memory_space<hbm>> -> memref<2000xi32, #tpu.memory_space<hbm>>
        %dma_start3A_245 = tpu.memref_slice %arg2[%multiple_of3A_237] : memref<1280000xi32, #tpu.memory_space<hbm>> -> memref<2000xi32, #tpu.memory_space<hbm>>
        tpu.enqueue_dma source(%dma_start3A_245 : memref<2000xi32, #tpu.memory_space<hbm>>) target(%arg12 : memref<2000xi32, #tpu.memory_space<vmem>>) target_semaphore(%run_scoped3A : memref<!tpu.dma_semaphore, #tpu.memory_space<semaphore_mem>>)
        %dma_wait3A = tpu.memref_slice %arg2[%multiple_of3A_237] : memref<1280000xi32, #tpu.memory_space<hbm>> -> memref<2000xi32, #tpu.memory_space<hbm>>
        %dma_wait3A_246 = tpu.memref_slice %arg2[%multiple_of3A_237] : memref<1280000xi32, #tpu.memory_space<hbm>> -> memref<2000xi32, #tpu.memory_space<hbm>>
        tpu.wait_dma2 semaphore(%run_scoped3A : memref<!tpu.dma_semaphore, #tpu.memory_space<semaphore_mem>>) src(%dma_wait3A_246 : memref<2000xi32, #tpu.memory_space<hbm>>) dst(%arg12 : memref<2000xi32, #tpu.memory_space<vmem>>)
        tpu.yield
      }) : () -> ()
      "tpu.region"() ({
        %run_scoped3A = tpu.sem_alloc : memref<!tpu.dma_semaphore, #tpu.memory_space<semaphore_mem>>
        %dma_start3A = tpu.memref_slice %arg3[%multiple_of3A_237] : memref<1280000xi32, #tpu.memory_space<hbm>> -> memref<2000xi32, #tpu.memory_space<hbm>>
        %dma_start3A_245 = tpu.memref_slice %arg3[%multiple_of3A_237] : memref<1280000xi32, #tpu.memory_space<hbm>> -> memref<2000xi32, #tpu.memory_space<hbm>>
        tpu.enqueue_dma source(%dma_start3A_245 : memref<2000xi32, #tpu.memory_space<hbm>>) target(%arg13 : memref<2000xi32, #tpu.memory_space<vmem>>) target_semaphore(%run_scoped3A : memref<!tpu.dma_semaphore, #tpu.memory_space<semaphore_mem>>)
        %dma_wait3A = tpu.memref_slice %arg3[%multiple_of3A_237] : memref<1280000xi32, #tpu.memory_space<hbm>> -> memref<2000xi32, #tpu.memory_space<hbm>>
        %dma_wait3A_246 = tpu.memref_slice %arg3[%multiple_of3A_237] : memref<1280000xi32, #tpu.memory_space<hbm>> -> memref<2000xi32, #tpu.memory_space<hbm>>
        tpu.wait_dma2 semaphore(%run_scoped3A : memref<!tpu.dma_semaphore, #tpu.memory_space<semaphore_mem>>) src(%dma_wait3A_246 : memref<2000xi32, #tpu.memory_space<hbm>>) dst(%arg13 : memref<2000xi32, #tpu.memory_space<vmem>>)
        tpu.yield
      }) : () -> ()
      "tpu.region"() ({
        %run_scoped3A = tpu.sem_alloc : memref<!tpu.dma_semaphore, #tpu.memory_space<semaphore_mem>>
        %dma_start3A = tpu.memref_slice %arg4[%multiple_of3A_237] : memref<1280000xf32, #tpu.memory_space<hbm>> -> memref<2000xf32, #tpu.memory_space<hbm>>
        %dma_start3A_245 = tpu.memref_slice %arg4[%multiple_of3A_237] : memref<1280000xf32, #tpu.memory_space<hbm>> -> memref<2000xf32, #tpu.memory_space<hbm>>
        tpu.enqueue_dma source(%dma_start3A_245 : memref<2000xf32, #tpu.memory_space<hbm>>) target(%arg14 : memref<2000xf32, #tpu.memory_space<vmem>>) target_semaphore(%run_scoped3A : memref<!tpu.dma_semaphore, #tpu.memory_space<semaphore_mem>>)
        %dma_wait3A = tpu.memref_slice %arg4[%multiple_of3A_237] : memref<1280000xf32, #tpu.memory_space<hbm>> -> memref<2000xf32, #tpu.memory_space<hbm>>
        %dma_wait3A_246 = tpu.memref_slice %arg4[%multiple_of3A_237] : memref<1280000xf32, #tpu.memory_space<hbm>> -> memref<2000xf32, #tpu.memory_space<hbm>>
        tpu.wait_dma2 semaphore(%run_scoped3A : memref<!tpu.dma_semaphore, #tpu.memory_space<semaphore_mem>>) src(%dma_wait3A_246 : memref<2000xf32, #tpu.memory_space<hbm>>) dst(%arg14 : memref<2000xf32, #tpu.memory_space<vmem>>)
        tpu.yield
      }) : () -> ()
      %scan3A_238 = arith.constant 0 : i32
      %scan3A_239 = arith.constant 0 : i32
      %scan3A_240 = arith.constant 125 : i32
      %scan3A_241 = arith.addi %scan3A_239, %scan3A_240 : i32
      %scan3A_242 = arith.constant 1 : i32
      %scan3A_243 = scf.for %scan3A_245 = %scan3A_239 to %scan3A_241 step %scan3A_242 iter_args(%scan3A_246 = %scan3A_238) -> (i32)  : i32 {
        %mul3A_247 = arith.constant 16 : i32
        %mul3A_248 = arith.muli %scan3A_245, %mul3A_247 : i32
        %multiple_of3A_249 = tpu.assume_multiple %mul3A_248, 16 : i32
        %get3A_250 = arith.index_cast %multiple_of3A_249 : i32 to index
        %get3A_251 = tpu.vector_load %arg12[%get3A_250] {strides = array<i32>} : memref<2000xi32, #tpu.memory_space<vmem>>, vector<16xi32>,
        %get3A_252 = arith.index_cast %multiple_of3A_249 : i32 to index
        %get3A_253 = tpu.vector_load %arg13[%get3A_252] {strides = array<i32>} : memref<2000xi32, #tpu.memory_space<vmem>>, vector<16xi32>,
        %get3A_254 = arith.index_cast %multiple_of3A_249 : i32 to index
        %get3A_255 = tpu.vector_load %arg14[%get3A_254] {strides = array<i32>} : memref<2000xf32, #tpu.memory_space<vmem>>, vector<16xf32>,
        %shift_right_logical3A_256 = arith.constant 6 : i32
        %shift_right_logical3A_257 = vector.broadcast %shift_right_logical3A_256 : i32 to vector<16xi32>
        %shift_right_logical3A_258 = arith.shrui %get3A_251, %shift_right_logical3A_257 : vector<16xi32>
        %broadcast_in_dim3A_259 = arith.constant true
        %broadcast_in_dim3A_260 = vector.broadcast %broadcast_in_dim3A_259 : i1 to vector<16xi1>
        %unique3A, %unique3A_261 = tpu.scan_count mask(%broadcast_in_dim3A_260 : vector<16xi1>) value(%shift_right_logical3A_258 : vector<16xi32>) : vector<16xi1>, vector<16xi32>
        %gather3A_262 = tpu.vector_load_idx %arg9[%shift_right_logical3A_258] : memref<160xi32, #tpu.memory_space<vmem>>[vector<16xi32>], vector<16xi32>,
        %add3A_263 = arith.addi %gather3A_262, %unique3A_261 : vector<16xi32>
        %sub3A_264 = arith.constant 1 : i32
        %sub3A_265 = vector.broadcast %sub3A_264 : i32 to vector<16xi32>
        %sub3A_266 = arith.subi %add3A_263, %sub3A_265 : vector<16xi32>
        tpu.vector_store_idx %arg9[%shift_right_logical3A_258], %unique3A_261 masked %unique3A {add = true} : memref<160xi32, #tpu.memory_space<vmem>>[vector<16xi32>], vector<16xi32>, vector<16xi1>
        %and3A = arith.constant 63 : i32
        %and3A_267 = vector.broadcast %and3A : i32 to vector<16xi32>
        %and3A_268 = arith.andi %get3A_251, %and3A_267 : vector<16xi32>
        %mul3A_269 = arith.constant 10000 : i32
        %mul3A_270 = vector.broadcast %mul3A_269 : i32 to vector<16xi32>
        %mul3A_271 = arith.muli %and3A_268, %mul3A_270 : vector<16xi32>
        %add3A_272 = arith.addi %mul3A_271, %get3A_253 : vector<16xi32>
        %mul3A_273 = arith.mulf %get3A_255, %gather3A : vector<16xf32>
        tpu.vector_store_idx %arg15[%sub3A_266], %add3A_272 : memref<40000xi32, #tpu.memory_space<vmem>>[vector<16xi32>], vector<16xi32>,
        tpu.vector_store_idx %arg16[%sub3A_266], %mul3A_273 : memref<40000xf32, #tpu.memory_space<vmem>>[vector<16xi32>], vector<16xf32>,
        %scan3A_274 = arith.constant 0 : i32
        scf.yield %scan3A_274 : i32
      }
      %scan3A_244 = arith.constant 125 : i32
      scf.yield %scan3A_243 : i32
    }
    %scan3A_231 = arith.constant 20 : i32
    %multiple_of3A = tpu.assume_multiple %mul3A_3, 8 : i32
    "tpu.region"() ({
      %run_scoped3A = tpu.sem_alloc : memref<!tpu.dma_semaphore, #tpu.memory_space<semaphore_mem>>
      %dma_start3A = tpu.memref_slice %arg6[%multiple_of3A] : memref<1281024xi32, #tpu.memory_space<hbm>> -> memref<40000xi32, #tpu.memory_space<hbm>>
      %dma_start3A_232 = tpu.memref_slice %arg6[%multiple_of3A] : memref<1281024xi32, #tpu.memory_space<hbm>> -> memref<40000xi32, #tpu.memory_space<hbm>>
      tpu.enqueue_dma source(%arg15 : memref<40000xi32, #tpu.memory_space<vmem>>) target(%dma_start3A_232 : memref<40000xi32, #tpu.memory_space<hbm>>) target_semaphore(%run_scoped3A : memref<!tpu.dma_semaphore, #tpu.memory_space<semaphore_mem>>)
      %dma_wait3A = tpu.memref_slice %arg6[%multiple_of3A] : memref<1281024xi32, #tpu.memory_space<hbm>> -> memref<40000xi32, #tpu.memory_space<hbm>>
      %dma_wait3A_233 = tpu.memref_slice %arg6[%multiple_of3A] : memref<1281024xi32, #tpu.memory_space<hbm>> -> memref<40000xi32, #tpu.memory_space<hbm>>
      tpu.wait_dma2 semaphore(%run_scoped3A : memref<!tpu.dma_semaphore, #tpu.memory_space<semaphore_mem>>) src(%arg15 : memref<40000xi32, #tpu.memory_space<vmem>>) dst(%dma_wait3A_233 : memref<40000xi32, #tpu.memory_space<hbm>>)
      tpu.yield
    }) : () -> ()
    "tpu.region"() ({
      %run_scoped3A = tpu.sem_alloc : memref<!tpu.dma_semaphore, #tpu.memory_space<semaphore_mem>>
      %dma_start3A = tpu.memref_slice %arg7[%multiple_of3A] : memref<1281024xf32, #tpu.memory_space<hbm>> -> memref<40000xf32, #tpu.memory_space<hbm>>
      %dma_start3A_232 = tpu.memref_slice %arg7[%multiple_of3A] : memref<1281024xf32, #tpu.memory_space<hbm>> -> memref<40000xf32, #tpu.memory_space<hbm>>
      tpu.enqueue_dma source(%arg16 : memref<40000xf32, #tpu.memory_space<vmem>>) target(%dma_start3A_232 : memref<40000xf32, #tpu.memory_space<hbm>>) target_semaphore(%run_scoped3A : memref<!tpu.dma_semaphore, #tpu.memory_space<semaphore_mem>>)
      %dma_wait3A = tpu.memref_slice %arg7[%multiple_of3A] : memref<1281024xf32, #tpu.memory_space<hbm>> -> memref<40000xf32, #tpu.memory_space<hbm>>
      %dma_wait3A_233 = tpu.memref_slice %arg7[%multiple_of3A] : memref<1281024xf32, #tpu.memory_space<hbm>> -> memref<40000xf32, #tpu.memory_space<hbm>>
      tpu.wait_dma2 semaphore(%run_scoped3A : memref<!tpu.dma_semaphore, #tpu.memory_space<semaphore_mem>>) src(%arg16 : memref<40000xf32, #tpu.memory_space<vmem>>) dst(%dma_wait3A_233 : memref<40000xf32, #tpu.memory_space<hbm>>)
      tpu.yield
    }) : () -> ()
    return
  }
}

module attributes {stable_mosaic.version = 14 : i64} {
  func.func @_proj_kernel(%arg0: i32, %arg1: memref<2000x128xf32, #tpu.memory_space<vmem>>, %arg2: memref<128x128xf32, #tpu.memory_space<vmem>>, %arg3: memref<1x128xf32, #tpu.memory_space<vmem>>, %arg4: memref<128x1xf32, #tpu.memory_space<vmem>>, %arg5: memref<1x4xf32, #tpu.memory_space<vmem>>, %arg6: memref<1x4xf32, #tpu.memory_space<vmem>>) attributes {dimension_semantics = [#tpu.dimension_semantics<arbitrary>], iteration_bounds = array<i64: 20>, scalar_prefetch = 0 : i64, scratch_operands = 0 : i64, tpu.core_type = #tpu.core_type<tc>, window_params = [{transform_indices = @transform_0, window_bounds = array<i64: 2000, 128>}, {pipeline_mode = #tpu.pipeline_mode<synchronous>, transform_indices = @transform_1, window_bounds = array<i64: 128, 128>}, {pipeline_mode = #tpu.pipeline_mode<synchronous>, transform_indices = @transform_2, window_bounds = array<i64: 1, 128>}, {pipeline_mode = #tpu.pipeline_mode<synchronous>, transform_indices = @transform_3, window_bounds = array<i64: 128, 1>}, {pipeline_mode = #tpu.pipeline_mode<synchronous>, transform_indices = @transform_4, window_bounds = array<i64: 1, 4>}, {pipeline_mode = #tpu.pipeline_mode<synchronous>, transform_indices = @transform_5, window_bounds = array<i64: 1, 4>}]} {
    %get3A = arith.constant 0 : index
    %get3A_0 = arith.constant 0 : index
    %get3A_1 = vector.load %arg1[%get3A, %get3A_0] : memref<2000x128xf32, #tpu.memory_space<vmem>>, vector<2000x128xf32>
    %get3A_2 = arith.constant 0 : index
    %get3A_3 = arith.constant 0 : index
    %get3A_4 = vector.load %arg2[%get3A_2, %get3A_3] : memref<128x128xf32, #tpu.memory_space<vmem>>, vector<128x128xf32>
    %dot_general3A = arith.constant dense<0.000000e+00> : vector<2000x128xf32>
    %dot_general3A_5 = tpu.matmul %get3A_1, %get3A_4, %dot_general3A {dimension_numbers = #tpu.dot_dimension_numbers<[1], [0], [0], [1], [0, 0, 1, 1], [], []>, transpose_lhs_hint = false} : vector<2000x128xf32>, vector<128x128xf32>, vector<2000x128xf32> -> vector<2000x128xf32>
    %get3A_6 = arith.constant 0 : index
    %get3A_7 = arith.constant 0 : index
    %get3A_8 = vector.load %arg3[%get3A_6, %get3A_7] : memref<1x128xf32, #tpu.memory_space<vmem>>, vector<1x128xf32>
    %add3A = vector.broadcast %get3A_8 : vector<1x128xf32> to vector<2000x128xf32>
    %add3A_9 = arith.addf %dot_general3A_5, %add3A : vector<2000x128xf32>
    %get3A_10 = arith.constant 0 : index
    %get3A_11 = arith.constant 0 : index
    %get3A_12 = vector.load %arg4[%get3A_10, %get3A_11] : memref<128x1xf32, #tpu.memory_space<vmem>>, vector<128x1xf32>
    %dot_general3A_13 = arith.constant dense<0.000000e+00> : vector<2000x1xf32>
    %dot_general3A_14 = tpu.matmul %add3A_9, %get3A_12, %dot_general3A_13 {dimension_numbers = #tpu.dot_dimension_numbers<[1], [0], [0], [1], [0, 0, 1, 1], [], []>, transpose_lhs_hint = false} : vector<2000x128xf32>, vector<128x1xf32>, vector<2000x1xf32> -> vector<2000x1xf32>
    %ge3A = arith.constant 0.000000e+00 : f32
    %ge3A_15 = vector.broadcast %ge3A : f32 to vector<2000x1xf32>
    %ge3A_16 = arith.cmpf oge, %dot_general3A_14, %ge3A_15 : vector<2000x1xf32>
    %mul3A = arith.constant 0.00999999977 : f32
    %mul3A_17 = vector.broadcast %mul3A : f32 to vector<2000x1xf32>
    %mul3A_18 = arith.mulf %mul3A_17, %dot_general3A_14 : vector<2000x1xf32>
    %select_n3A = arith.select %ge3A_16, %dot_general3A_14, %mul3A_18 : vector<2000x1xi1>, vector<2000x1xf32>
    %iota3A = tpu.iota {dimensions = array<i32: 0>} : vector<2000x4xi32>
    %iota3A_19 = tpu.iota {dimensions = array<i32: 1>} : vector<2000x4xi32>
    %jit3A = arith.constant 4 : i32
    %eq3A = arith.constant 0 : i32
    %eq3A_20 = arith.cmpi eq, %jit3A, %eq3A : i32
    %jit3A_21 = arith.constant 1 : i32
    %select_n3A_22 = arith.select %eq3A_20, %jit3A_21, %jit3A : i32
    %rem3A = vector.broadcast %select_n3A_22 : i32 to vector<2000x4xi32>
    %rem3A_23 = arith.remsi %iota3A, %rem3A : vector<2000x4xi32>
    %ne3A = arith.constant 0 : i32
    %ne3A_24 = vector.broadcast %ne3A : i32 to vector<2000x4xi32>
    %ne3A_25 = arith.cmpi ne, %rem3A_23, %ne3A_24 : vector<2000x4xi32>
    %lt3A = arith.constant 0 : i32
    %lt3A_26 = vector.broadcast %lt3A : i32 to vector<2000x4xi32>
    %lt3A_27 = arith.cmpi slt, %rem3A_23, %lt3A_26 : vector<2000x4xi32>
    %lt3A_28 = arith.constant 0 : i32
    %lt3A_29 = arith.cmpi slt, %select_n3A_22, %lt3A_28 : i32
    %ne3A_30 = vector.broadcast %lt3A_29 : i1 to vector<2000x4xi1>
    %ne3A_31 = vector.broadcast %ne3A_30 : vector<2000x4xi1> to vector<2000x4xi1>
    %ne3A_32 = arith.xori %lt3A_27, %ne3A_31 : vector<2000x4xi1>
    %and3A = arith.andi %ne3A_32, %ne3A_25 : vector<2000x4xi1>
    %add3A_33 = vector.broadcast %select_n3A_22 : i32 to vector<2000x4xi32>
    %add3A_34 = arith.addi %rem3A_23, %add3A_33 : vector<2000x4xi32>
    %select_n3A_35 = arith.select %and3A, %add3A_34, %rem3A_23 : vector<2000x4xi1>, vector<2000x4xi32>
    %eq3A_36 = arith.cmpi eq, %select_n3A_35, %iota3A_19 : vector<2000x4xi32>
    %convert_element_type3A = arith.extui %eq3A_36 : vector<2000x4xi1> to vector<2000x4xi32>
    %convert_element_type3A_37 = arith.sitofp %convert_element_type3A : vector<2000x4xi32> to vector<2000x4xf32>
    %mul3A_38 = vector.broadcast %select_n3A : vector<2000x1xf32> to vector<2000x4xf32>
    %mul3A_39 = arith.mulf %mul3A_38, %convert_element_type3A_37 : vector<2000x4xf32>
    %reduce_sum3A = arith.constant dense<0.000000e+00> : vector<4xf32>
    %reduce_sum3A_40 = vector.multi_reduction <add>, %mul3A_39, %reduce_sum3A [0] : vector<2000x4xf32> to vector<4xf32>
    %broadcast_in_dim3A = vector.shape_cast %reduce_sum3A_40 : vector<4xf32> to vector<1x4xf32>
    %eq3A_41 = arith.constant 0 : i32
    %eq3A_42 = arith.cmpi eq, %arg0, %eq3A_41 : i32
    %convert_element_type3A_43 = arith.extui %eq3A_42 : i1 to i32
    %cond3A = arith.constant 0 : i32
    %cond3A_44 = arith.cmpi ne, %convert_element_type3A_43, %cond3A : i32
    scf.if %cond3A_44 {
      %swap3A = arith.constant 0 : index
      %swap3A_54 = arith.constant 0 : index
      %swap3A_55 = vector.load %arg5[%swap3A, %swap3A_54] : memref<1x4xf32, #tpu.memory_space<vmem>>, vector<1x4xf32>
      tpu.vector_store %arg5[%swap3A, %swap3A_54], %broadcast_in_dim3A {strides = array<i32>} : memref<1x4xf32, #tpu.memory_space<vmem>>, vector<1x4xf32>,
    } else {
    }
    %gt3A = arith.constant 0 : i32
    %gt3A_45 = arith.cmpi sgt, %arg0, %gt3A : i32
    %convert_element_type3A_46 = arith.extui %gt3A_45 : i1 to i32
    %cond3A_47 = arith.constant 0 : i32
    %cond3A_48 = arith.cmpi ne, %convert_element_type3A_46, %cond3A_47 : i32
    scf.if %cond3A_48 {
      %get3A_54 = arith.constant 0 : index
      %get3A_55 = arith.constant 0 : index
      %get3A_56 = vector.load %arg5[%get3A_54, %get3A_55] : memref<1x4xf32, #tpu.memory_space<vmem>>, vector<1x4xf32>
      %add3A_57 = arith.addf %get3A_56, %broadcast_in_dim3A : vector<1x4xf32>
      %swap3A = arith.constant 0 : index
      %swap3A_58 = arith.constant 0 : index
      %swap3A_59 = vector.load %arg5[%swap3A, %swap3A_58] : memref<1x4xf32, #tpu.memory_space<vmem>>, vector<1x4xf32>
      tpu.vector_store %arg5[%swap3A, %swap3A_58], %add3A_57 {strides = array<i32>} : memref<1x4xf32, #tpu.memory_space<vmem>>, vector<1x4xf32>,
    } else {
    }
    %eq3A_49 = arith.constant 19 : i32
    %eq3A_50 = arith.cmpi eq, %arg0, %eq3A_49 : i32
    %convert_element_type3A_51 = arith.extui %eq3A_50 : i1 to i32
    %cond3A_52 = arith.constant 0 : i32
    %cond3A_53 = arith.cmpi ne, %convert_element_type3A_51, %cond3A_52 : i32
    scf.if %cond3A_53 {
      %get3A_54 = arith.constant 0 : index
      %get3A_55 = arith.constant 0 : index
      %get3A_56 = vector.load %arg5[%get3A_54, %get3A_55] : memref<1x4xf32, #tpu.memory_space<vmem>>, vector<1x4xf32>
      %div3A = arith.constant 1.000000e+04 : f32
      %div3A_57 = vector.broadcast %div3A : f32 to vector<1x4xf32>
      %div3A_58 = arith.divf %get3A_56, %div3A_57 : vector<1x4xf32>
      %reduce_max3A = vector.shape_cast %div3A_58 : vector<1x4xf32> to vector<1x1x4xf32>
      %reduce_max3A_59 = arith.constant dense<0xFF800000> : vector<1xf32>
      %reduce_max3A_60 = vector.multi_reduction <maximumf>, %reduce_max3A, %reduce_max3A_59 [1, 2] : vector<1x1x4xf32> to vector<1xf32>
      %reduce_max3A_61 = vector.shape_cast %reduce_max3A_60 : vector<1xf32> to vector<1x1x1xf32>
      %reduce_max3A_62 = vector.extract %reduce_max3A_61[0, 0, 0] : f32 from vector<1x1x1xf32>
      %sub3A = vector.broadcast %reduce_max3A_62 : f32 to vector<1x4xf32>
      %sub3A_63 = arith.subf %div3A_58, %sub3A : vector<1x4xf32>
      %exp3A = math.exp %sub3A_63 : vector<1x4xf32>
      %reduce_sum3A_64 = vector.shape_cast %exp3A : vector<1x4xf32> to vector<1x1x4xf32>
      %reduce_sum3A_65 = arith.constant dense<0.000000e+00> : vector<1xf32>
      %reduce_sum3A_66 = vector.multi_reduction <add>, %reduce_sum3A_64, %reduce_sum3A_65 [1, 2] : vector<1x1x4xf32> to vector<1xf32>
      %reduce_sum3A_67 = vector.shape_cast %reduce_sum3A_66 : vector<1xf32> to vector<1x1x1xf32>
      %reduce_sum3A_68 = vector.extract %reduce_sum3A_67[0, 0, 0] : f32 from vector<1x1x1xf32>
      %div3A_69 = vector.broadcast %reduce_sum3A_68 : f32 to vector<1x4xf32>
      %div3A_70 = arith.divf %exp3A, %div3A_69 : vector<1x4xf32>
      %swap3A = arith.constant 0 : index
      %swap3A_71 = arith.constant 0 : index
      %swap3A_72 = vector.load %arg6[%swap3A, %swap3A_71] : memref<1x4xf32, #tpu.memory_space<vmem>>, vector<1x4xf32>
      tpu.vector_store %arg6[%swap3A, %swap3A_71], %div3A_70 {strides = array<i32>} : memref<1x4xf32, #tpu.memory_space<vmem>>, vector<1x4xf32>,
    } else {
    }
    return
  }
  func.func @transform_0(%arg0: i32) -> (i32, i32) {
    %c0_i32 = arith.constant 0 : i32
    %c0_i32_0 = arith.constant 0 : i32
    return %arg0, %c0_i32 : i32, i32
  }
  func.func @transform_1(%arg0: i32) -> (i32, i32) {
    %c0_i32 = arith.constant 0 : i32
    %c0_i32_0 = arith.constant 0 : i32
    %c0_i32_1 = arith.constant 0 : i32
    return %c0_i32, %c0_i32_0 : i32, i32
  }
  func.func @transform_2(%arg0: i32) -> (i32, i32) {
    %c0_i32 = arith.constant 0 : i32
    %c0_i32_0 = arith.constant 0 : i32
    %c0_i32_1 = arith.constant 0 : i32
    return %c0_i32, %c0_i32_0 : i32, i32
  }
  func.func @transform_3(%arg0: i32) -> (i32, i32) {
    %c0_i32 = arith.constant 0 : i32
    %c0_i32_0 = arith.constant 0 : i32
    %c0_i32_1 = arith.constant 0 : i32
    return %c0_i32, %c0_i32_0 : i32, i32
  }
  func.func @transform_4(%arg0: i32) -> (i32, i32) {
    %c0_i32 = arith.constant 0 : i32
    %c0_i32_0 = arith.constant 0 : i32
    %c0_i32_1 = arith.constant 0 : i32
    return %c0_i32, %c0_i32_0 : i32, i32
  }
  func.func @transform_5(%arg0: i32) -> (i32, i32) {
    %c0_i32 = arith.constant 0 : i32
    %c0_i32_0 = arith.constant 0 : i32
    %c0_i32_1 = arith.constant 0 : i32
    return %c0_i32, %c0_i32_0 : i32, i32
  }
}

module attributes {stable_mosaic.version = 14 : i64} {
  func.func @_zout_kernel(%arg0: i32, %arg1: memref<1000x4x128xf32, #tpu.memory_space<vmem>>, %arg2: memref<1x4xf32, #tpu.memory_space<vmem>>, %arg3: memref<1000x128xf32, #tpu.memory_space<vmem>>) attributes {dimension_semantics = [#tpu.dimension_semantics<arbitrary>], iteration_bounds = array<i64: 10>, scalar_prefetch = 0 : i64, scratch_operands = 0 : i64, tpu.core_type = #tpu.core_type<tc>, window_params = [{transform_indices = @transform_0, window_bounds = array<i64: 1000, 4, 128>}, {pipeline_mode = #tpu.pipeline_mode<synchronous>, transform_indices = @transform_1, window_bounds = array<i64: 1, 4>}, {transform_indices = @transform_2, window_bounds = array<i64: 1000, 128>}]} {
    %get3A = arith.constant 0 : index
    %get3A_0 = arith.constant 0 : index
    %get3A_1 = vector.load %arg2[%get3A, %get3A_0] : memref<1x4xf32, #tpu.memory_space<vmem>>, vector<1x1xf32>
    %get3A_2 = vector.extract %get3A_1[0, 0] : f32 from vector<1x1xf32>
    %get3A_3 = arith.constant 0 : index
    %get3A_4 = arith.constant 0 : index
    %get3A_5 = arith.constant 0 : index
    %get3A_6 = vector.load %arg1[%get3A_3, %get3A_4, %get3A_5] : memref<1000x4x128xf32, #tpu.memory_space<vmem>>, vector<1000x1x128xf32>
    %get3A_7 = vector.shape_cast %get3A_6 : vector<1000x1x128xf32> to vector<1000x128xf32>
    %mul3A = vector.broadcast %get3A_2 : f32 to vector<1000x128xf32>
    %mul3A_8 = arith.mulf %mul3A, %get3A_7 : vector<1000x128xf32>
    %get3A_9 = arith.constant 0 : index
    %get3A_10 = arith.constant 1 : index
    %get3A_11 = vector.load %arg2[%get3A_9, %get3A_10] : memref<1x4xf32, #tpu.memory_space<vmem>>, vector<1x1xf32>
    %get3A_12 = vector.extract %get3A_11[0, 0] : f32 from vector<1x1xf32>
    %get3A_13 = arith.constant 0 : index
    %get3A_14 = arith.constant 1 : index
    %get3A_15 = arith.constant 0 : index
    %get3A_16 = vector.load %arg1[%get3A_13, %get3A_14, %get3A_15] : memref<1000x4x128xf32, #tpu.memory_space<vmem>>, vector<1000x1x128xf32>
    %get3A_17 = vector.shape_cast %get3A_16 : vector<1000x1x128xf32> to vector<1000x128xf32>
    %mul3A_18 = vector.broadcast %get3A_12 : f32 to vector<1000x128xf32>
    %mul3A_19 = arith.mulf %mul3A_18, %get3A_17 : vector<1000x128xf32>
    %add3A = arith.addf %mul3A_8, %mul3A_19 : vector<1000x128xf32>
    %get3A_20 = arith.constant 0 : index
    %get3A_21 = arith.constant 2 : index
    %get3A_22 = vector.load %arg2[%get3A_20, %get3A_21] : memref<1x4xf32, #tpu.memory_space<vmem>>, vector<1x1xf32>
    %get3A_23 = vector.extract %get3A_22[0, 0] : f32 from vector<1x1xf32>
    %get3A_24 = arith.constant 0 : index
    %get3A_25 = arith.constant 2 : index
    %get3A_26 = arith.constant 0 : index
    %get3A_27 = vector.load %arg1[%get3A_24, %get3A_25, %get3A_26] : memref<1000x4x128xf32, #tpu.memory_space<vmem>>, vector<1000x1x128xf32>
    %get3A_28 = vector.shape_cast %get3A_27 : vector<1000x1x128xf32> to vector<1000x128xf32>
    %mul3A_29 = vector.broadcast %get3A_23 : f32 to vector<1000x128xf32>
    %mul3A_30 = arith.mulf %mul3A_29, %get3A_28 : vector<1000x128xf32>
    %add3A_31 = arith.addf %add3A, %mul3A_30 : vector<1000x128xf32>
    %get3A_32 = arith.constant 0 : index
    %get3A_33 = arith.constant 3 : index
    %get3A_34 = vector.load %arg2[%get3A_32, %get3A_33] : memref<1x4xf32, #tpu.memory_space<vmem>>, vector<1x1xf32>
    %get3A_35 = vector.extract %get3A_34[0, 0] : f32 from vector<1x1xf32>
    %get3A_36 = arith.constant 0 : index
    %get3A_37 = arith.constant 3 : index
    %get3A_38 = arith.constant 0 : index
    %get3A_39 = vector.load %arg1[%get3A_36, %get3A_37, %get3A_38] : memref<1000x4x128xf32, #tpu.memory_space<vmem>>, vector<1000x1x128xf32>
    %get3A_40 = vector.shape_cast %get3A_39 : vector<1000x1x128xf32> to vector<1000x128xf32>
    %mul3A_41 = vector.broadcast %get3A_35 : f32 to vector<1000x128xf32>
    %mul3A_42 = arith.mulf %mul3A_41, %get3A_40 : vector<1000x128xf32>
    %add3A_43 = arith.addf %add3A_31, %mul3A_42 : vector<1000x128xf32>
    %swap3A = arith.constant 0 : index
    %swap3A_44 = arith.constant 0 : index
    %swap3A_45 = vector.load %arg3[%swap3A, %swap3A_44] : memref<1000x128xf32, #tpu.memory_space<vmem>>, vector<1000x128xf32>
    tpu.vector_store %arg3[%swap3A, %swap3A_44], %add3A_43 {strides = array<i32>} : memref<1000x128xf32, #tpu.memory_space<vmem>>, vector<1000x128xf32>,
    return
  }
  func.func @transform_0(%arg0: i32) -> (i32, i32, i32) {
    %c0_i32 = arith.constant 0 : i32
    %c0_i32_0 = arith.constant 0 : i32
    %c0_i32_1 = arith.constant 0 : i32
    return %arg0, %c0_i32, %c0_i32_0 : i32, i32, i32
  }
  func.func @transform_1(%arg0: i32) -> (i32, i32) {
    %c0_i32 = arith.constant 0 : i32
    %c0_i32_0 = arith.constant 0 : i32
    %c0_i32_1 = arith.constant 0 : i32
    return %c0_i32, %c0_i32_0 : i32, i32
  }
  func.func @transform_2(%arg0: i32) -> (i32, i32) {
    %c0_i32 = arith.constant 0 : i32
    %c0_i32_0 = arith.constant 0 : i32
    return %arg0, %c0_i32 : i32, i32
  }
}

</mosaic_0001>

<sc_bundles>
// kernel: kernel.6.cloned.1.call-start
scs
__scs_entry_jumppad:
0x0: {  	(pc) =	sbr.rel $0x88, $3  }
0x1: {  	(tag) =	ssettag $0x0;
	lr =	simm.s32 $0x1  }
0x2: {  	[smem:$0x3F9B] =	sst lr;
	_ =	strace $0xD0000000  }
0x3: {  	_ = 	snop  }
0x4: {  	_ = 	snop  }
0x5: {  	_ = 	snop  }
0x6: {  	_ = 	snop  }
0x7: {  	_ = 	snop  }
__scs_overlays_trampoline_lowered:
0x8: {  	[smem:$0x3FAA] =	sst s0  }
0x9: {  	[smem:$0x3FAB] =	sst s1  }
0xa: {  	[smem:$0x3FAC] =	sst s2  }
0xb: {  	[smem:$0x3FAD] =	sst s3  }
0xc: {  	[smem:$0x3FAE] =	sst s4  }
0xd: {  	[smem:$0x3FAF] =	sst s5  }
0xe: {  	[smem:$0x3FB0] =	sst s6  }
0xf: {  	[smem:$0x3FB1] =	sst s7  }
0x10: {  	[smem:$0x3FB2] =	sst s8  }
0x11: {  	[smem:$0x3FB3] =	sst s9;
	s0 =	simm.s32 @!p0 $0x0  }
0x12: {  	s1 =	sld [smem:$0x3F99];
	s0 =	simm.s32 @p0 $0x1  }
0x13: {  	[smem:$0x3FB4] =	sst s0;
	s0 =	simm.s32 @!p1 $0x0  }
0x14: {  	s2 =	sld [smem:$0x3F98];
	s0 =	simm.s32 @p1 $0x1  }
0x15: {  	[smem:$0x3FB5] =	sst s0;
	s0 =	simm.s32 @!p2 $0x0  }
0x16: {  	s3 =	sld [smem:$0x3FDB];
	s0 =	simm.s32 @p2 $0x1  }
0x17: {  	s4 =	simm.s32 $0x1BF5;
	[smem:$0x3FB7] =	sst s0  }
0x18: {  	s0 =	sld [smem:$0x3F9A];
	_ =	swait.ge [sflag:s4], $0x0  }
0x19: {  	s7 =	sld [smem:$0x3F9B]  }
0x1a: {  	s8 =	sadd.s32 $0xFFFFE003, lr  }
0x1b: {  	s9 =	sadd.s32 $0xFFFFFEF7, lr;
	s5 =	simm.s32 $0xFFFFFFFF;
	p2 =	slt.u32 s8, $0xFFFFF086  }
0x1c: {  	p1 =	slt.u32 s9, $0xF7A;
	s5 =	simm.s32 @!p2 $0x0  }
0x1d: {  	s5 =	simm.s32 @p1 $0x1;
	p0 =	seq.s32 s7, s2  }
0x1e: {  	s7 =	smul.u32 @!p0 $0xF7A, s2;
	p2 =	seq.s32 @!p0 s5, $0x0  }
0x1f: {  	s9 =	smul.u32 $0xF7A, s1;
	s8 =	simm.s32 @!p0 $0x1BF5;
	p2 =	por !p2, p0  }
0x20: {  	[sflag:s8] =	ssyncset.s32 @!p0 $0xFFFFF086;
	s6 =	sadd.s32 @!p0 s3, s7;
	s7 =	simm.s32 @!p0 $0x108  }
0x21: {  	s3 =	sadd.s32 s3, s9;
	s6 =	sadd.s32 @!p0 $0x88, s6;
	s7 =	simm.s32 @p2 $0x1082  }
0x22: {  	[simem:s7], [sflag:s8] =	dma.local @!p0 [hbm:s6], $0xF7A  }
0x23: {  	s9 =	sor.u32 $0xD0000000, s2;
	s6 =	simm.s32 $0x108;
	_ =	swait.ge @!p0 [sflag:s8], $0x0  }
0x24: {  	s3 =	sadd.s32 $0x88, s3;
	s6 =	simm.s32 @!p1 $0x1082;
	[sflag:s4] =	ssyncset.s32 $0xFFFFF086  }
0x25: {  	[simem:s6], [sflag:s4] =	dma.local [hbm:s3], $0xF7A  }
0x26: {  	[smem:$0x3F9B] =	sst s1;
	(tag) =	ssettag s2;
	_ =	strace s9  }
0x27: {  	s1 =	sld [smem:$0x3FAB]  }
0x28: {  	s2 =	sld [smem:$0x3FAC]  }
0x29: {  	s4 =	sld [smem:$0x3FAE]  }
0x2a: {  	p0 =	seq.s32 s5, $0x0;
	s5 =	sld [smem:$0x3FAF]  }
0x2b: {  	s6 =	sld [smem:$0x3FB0]  }
0x2c: {  	s7 =	sld [smem:$0x3FB1]  }
0x2d: {  	s3 =	simm.s32 $0x108;
	s8 =	sld [smem:$0x3FB2]  }
0x2e: {  	s3 =	simm.s32 @!p0 $0x1082;
	s9 =	sld [smem:$0x3FB3]  }
0x2f: {  	lr =	sadd.s32 s0, s3;
	s0 =	sld [smem:$0x3FAA]  }
0x30: {  	s3 =	sld [smem:$0x3FAD]  }
0x31: {  	[smem:$0x3FB6] =	sst s10  }
0x32: {  	s10 =	sld [smem:$0x3FB4];
	_ =	sdelay $0x3  }
0x33: {  	p0 =	seq.s32 s10, $0x1;
	s10 =	sld [smem:$0x3FB6];
	_ =	sdelay $0x3  }
0x34: {  	[smem:$0x3FB6] =	sst s10  }
0x35: {  	s10 =	sld [smem:$0x3FB5];
	_ =	sdelay $0x3  }
0x36: {  	p1 =	seq.s32 s10, $0x1;
	s10 =	sld [smem:$0x3FB6];
	_ =	sdelay $0x3  }
0x37: {  	[smem:$0x3FB6] =	sst s10  }
0x38: {  	s10 =	sld [smem:$0x3FB7]  }
0x39: {  	_ = 	snop;
	(pc) =	sbr.ind lr, $3  }
0x3a: {  	_ = 	snop  }
0x3b: {  	_ = 	snop  }
0x3c: {  	p2 =	seq.s32 s10, $0x1;
	s10 =	sld [smem:$0x3FB6]  }
0x3d: {  	_ =	shalt  }
0x3e: {  	_ =	shalt  }
0x3f: {  	_ =	shalt  }
0x40: {  	_ =	shalt  }
0x41: {  	_ =	shalt  }
0x42: {  	_ =	shalt  }
0x43: {  	_ =	shalt  }
0x44: {  	_ =	shalt  }
0x45: {  	_ =	shalt  }
0x46: {  	_ =	shalt  }
0x47: {  	_ =	shalt  }
0x48: {  	_ =	shalt  }
0x49: {  	_ =	shalt  }
0x4a: {  	_ =	shalt  }
0x4b: {  	_ =	shalt  }
0x4c: {  	_ =	shalt  }
0x4d: {  	_ =	shalt  }
0x4e: {  	_ =	shalt  }
0x4f: {  	_ =	shalt  }
0x50: {  	_ =	shalt  }
0x51: {  	_ =	shalt  }
0x52: {  	_ =	shalt  }
0x53: {  	_ =	shalt  }
0x54: {  	_ =	shalt  }
0x55: {  	_ =	shalt  }
0x56: {  	_ =	shalt  }
0x57: {  	_ =	shalt  }
0x58: {  	_ =	shalt  }
0x59: {  	_ =	shalt  }
0x5a: {  	_ =	shalt  }
0x5b: {  	_ =	shalt  }
0x5c: {  	_ =	shalt  }
0x5d: {  	_ =	shalt  }
0x5e: {  	_ =	shalt  }
0x5f: {  	_ =	shalt  }
0x60: {  	_ =	shalt  }
0x61: {  	_ =	shalt  }
0x62: {  	_ =	shalt  }
0x63: {  	_ =	shalt  }
0x64: {  	_ =	shalt  }
0x65: {  	_ =	shalt  }
0x66: {  	_ =	shalt  }
0x67: {  	_ =	shalt  }
0x68: {  	_ =	shalt  }
0x69: {  	_ =	shalt  }
0x6a: {  	_ =	shalt  }
0x6b: {  	_ =	shalt  }
0x6c: {  	_ =	shalt  }
0x6d: {  	_ =	shalt  }
0x6e: {  	_ =	shalt  }
0x6f: {  	_ =	shalt  }
0x70: {  	_ =	shalt  }
0x71: {  	_ =	shalt  }
0x72: {  	_ =	shalt  }
0x73: {  	_ =	shalt  }
0x74: {  	_ =	shalt  }
0x75: {  	_ =	shalt  }
0x76: {  	_ =	shalt  }
0x77: {  	_ =	shalt  }
0x78: {  	_ =	shalt  }
0x79: {  	_ =	shalt  }
0x7a: {  	_ =	shalt  }
0x7b: {  	_ =	shalt  }
0x7c: {  	_ =	shalt  }
0x7d: {  	_ =	shalt  }
0x7e: {  	_ =	shalt  }
0x7f: {  	_ =	shalt  }
0x80: {  	_ =	shalt  }
0x81: {  	_ =	shalt  }
0x82: {  	_ =	shalt  }
0x83: {  	_ =	shalt  }
0x84: {  	_ =	shalt  }
0x85: {  	_ =	shalt  }
0x86: {  	_ =	shalt  }
0x87: {  	_ =	shalt  }
.Lfunc_end0:
.L_simem_size_0:
called_computation_lowered:
.L_overlay_start_0:
0x88: {  	s2 =	sld [smem:$0x3FD9]  }
0x89: {  	s3 =	sld [smem:$0x3FFE];
	_ =	sdelay $0x1  }
0x8a: {  	s1 =	srdreg.scid  }
0x8b: {  	s0 =	sand.u32 $0x1, s1  }
0x8c: {  	s14 =	sshll.u32 s0, $0xA;
	s2 =	sadd.s32 s3, s2  }
0x8d: {  	s2 =	sadd.s32 s2, s14  }
0x8e: {  	[smem:$0x3FC2] =	sst s2  }
0x8f: {  	_ = 	snop  }
0x90: {  	s2 =	sld [smem:$0x3FD0];
	_ =	sdelay $0x2  }
0x91: {  	s15 =	simm.s32 $0xA;
	s4 =	simm.s32 $0x10  }
0x92: {  	[smem:s4], [sflag:s15] =	dma.local [hbm:s2], $0x1  }
0x93: {  	_ =	swait.eq [sflag:s15], $0x1  }
0x94: {  	[sflag:s15] =	ssyncset.done $0x0  }
0x95: {  	s16 =	sld [smem:$0x10];
	[sflag:s15] =	ssyncadd.s32 $0xFFFFFFFF  }
0x96: {  	s17 =	sld [smem:$0x11];
	(tm) =	ssettm $0x1  }
0x97: {  	s18 =	sld [smem:$0x3FFB];
	_ =	sdelay $0x3  }
0x98: {  	_ =	strace s18  }
0x99: {  	s4 =	sld [smem:$0x3FFC];
	_ =	sdelay $0x3  }
0x9a: {  	_ =	strace s4  }
0x9b: {  	s4 =	sld [smem:$0x3FFD];
	_ =	sdelay $0x3  }
0x9c: {  	_ =	strace s4  }
0x9d: {  	_ =	strace $0x8FFFFFFF  }
0x9e: {  	s19 =	sld [smem:$0x3FDB];
	_ =	sdelay $0x1  }
0x9f: {  	s5 =	simm.s32 $_scs_section_size  }
0xa0: {  	s6 =	simm.s32 $_size__tile_overlayer_lowered;
	s7 =	simm.s32 $_tile_overlayer_lowered  }
0xa1: {  	s22 =	simm.s32 $0x1BFF;
	s21 =	sshll.u32 s7, $0x1;
	s4 =	sadd.s32 s5, s19  }
0xa2: {  	s8 =	simm.s32 $0x0;
	s20 =	sshll.u32 s6, $0x1;
	s6 =	sadd.s32 s21, s4  }
0xa3: {  	[timem:s8], [sflag:s22] =	dma.local [hbm:s6], s20  }
0xa4: {  	_ =	swait.ge [sflag:s22], s20  }
0xa5: {  	s5 =	ssub.s32 $0x0, s20;
	[sflag:s22] =	ssyncset.done $0x0  }
0xa6: {  	[sflag:s22] =	ssyncadd.s32 s5;
	_ =	sdelay $0x1  }
0xa7: {  	s23 =	simm.s32 $0x1B8B  }
0xa8: {  	_ =	swait.ge [sflag:s23], $0x1  }
0xa9: {  	[sflag:s23] =	ssyncset.done $0x0  }
0xaa: {  	s25 =	simm.s32 $0x1B8E;
	s24 =	sld [smem:$0x3FFE];
	[sflag:s23] =	ssyncadd.s32 $0xFFFFFFFF  }
0xab: {  	s26 =	simm.s32 $execute0_lowered;
	[smem:$0x3FD2] =	sst s25  }
0xac: {  	s6 =	sshll.u32 s26, $0x1;
	_ =	strace $0x80000046;
	[dreg:$0x1] =	wrdreg $0xFFFFFFFF  }
0xad: {  	s28 =	simm.s32 $_size_execute0_lowered;
	s4 =	sadd.s32 s4, s6;
	[dreg:$0x0] =	wrdreg $0x0  }
0xae: {  	s6 =	sshll.u32 s28, $0x1;
	[dreg:$0x2] =	wrdreg s4  }
0xaf: {  	[dreg:$0x3] =	wrdreg s6  }
0xb0: {  	[dreg:$0x4] =	wrdreg $0xC0  }
0xb1: {  	_ =	task [dreg:s8], $0x5FFFF  }
0xb2: {  	[dreg:$0x1] =	wrdreg $0xFFFFFFFF  }
0xb3: {  	[dreg:$0x0] =	wrdreg $0x60  }
0xb4: {  	[dreg:$0x2] =	wrdreg s24  }
0xb5: {  	[dreg:$0x3] =	wrdreg s16  }
0xb6: {  	[dreg:$0x4] =	wrdreg s17  }
0xb7: {  	[dreg:$0x5] =	wrdreg $0x9  }
0xb8: {  	_ =	task.clear_ibuf [dreg:s8], $0x6FFFF;
	_ =	strace $0x90000046  }
0xb9: {  	s29 =	simm.s32 $0x9;
	_ =	strace $0x80000048  }
0xba: {  	_ =	swait.ge [sflag:s29], $0x1  }
0xbb: {  	[sflag:s29] =	ssyncadd.s32 $0xFFFFFFFF  }
0xbc: {  	_ =	strace $0x90000048  }
0xbd: {  	_ =	sfence  }
0xbe: {  	s30 =	sld [smem:$0x0];
	_ =	sdelay $0x2  }
0xbf: {  	s31 =	sshll.u32 s1, $0xD;
	s1 =	sshrl.u32 s1, $0x2  }
0xc0: {  	s3 =	sand.u32 $0x4000, s31;
	s1 =	sadd.s32 s1, s30  }
0xc1: {  	s0 =	sor.u32 s3, s0;
	s1 =	sshll.u32 s1, $0x11  }
0xc2: {  	s0 =	sor.u32 s1, s0  }
0xc3: {  	s0 =	sadd.s32 $0x8F2B, s0  }
0xc4: {  	[sflag:s0] =	ssyncadd.remote.s32 $0x1  }
0xc5: {  	_ =	sfence.sel $0xFFFF  }
0xc6: {  	[dreg:$0x0] =	wrdreg $0xFFFFFFFF;
	(pc) =	sbr.abs _section_cstart, $3  }
0xc7: {  	[dreg:$0x1] =	wrdreg $0xFFFFFFFF  }
0xc8: {  	_ =	task.clear_ibuf [dreg:s8], $0x2FFFF;
	_ =	strace $0x9FFFFFFF  }
0xc9: {  	(tm) =	ssettm $0x7FFFFFFF  }
tec
execute0_lowered:
.L_overlay_start_1:
0x0: {  	(tag) =	ssettag $0x1  }
0x1: {  	s8 =	rddreg [dreg:$0x0]  }
0x2: {  	s2 =	rddreg [dreg:$0x1]  }
0x3: {  	s1 =	srdreg.scid;
	s0 =	stileid.u32  }
0x4: {  	s9 =	rddreg [dreg:$0x2];
	s3 =	simm.s32 $0x0;
	s15 =	simm.s32 $0x80  }
0x5: {  	s16 =	simm.s32 $0x400;
	s18 =	simm.s32 $0xA80;
	s19 =	simm.s32 $0x1280  }
0x6: {  	s20 =	simm.s32 $0x1A80;
	s21 =	simm.s32 $0xB700;
	s22 =	simm.s32 $0x0  }
0x7: {  	s10 =	sand.u32 $0x1, s1;
	s4 =	sshll.u32 s0, $0x1;
	s1 =	rddreg [dreg:$0x3]  }
0x8: {  	[smem:$0x7FF] =	sst s3;
	s5 =	sadd.s32 $0x1C00, s8;
	s6 =	sadd.s32 $0x28E00, s8  }
0x9: {  	s7 =	sadd.s32 $0x50200, s8;
	s14 =	sshll.u32 s0, $0x6;
	s11 =	sor.u32 s10, s4  }
0xa: {  	s17 =	sshrl.u32 s0, $0x2;
	_ =	strace $0x80000047;
	s4 =	smul.u32 $0x9C40, s11  }
0xb: {  	s14 =	sand.u32 $0x300, s14;
	s10 =	ssub.s32 $0x2, s10;
	v2 =	vmov s17;
	s17 =	simm.s32 $0x100  }
0xc: {  	s11 =	sshll.u32 s11, $0x4;
	s31 =	sshrl.u32 s10, $0x1;
	s12 =	sshrl.u32 s4, $0x3  }
0xd: {  	s11 =	sand.u32 $0x70, s11;
	s13 =	sadd.s32 s12, s8;
	s8 =	sadd.s32 s14, s8  }
0xe: {  	s14 =	ssub.s32 s10, s31;
	s9 =	sadd.s32 s9, s12;
	s12 =	simm.s32 $0x200  }
0xf: {  	v0 =	vmov s4;
	s8 =	sadd.s32 s11, s8;
	s10 =	sadd.s32 $0x50400, s13;
	s11 =	smax.u32 s14, $0x1  }
0x10: {  	v3 =	vimm.s32 $0x0;
	v2 =	vbroadcast v2, $0x0;
	v1 =	vadd.s32 $0x9C40, v0;
	s13 =	simm.s32 $0x1;
	s14 =	simm.s32 $0x280;
	s8 =	sadd.s32 $0x77600, s8  }
.LBB2_1:
0x11: {  	[tilespmem:s12], [sflag:$0x1] =	stream.linear.gather [hbm4b:s7+s3], $0x80, $0x38;
	[tilespmem:$0x15380] =	vst v63  }
0x12: {  	_ =	swait.ge [sflag:s13], $0x80  }
0x13: {  	[sflag:s13] =	ssyncset.done $0x0  }
0x14: {  	[sflag:s13] =	ssyncadd.s32 $0xFFFFFF80  }
0x15: {  	[tilespmem:$0x0] =	vst v3  }
0x16: {  	[tilespmem:$0x10] =	vst v3  }
0x17: {  	[tilespmem:$0x20] =	vst v3  }
0x18: {  	[tilespmem:$0x30] =	vst v3  }
0x19: {  	[tilespmem:$0x40] =	vst v3  }
0x1a: {  	[tilespmem:$0x50] =	vst v3  }
0x1b: {  	[tilespmem:$0x60] =	vst v3  }
0x1c: {  	[tilespmem:$0x70] =	vst v3  }
0x1d: {  	[tilespmem:$0x80] =	vst v3  }
0x1e: {  	s23 =	simm.s32 $0x0;
	[tilespmem:$0x90] =	vst v3  }
.LBB2_2:
0x1f: {  	s24 =	smul.u32 $0x7D0, s23;
	_ =	sdelay $0x1  }
0x20: {  	s24 =	sadd.s32 s4, s24  }
0x21: {  	s24 =	sshrl.u32 s24, $0x3  }
0x22: {  	s25 =	simm.s32 $0x0;
	s24 =	sadd.s32 s5, s24  }
0x23: {  	[tilespmem:s14], [sflag:$0x1] =	stream.linear.gather [hbm4b:s24+s25], $0x7D0, $0x38;
	[tilespmem:$0x15380] =	vst v63  }
0x24: {  	_ =	swait.ge [sflag:s13], $0x7D0  }
0x25: {  	[sflag:s13] =	ssyncset.done $0x0  }
0x26: {  	s25 =	simm.s32 $0x0;
	s24 =	simm.s32 $0x40;
	[sflag:s13] =	ssyncadd.s32 $0xFFFFF830  }
.LBB2_3:
0x27: {  	p0 =	sne.s32 s24, $0x1F00;
	v4 =	vld [tilespmem:s25+$0x280];
	_ =	sdelay $0x4  }
0x28: {  	v4 =	vshrl.u32 v4, $0x6  }
0x29: {  	(xrf1) =	vunique.msk.u32 $0xffff, v4;
	_ =	sdelay $0xd  }
0x2a: {  	_, v5, vm0 =	vpop (xrf1);
	_ =	sdelay $0x1  }
.Ltmp0:
0x2b: {  	(pc) =	sbr.rel @p0 .LBB2_3-.Ltmp0, $2  }
0x2c: {  	_ =	sdelay $0x2  }
0x2d: {  	s25 =	sshra.s32 s24, $0x2;
	s24 =	sadd.s32 $0x40, s24;
	[tilespmem:v4+s3+$0x0] =	vst.idx.add.s32.msk vm0, v5  }
0x2e: {  	v4 =	vld [tilespmem:s25+$0x280];
	_ =	sdelay $0x4  }
0x2f: {  	v4 =	vshrl.u32 v4, $0x6  }
0x30: {  	(xrf1) =	vunique.msk.u32 $0xffff, v4;
	_ =	sdelay $0xd  }
0x31: {  	s23 =	sadd.s32 $0x1, s23;
	_, v5, vm0 =	vpop (xrf1)  }
0x32: {  	p0 =	sne.s32 s23, $0x14  }
.Ltmp1:
0x33: {  	_ = 	snop;
	(pc) =	sbr.rel @p0 .LBB2_2-.Ltmp1, $2  }
0x34: {  	_ =	sdelay $0x2  }
0x35: {  	[tilespmem:v4+s3+$0x0] =	vst.idx.add.s32.msk vm0, v5  }
0x36: {  	v4 =	vld [tilespmem:$0x0]  }
0x37: {  	v5 =	vld [tilespmem:$0x10];
	_ =	sdelay $0x1  }
0x38: {  	v6 =	vld [tilespmem:$0x20];
	_ =	sdelay $0x1  }
0x39: {  	v7 =	vld [tilespmem:$0x30];
	(xrf0) =	vadd.scan.msk.s32 $0xffff, v4  }
0x3a: {  	(xrf0) =	vadd.scan.msk.s32 $0xffff, v5  }
0x3b: {  	v8 =	vld [tilespmem:$0x40]  }
0x3c: {  	(xrf0) =	vadd.scan.msk.s32 $0xffff, v6  }
0x3d: {  	v9 =	vld [tilespmem:$0x50]  }
0x3e: {  	(xrf0) =	vadd.scan.msk.s32 $0xffff, v7  }
0x3f: {  	v11 =	vld [tilespmem:$0x60];
	v10, _, _ =	vpop (xrf0)  }
0x40: {  	(xrf0) =	vadd.scan.msk.s32 $0xffff, v8;
	(v2sf) =	vpush v10, $0xF;
	v12, _, _ =	vpop (xrf0)  }
0x41: {  	(v2sf) =	vpush v12, $0xF  }
0x42: {  	v13 =	vld [tilespmem:$0x70];
	(xrf0) =	vadd.scan.msk.s32 $0xffff, v9;
	v14, _, _ =	vpop (xrf0)  }
0x43: {  	(v2sf) =	vpush v14, $0xF  }
0x44: {  	v15 =	vld [tilespmem:$0x80];
	(xrf0) =	vadd.scan.msk.s32 $0xffff, v11;
	v16, _, _ =	vpop (xrf0)  }
0x45: {  	(v2sf) =	vpush v16, $0xF  }
0x46: {  	v17, _, _ =	vpop (xrf0)  }
0x47: {  	(xrf0) =	vadd.scan.msk.s32 $0xffff, v13;
	(v2sf) =	vpush v17, $0xF  }
0x48: {  	v18, _, _ =	vpop (xrf0)  }
0x49: {  	(xrf0) =	vadd.scan.msk.s32 $0xffff, v15;
	(v2sf) =	vpush v18, $0xF  }
0x4a: {  	v19, _, _ =	vpop (xrf0)  }
0x4b: {  	(v2sf) =	vpush v19, $0xF;
	_ =	sdelay $0x1  }
0x4c: {  	v20, _, _ =	vpop (xrf0)  }
0x4d: {  	v4 =	vsub.s32 v10, v4;
	v10 =	vbroadcast v10, $0xF;
	(v2sf) =	vpush v20, $0xF  }
0x4e: {  	v5 =	vsub.s32 v12, v5;
	[tilespmem:$0x0] =	vst v4;
	v4 =	vadd.s32 v0, v4;
	v21, _, _ =	vpop (xrf0);
	s23 =	spop (v2sf)  }
0x4f: {  	[tilespmem:$0x100] =	vst v4;
	v4 =	vadd.s32 v10, v5;
	(v2sf) =	vpush v21, $0xF;
	s24 =	spop (v2sf)  }
0x50: {  	v5 =	vsub.s32 v14, v6;
	[tilespmem:$0x10] =	vst v4;
	v4 =	vadd.s32 v0, v4;
	s23 =	sadd.s32 s23, s24  }
0x51: {  	[tilespmem:$0x110] =	vst v4;
	s31 =	spop (v2sf);
	v4 =	vadd.s32 s23, v5  }
0x52: {  	s23 =	sadd.s32 s23, s31;
	v5 =	vsub.s32 v16, v7;
	[tilespmem:$0x20] =	vst v4;
	v4 =	vadd.s32 v0, v4  }
0x53: {  	v6 =	vld [tilespmem:$0x90];
	s25 =	spop (v2sf);
	[tilespmem:$0x120] =	vst v4;
	v4 =	vadd.s32 s23, v5  }
0x54: {  	v5 =	vsub.s32 v17, v8;
	s23 =	sadd.s32 s23, s25;
	[tilespmem:$0x30] =	vst v4;
	v4 =	vadd.s32 v0, v4  }
0x55: {  	s26 =	spop (v2sf);
	[tilespmem:$0x130] =	vst v4;
	v4 =	vadd.s32 s23, v5  }
0x56: {  	v5 =	vsub.s32 v18, v9;
	s23 =	sadd.s32 s23, s26;
	[tilespmem:$0x40] =	vst v4;
	v4 =	vadd.s32 v0, v4  }
0x57: {  	s28 =	spop (v2sf);
	[tilespmem:$0x140] =	vst v4;
	v4 =	vadd.s32 s23, v5  }
0x58: {  	(xrf0) =	vadd.scan.msk.s32 $0xffff, v6;
	v5 =	vsub.s32 v19, v11;
	s23 =	sadd.s32 s23, s28;
	[tilespmem:$0x50] =	vst v4;
	v4 =	vadd.s32 v0, v4  }
0x59: {  	s29 =	spop (v2sf);
	[tilespmem:$0x150] =	vst v4;
	v4 =	vadd.s32 s23, v5  }
0x5a: {  	v5 =	vsub.s32 v20, v13;
	s23 =	sadd.s32 s23, s29;
	[tilespmem:$0x60] =	vst v4;
	v4 =	vadd.s32 v0, v4  }
0x5b: {  	[tilespmem:$0x160] =	vst v4;
	v4 =	vadd.s32 s23, v5;
	v5 =	vsub.s32 v21, v15  }
0x5c: {  	[tilespmem:$0x1A0] =	vst v1;
	s30 =	spop (v2sf)  }
0x5d: {  	s23 =	sadd.s32 s23, s30;
	[tilespmem:$0x70] =	vst v4;
	v4 =	vadd.s32 v0, v4  }
0x5e: {  	[tilespmem:$0x170] =	vst v4;
	v4 =	vadd.s32 s23, v5;
	s31 =	spop (v2sf);
	v5, _, _ =	vpop (xrf0)  }
0x5f: {  	[tilespmem:$0x80] =	vst v4;
	v4 =	vadd.s32 v0, v4;
	s23 =	sadd.s32 s23, s31;
	v5 =	vsub.s32 v5, v6  }
0x60: {  	[tilespmem:$0x180] =	vst v4;
	v4 =	vadd.s32 s23, v5  }
0x61: {  	[tilespmem:$0x90] =	vst v4;
	v4 =	vadd.s32 v0, v4  }
0x62: {  	[tilespmem:$0x190] =	vst v4  }
0x63: {  	[hbm4b:s8+s15] =	stream.strided.scatter [tilespmem:s17], [sflag:$0x1], $0x100, s16, s15, $0x38;
	[tilespmem:$0x15380] =	vst v63  }
0x64: {  	_ =	swait.ge [sflag:s13], $0x100  }
0x65: {  	[sflag:s13] =	ssyncset.done $0x0  }
0x66: {  	[sflag:s13] =	ssyncadd.s32 $0xFFFFFF00  }
0x67: {  	s24 =	simm.s32 $0x0;
	s23 =	simm.s32 $0x0;
	v4 =	vld.idx.msk [tilespmem:v2+s12+$0x0], $0xffff  }
.LBB2_6:
0x68: {  	s25 =	smul.u32 $0x7D0, s24;
	_ =	sdelay $0x1  }
0x69: {  	s25 =	sadd.s32 s4, s25  }
0x6a: {  	s25 =	sshrl.u32 s25, $0x3  }
0x6b: {  	s26 =	sadd.s32 s5, s25  }
0x6c: {  	[tilespmem:s14], [sflag:$0x1] =	stream.linear.gather [hbm4b:s26+s23], $0x7D0, $0x38;
	[tilespmem:$0x15380] =	vst v63  }
0x6d: {  	_ =	swait.ge [sflag:s13], $0x7D0  }
0x6e: {  	[sflag:s13] =	ssyncset.done $0x0  }
0x6f: {  	s31 =	sadd.s32 s2, s25;
	[sflag:s13] =	ssyncadd.s32 $0xFFFFF830  }
0x70: {  	[tilespmem:s18], [sflag:$0x1] =	stream.linear.gather [hbm4b:s31+s23], $0x7D0, $0x38;
	[tilespmem:$0x15380] =	vst v63  }
0x71: {  	_ =	swait.ge [sflag:s13], $0x7D0  }
0x72: {  	[sflag:s13] =	ssyncset.done $0x0  }
0x73: {  	s25 =	sadd.s32 s6, s25;
	[sflag:s13] =	ssyncadd.s32 $0xFFFFF830  }
0x74: {  	[tilespmem:s19], [sflag:$0x1] =	stream.linear.gather [hbm4b:s25+s23], $0x7D0, $0x38;
	[tilespmem:$0x15380] =	vst v63  }
0x75: {  	_ =	swait.ge [sflag:s13], $0x7D0  }
0x76: {  	[sflag:s13] =	ssyncset.done $0x0  }
0x77: {  	s26 =	simm.s32 $0x0;
	[sflag:s13] =	ssyncadd.s32 $0xFFFFF830  }
0x78: {  	s25 =	simm.s32 $0x40;
	v5 =	vld [tilespmem:s26+$0x280]  }
.LBB2_7:
0x79: {  	p0 =	sne.s32 s25, $0x1F00;
	v6 =	vld [tilespmem:s26+$0xA80]  }
0x7a: {  	v7 =	vld [tilespmem:s26+$0x1280];
	_ =	sdelay $0x2  }
0x7b: {  	v8 =	vshrl.u32 v5, $0x6  }
0x7c: {  	(xrf1) =	vunique.msk.u32 $0xffff, v8  }
0x7d: {  	v7 =	vmul.f32 v7, v4;
	_ =	sdelay $0x7  }
0x7e: {  	v9 =	vld.idx.msk [tilespmem:v8+s3+$0x0], $0xffff;
	_ =	sdelay $0x4  }
0x7f: {  	_, v10, vm0 =	vpop (xrf1)  }
0x80: {  	v9 =	vadd.s32 v9, v10  }
0x81: {  	v9 =	vadd.s32 $0xFFFFFFFF, v9  }
0x82: {  	v5 =	vand.u32 $0x3F, v5  }
0x83: {  	v5 =	vmul.u32 $0x2710, v5  }
.Ltmp2:
0x84: {  	(pc) =	sbr.rel @p0 .LBB2_7-.Ltmp2, $4  }
0x85: {  	v5 =	vadd.s32 v6, v5;
	[tilespmem:v8+s3+$0x0] =	vst.idx.add.s32.msk vm0, v10  }
0x86: {  	[tilespmem:v9+s20+$0x0] =	vst.idx.msk $0xffff, v5  }
0x87: {  	s26 =	sshra.s32 s25, $0x2;
	[tilespmem:v9+s21+$0x0] =	vst.idx.msk $0xffff, v7  }
0x88: {  	s25 =	sadd.s32 $0x40, s25;
	v5 =	vld [tilespmem:s26+$0x280]  }
0x89: {  	_ =	sdelay $0x3  }
0x8a: {  	v6 =	vshrl.u32 v5, $0x6  }
0x8b: {  	(xrf1) =	vunique.msk.u32 $0xffff, v6;
	_ =	sdelay $0x9  }
0x8c: {  	v7 =	vld.idx.msk [tilespmem:v6+s3+$0x0], $0xffff;
	_ =	sdelay $0x3  }
0x8d: {  	v8 =	vld [tilespmem:s26+$0xA80];
	_, v9, vm0 =	vpop (xrf1)  }
0x8e: {  	v10 =	vld [tilespmem:s26+$0x1280];
	v7 =	vadd.s32 v7, v9  }
0x8f: {  	s24 =	sadd.s32 $0x1, s24;
	v7 =	vadd.s32 $0xFFFFFFFF, v7  }
0x90: {  	p0 =	sne.s32 s24, $0x14;
	v5 =	vand.u32 $0x3F, v5  }
.Ltmp3:
0x91: {  	v5 =	vmul.u32 $0x2710, v5;
	(pc) =	sbr.rel @p0 .LBB2_6-.Ltmp3, $4  }
0x92: {  	_ = 	snop  }
0x93: {  	v10 =	vmul.f32 v10, v4;
	v5 =	vadd.s32 v8, v5;
	[tilespmem:v6+s3+$0x0] =	vst.idx.add.s32.msk vm0, v9  }
0x94: {  	[tilespmem:v7+s20+$0x0] =	vst.idx.msk $0xffff, v5  }
0x95: {  	[tilespmem:v7+s21+$0x0] =	vst.idx.msk $0xffff, v10  }
0x96: {  	[hbm4b:s9+s3] =	stream.linear.scatter [tilespmem:s20], [sflag:$0x1], $0x9C40, $0x38;
	[tilespmem:$0x15380] =	vst v63  }
0x97: {  	s22 =	sadd.s32 $0x1, s22;
	_ =	swait.ge [sflag:s13], $0x9C40  }
0x98: {  	p0 =	sne.s32 s22, s11;
	[sflag:s13] =	ssyncset.done $0x0  }
.Ltmp4:
0x99: {  	[sflag:s13] =	ssyncadd.s32 $0xFFFF63C0;
	(pc) =	sbr.rel @p0 .LBB2_1-.Ltmp4, $4  }
0x9a: {  	[hbm4b:s10+s3] =	stream.linear.scatter [tilespmem:s21], [sflag:$0x1], $0x9C40, $0x38;
	[tilespmem:$0x15380] =	vst v63  }
0x9b: {  	_ =	swait.ge [sflag:s13], $0x9C40  }
0x9c: {  	[sflag:s13] =	ssyncset.done $0x0  }
0x9d: {  	[sflag:s13] =	ssyncadd.s32 $0xFFFF63C0  }
0x9e: {  	_ =	sfence.sel $0x180000  }
0x9f: {  	[bflag:$0x0] =	sbarrier.arrive $0xFFFF  }
0xa0: {  	p0 =	sne.s32 s0, $0x0;
	_ =	strace $0x90000047  }
0xa1: {  	s0 =	sadd.s32 @!p0 $0x100000, s1;
	[bflag:$0x2] =	sbarrier.arrive $0xFFFF  }
0xa2: {  	[sflag:s0] =	ssyncadd.tile.s32 @!p0 $0x1;
	_ =	shalt  }
.Lfunc_end2:
_tile_overlayer_lowered:
.L_overlay_start_2:
0xa3: {  	(tag) =	ssettag $0x2  }
0xa4: {  	s0 =	rddreg [dreg:$0x0];
	s2 =	stileid.u32  }
0xa5: {  	s1 =	rddreg [dreg:$0x1];
	p0 =	sne.s32 s2, $0x0  }
0xa6: {  	s3 =	rddreg [dreg:$0x2];
	[bflag:$0x3] =	sbarrier.arrive $0xFFFF;
	s2 =	simm.s32 @!p0 $0x1C01  }
0xa7: {  	[timem:s3], [sflag:s2] =	dma.local @!p0 [hbm:s0], s1  }
0xa8: {  	s0 =	simm.s32 @!p0 $0x1  }
0xa9: {  	_ =	swait.ge @!p0 [sflag:s0], s1  }
0xaa: {  	s1 =	ssub.s32 @!p0 $0x0, s1;
	[sflag:s0] =	ssyncset.done @!p0 $0x0  }
0xab: {  	[sflag:s0] =	ssyncadd.s32 @!p0 s1  }
0xac: {  	[bflag:$0x3] =	sbarrier.arrive $0xFFFF  }
0xad: {  	_ =	shalt  }

// kernel: kernel.9.cloned.1.call-start
scs
__scs_entry_jumppad:
0x0: {  	(pc) =	sbr.rel $0x88, $3  }
0x1: {  	(tag) =	ssettag $0x0;
	lr =	simm.s32 $0x1  }
0x2: {  	[smem:$0x3F9B] =	sst lr;
	_ =	strace $0xD0000000  }
0x3: {  	_ = 	snop  }
0x4: {  	_ = 	snop  }
0x5: {  	_ = 	snop  }
0x6: {  	_ = 	snop  }
0x7: {  	_ = 	snop  }
__scs_overlays_trampoline_lowered:
0x8: {  	[smem:$0x3FAA] =	sst s0  }
0x9: {  	[smem:$0x3FAB] =	sst s1  }
0xa: {  	[smem:$0x3FAC] =	sst s2  }
0xb: {  	[smem:$0x3FAD] =	sst s3  }
0xc: {  	[smem:$0x3FAE] =	sst s4  }
0xd: {  	[smem:$0x3FAF] =	sst s5  }
0xe: {  	[smem:$0x3FB0] =	sst s6  }
0xf: {  	[smem:$0x3FB1] =	sst s7  }
0x10: {  	[smem:$0x3FB2] =	sst s8  }
0x11: {  	[smem:$0x3FB3] =	sst s9;
	s0 =	simm.s32 @!p0 $0x0  }
0x12: {  	s1 =	sld [smem:$0x3F99];
	s0 =	simm.s32 @p0 $0x1  }
0x13: {  	[smem:$0x3FB4] =	sst s0;
	s0 =	simm.s32 @!p1 $0x0  }
0x14: {  	s2 =	sld [smem:$0x3F98];
	s0 =	simm.s32 @p1 $0x1  }
0x15: {  	[smem:$0x3FB5] =	sst s0;
	s0 =	simm.s32 @!p2 $0x0  }
0x16: {  	s3 =	sld [smem:$0x3FDB];
	s0 =	simm.s32 @p2 $0x1  }
0x17: {  	s4 =	simm.s32 $0x1BF5;
	[smem:$0x3FB7] =	sst s0  }
0x18: {  	s0 =	sld [smem:$0x3F9A];
	_ =	swait.ge [sflag:s4], $0x0  }
0x19: {  	s7 =	sld [smem:$0x3F9B]  }
0x1a: {  	s8 =	sadd.s32 $0xFFFFE003, lr  }
0x1b: {  	s9 =	sadd.s32 $0xFFFFFEF7, lr;
	s5 =	simm.s32 $0xFFFFFFFF;
	p2 =	slt.u32 s8, $0xFFFFF086  }
0x1c: {  	p1 =	slt.u32 s9, $0xF7A;
	s5 =	simm.s32 @!p2 $0x0  }
0x1d: {  	s5 =	simm.s32 @p1 $0x1;
	p0 =	seq.s32 s7, s2  }
0x1e: {  	s7 =	smul.u32 @!p0 $0xF7A, s2;
	p2 =	seq.s32 @!p0 s5, $0x0  }
0x1f: {  	s9 =	smul.u32 $0xF7A, s1;
	s8 =	simm.s32 @!p0 $0x1BF5;
	p2 =	por !p2, p0  }
0x20: {  	[sflag:s8] =	ssyncset.s32 @!p0 $0xFFFFF086;
	s6 =	sadd.s32 @!p0 s3, s7;
	s7 =	simm.s32 @!p0 $0x108  }
0x21: {  	s3 =	sadd.s32 s3, s9;
	s6 =	sadd.s32 @!p0 $0x88, s6;
	s7 =	simm.s32 @p2 $0x1082  }
0x22: {  	[simem:s7], [sflag:s8] =	dma.local @!p0 [hbm:s6], $0xF7A  }
0x23: {  	s9 =	sor.u32 $0xD0000000, s2;
	s6 =	simm.s32 $0x108;
	_ =	swait.ge @!p0 [sflag:s8], $0x0  }
0x24: {  	s3 =	sadd.s32 $0x88, s3;
	s6 =	simm.s32 @!p1 $0x1082;
	[sflag:s4] =	ssyncset.s32 $0xFFFFF086  }
0x25: {  	[simem:s6], [sflag:s4] =	dma.local [hbm:s3], $0xF7A  }
0x26: {  	[smem:$0x3F9B] =	sst s1;
	(tag) =	ssettag s2;
	_ =	strace s9  }
0x27: {  	s1 =	sld [smem:$0x3FAB]  }
0x28: {  	s2 =	sld [smem:$0x3FAC]  }
0x29: {  	s4 =	sld [smem:$0x3FAE]  }
0x2a: {  	p0 =	seq.s32 s5, $0x0;
	s5 =	sld [smem:$0x3FAF]  }
0x2b: {  	s6 =	sld [smem:$0x3FB0]  }
0x2c: {  	s7 =	sld [smem:$0x3FB1]  }
0x2d: {  	s3 =	simm.s32 $0x108;
	s8 =	sld [smem:$0x3FB2]  }
0x2e: {  	s3 =	simm.s32 @!p0 $0x1082;
	s9 =	sld [smem:$0x3FB3]  }
0x2f: {  	lr =	sadd.s32 s0, s3;
	s0 =	sld [smem:$0x3FAA]  }
0x30: {  	s3 =	sld [smem:$0x3FAD]  }
0x31: {  	[smem:$0x3FB6] =	sst s10  }
0x32: {  	s10 =	sld [smem:$0x3FB4];
	_ =	sdelay $0x3  }
0x33: {  	p0 =	seq.s32 s10, $0x1;
	s10 =	sld [smem:$0x3FB6];
	_ =	sdelay $0x3  }
0x34: {  	[smem:$0x3FB6] =	sst s10  }
0x35: {  	s10 =	sld [smem:$0x3FB5];
	_ =	sdelay $0x3  }
0x36: {  	p1 =	seq.s32 s10, $0x1;
	s10 =	sld [smem:$0x3FB6];
	_ =	sdelay $0x3  }
0x37: {  	[smem:$0x3FB6] =	sst s10  }
0x38: {  	s10 =	sld [smem:$0x3FB7]  }
0x39: {  	_ = 	snop;
	(pc) =	sbr.ind lr, $3  }
0x3a: {  	_ = 	snop  }
0x3b: {  	_ = 	snop  }
0x3c: {  	p2 =	seq.s32 s10, $0x1;
	s10 =	sld [smem:$0x3FB6]  }
0x3d: {  	_ =	shalt  }
0x3e: {  	_ =	shalt  }
0x3f: {  	_ =	shalt  }
0x40: {  	_ =	shalt  }
0x41: {  	_ =	shalt  }
0x42: {  	_ =	shalt  }
0x43: {  	_ =	shalt  }
0x44: {  	_ =	shalt  }
0x45: {  	_ =	shalt  }
0x46: {  	_ =	shalt  }
0x47: {  	_ =	shalt  }
0x48: {  	_ =	shalt  }
0x49: {  	_ =	shalt  }
0x4a: {  	_ =	shalt  }
0x4b: {  	_ =	shalt  }
0x4c: {  	_ =	shalt  }
0x4d: {  	_ =	shalt  }
0x4e: {  	_ =	shalt  }
0x4f: {  	_ =	shalt  }
0x50: {  	_ =	shalt  }
0x51: {  	_ =	shalt  }
0x52: {  	_ =	shalt  }
0x53: {  	_ =	shalt  }
0x54: {  	_ =	shalt  }
0x55: {  	_ =	shalt  }
0x56: {  	_ =	shalt  }
0x57: {  	_ =	shalt  }
0x58: {  	_ =	shalt  }
0x59: {  	_ =	shalt  }
0x5a: {  	_ =	shalt  }
0x5b: {  	_ =	shalt  }
0x5c: {  	_ =	shalt  }
0x5d: {  	_ =	shalt  }
0x5e: {  	_ =	shalt  }
0x5f: {  	_ =	shalt  }
0x60: {  	_ =	shalt  }
0x61: {  	_ =	shalt  }
0x62: {  	_ =	shalt  }
0x63: {  	_ =	shalt  }
0x64: {  	_ =	shalt  }
0x65: {  	_ =	shalt  }
0x66: {  	_ =	shalt  }
0x67: {  	_ =	shalt  }
0x68: {  	_ =	shalt  }
0x69: {  	_ =	shalt  }
0x6a: {  	_ =	shalt  }
0x6b: {  	_ =	shalt  }
0x6c: {  	_ =	shalt  }
0x6d: {  	_ =	shalt  }
0x6e: {  	_ =	shalt  }
0x6f: {  	_ =	shalt  }
0x70: {  	_ =	shalt  }
0x71: {  	_ =	shalt  }
0x72: {  	_ =	shalt  }
0x73: {  	_ =	shalt  }
0x74: {  	_ =	shalt  }
0x75: {  	_ =	shalt  }
0x76: {  	_ =	shalt  }
0x77: {  	_ =	shalt  }
0x78: {  	_ =	shalt  }
0x79: {  	_ =	shalt  }
0x7a: {  	_ =	shalt  }
0x7b: {  	_ =	shalt  }
0x7c: {  	_ =	shalt  }
0x7d: {  	_ =	shalt  }
0x7e: {  	_ =	shalt  }
0x7f: {  	_ =	shalt  }
0x80: {  	_ =	shalt  }
0x81: {  	_ =	shalt  }
0x82: {  	_ =	shalt  }
0x83: {  	_ =	shalt  }
0x84: {  	_ =	shalt  }
0x85: {  	_ =	shalt  }
0x86: {  	_ =	shalt  }
0x87: {  	_ =	shalt  }
.Lfunc_end0:
.L_simem_size_0:
called_computation.1_lowered:
.L_overlay_start_0:
0x88: {  	s2 =	sld [smem:$0x3FD9]  }
0x89: {  	s3 =	sld [smem:$0x3FFE];
	_ =	sdelay $0x1  }
0x8a: {  	s1 =	srdreg.scid  }
0x8b: {  	s0 =	sand.u32 $0x1, s1  }
0x8c: {  	s14 =	sshll.u32 s0, $0xA;
	s2 =	sadd.s32 s3, s2  }
0x8d: {  	s2 =	sadd.s32 s2, s14  }
0x8e: {  	[smem:$0x3FC2] =	sst s2  }
0x8f: {  	_ = 	snop  }
0x90: {  	s2 =	sld [smem:$0x3FD0];
	_ =	sdelay $0x2  }
0x91: {  	s15 =	simm.s32 $0xA;
	s4 =	simm.s32 $0x10  }
0x92: {  	[smem:s4], [sflag:s15] =	dma.local [hbm:s2], $0x1  }
0x93: {  	_ =	swait.eq [sflag:s15], $0x1  }
0x94: {  	[sflag:s15] =	ssyncset.done $0x0  }
0x95: {  	[sflag:s15] =	ssyncadd.s32 $0xFFFFFFFF  }
0x96: {  	s16 =	sld [smem:$0x11];
	(tm) =	ssettm $0x1  }
0x97: {  	s17 =	sld [smem:$0x3FFB];
	_ =	sdelay $0x3  }
0x98: {  	_ =	strace s17  }
0x99: {  	s3 =	sld [smem:$0x3FFC];
	_ =	sdelay $0x3  }
0x9a: {  	_ =	strace s3  }
0x9b: {  	s3 =	sld [smem:$0x3FFD];
	_ =	sdelay $0x3  }
0x9c: {  	_ =	strace s3  }
0x9d: {  	_ =	strace $0x8FFFFFFF  }
0x9e: {  	s18 =	sld [smem:$0x3FDB];
	_ =	sdelay $0x1  }
0x9f: {  	s19 =	simm.s32 $_scs_section_size  }
0xa0: {  	s5 =	simm.s32 $_size__tile_overlayer_lowered;
	s6 =	simm.s32 $_tile_overlayer_lowered  }
0xa1: {  	s22 =	simm.s32 $0x1BFF;
	s21 =	sshll.u32 s6, $0x1;
	s3 =	sadd.s32 s19, s18  }
0xa2: {  	s7 =	simm.s32 $0x0;
	s20 =	sshll.u32 s5, $0x1;
	s5 =	sadd.s32 s21, s3  }
0xa3: {  	[timem:s7], [sflag:s22] =	dma.local [hbm:s5], s20  }
0xa4: {  	_ =	swait.ge [sflag:s22], s20  }
0xa5: {  	s4 =	ssub.s32 $0x0, s20;
	[sflag:s22] =	ssyncset.done $0x0  }
0xa6: {  	[sflag:s22] =	ssyncadd.s32 s4;
	_ =	sdelay $0x1  }
0xa7: {  	s23 =	simm.s32 $0x1B8B  }
0xa8: {  	_ =	swait.ge [sflag:s23], $0x1  }
0xa9: {  	[sflag:s23] =	ssyncset.done $0x0  }
0xaa: {  	s25 =	simm.s32 $0x1B8E;
	s24 =	sld [smem:$0x3FFE];
	[sflag:s23] =	ssyncadd.s32 $0xFFFFFFFF  }
0xab: {  	s26 =	simm.s32 $execute0_lowered;
	[smem:$0x3FD2] =	sst s25  }
0xac: {  	s5 =	sshll.u32 s26, $0x1;
	_ =	strace $0x80000049;
	[dreg:$0x1] =	wrdreg $0xFFFFFFFF  }
0xad: {  	s28 =	simm.s32 $_size_execute0_lowered;
	s3 =	sadd.s32 s3, s5;
	[dreg:$0x0] =	wrdreg $0x0  }
0xae: {  	s5 =	sshll.u32 s28, $0x1;
	[dreg:$0x2] =	wrdreg s3  }
0xaf: {  	[dreg:$0x3] =	wrdreg s5  }
0xb0: {  	[dreg:$0x4] =	wrdreg $0xC0  }
0xb1: {  	_ =	task [dreg:s7], $0x5FFFF  }
0xb2: {  	[dreg:$0x1] =	wrdreg $0xFFFFFFFF  }
0xb3: {  	[dreg:$0x0] =	wrdreg $0x60  }
0xb4: {  	[dreg:$0x2] =	wrdreg s16  }
0xb5: {  	[dreg:$0x3] =	wrdreg s24  }
0xb6: {  	[dreg:$0x4] =	wrdreg $0x0  }
0xb7: {  	[dreg:$0x5] =	wrdreg $0x9  }
0xb8: {  	_ =	task.clear_ibuf [dreg:s7], $0x6FFFF;
	_ =	strace $0x90000049  }
0xb9: {  	s29 =	simm.s32 $0x9;
	_ =	strace $0x8000004B  }
0xba: {  	_ =	swait.ge [sflag:s29], $0x1  }
0xbb: {  	[sflag:s29] =	ssyncadd.s32 $0xFFFFFFFF  }
0xbc: {  	_ =	strace $0x9000004B  }
0xbd: {  	_ =	sfence  }
0xbe: {  	s30 =	sld [smem:$0x0];
	_ =	sdelay $0x2  }
0xbf: {  	s31 =	sshll.u32 s1, $0xD;
	s1 =	sshrl.u32 s1, $0x2  }
0xc0: {  	s3 =	sand.u32 $0x4000, s31;
	s1 =	sadd.s32 s1, s30  }
0xc1: {  	s0 =	sor.u32 s3, s0;
	s1 =	sshll.u32 s1, $0x11  }
0xc2: {  	s0 =	sor.u32 s1, s0  }
0xc3: {  	s0 =	sadd.s32 $0x8F2B, s0  }
0xc4: {  	[sflag:s0] =	ssyncadd.remote.s32 $0x1  }
0xc5: {  	_ =	sfence.sel $0xFFFF  }
0xc6: {  	[dreg:$0x0] =	wrdreg $0xFFFFFFFF;
	(pc) =	sbr.abs _section_cstart, $3  }
0xc7: {  	[dreg:$0x1] =	wrdreg $0xFFFFFFFF  }
0xc8: {  	_ =	task.clear_ibuf [dreg:s7], $0x2FFFF;
	_ =	strace $0x9FFFFFFF  }
0xc9: {  	(tm) =	ssettm $0x7FFFFFFF  }
tec
execute0_lowered:
.L_overlay_start_1:
0x0: {  	(tag) =	ssettag $0x1  }
0x1: {  	s1 =	rddreg [dreg:$0x0]  }
0x2: {  	s9 =	rddreg [dreg:$0x1]  }
0x3: {  	s2 =	rddreg [dreg:$0x2]  }
0x4: {  	s0 =	rddreg [dreg:$0x3];
	s3 =	simm.s32 $0x0  }
0x5: {  	s4 =	srdreg.scid;
	s13 =	simm.s32 $0x1;
	s14 =	simm.s32 $0x9C48  }
0x6: {  	s16 =	simm.s32 $0x158C8;
	s17 =	simm.s32 $0x15AC8;
	s18 =	simm.s32 $0x200  }
0x7: {  	s19 =	simm.s32 $0x15CC8;
	s5 =	sand.u32 $0x1, s4;
	s4 =	stileid.u32  }
0x8: {  	s20 =	simm.s32 $0x0;
	s11 =	sshll.u32 s4, $0x1;
	s31 =	sshllo.u32 s4, $0x1  }
.Ltmp0:
0x9: {  	v4 =	vlaneseq.u32;
	[smem:$0x7FF] =	sst s3;
	s6 =	sadd.s32 $0x50400, s9;
	v0 =	vmov s11;
	v2 =	vmov s31;
	(pc) =	sbr.rel .LBB2_1-.Ltmp0, $4  }
0xa: {  	s7 =	sadd.s32 $0x77600, s9;
	s10 =	ssub.s32 $0x2, s5;
	s8 =	smul.u32 $0x9C40, s4;
	v1 =	vshll.u32 v0, $0x8;
	v0 =	vshll.u32 v0, $0x7;
	v3 =	vshll.u32 v2, $0x8  }
0xb: {  	s9 =	sadd.s32 $0x77A00, s9;
	_ =	strace $0x8000004A;
	s12 =	sshrl.u32 s10, $0x1;
	v2 =	vshll.u32 v2, $0x7;
	v1 =	vand.u32 $0x1800, v1;
	v0 =	vand.u32 $0x300, v0  }
0xc: {  	s15 =	sor.u32 $0x9C400, s4;
	s30 =	ssub.s32 s10, s12;
	s10 =	sadd.s32 s8, s2;
	v3 =	vand.u32 $0x1800, v3;
	v2 =	vand.u32 $0x380, v2;
	v0 =	vor.u32 v0, v1  }
0xd: {  	s12 =	simm.s32 $0x138C8;
	s11 =	smax.u32 s30, $0x1;
	v1 =	vmov s15;
	s15 =	simm.s32 $0x2;
	v2 =	vor.u32 v3, v2;
	v3 =	vimm.f32 $0.0e+00  }
.LBB2_9:
0xe: {  	s20 =	sadd.s32 $0x1, s20  }
0xf: {  	p0 =	sne.s32 s20, s11  }
.Ltmp1:
0x10: {  	_ = 	snop;
	(pc) =	sbr.rel @!p0 .LBB2_10-.Ltmp1, $1  }
0x11: {  	_ =	sdelay $0x3  }
.LBB2_1:
0x12: {  	[tilespmem:s12], [sflag:$0x1] =	stream.linear.gather [hbm4b:s7+s3], $0x2000, $0x38;
	[tilespmem:$0x1FB48] =	vst v63  }
0x13: {  	_ =	swait.ge [sflag:s13], $0x2000  }
0x14: {  	[sflag:s13] =	ssyncset.done $0x0  }
0x15: {  	s21 =	simm.s32 $0x40;
	s22 =	simm.s32 $0x0;
	[sflag:s13] =	ssyncadd.s32 $0xFFFFE000  }
.LBB2_2:
0x16: {  	p0 =	sne.s32 s21, $0x270C0;
	[tilespmem:s22+$0x9C48] =	vst v3;
	s22 =	smov.u32 s21;
	s21 =	sadd.s32 $0x40, s21  }
.Ltmp2:
0x17: {  	(pc) =	sbr.rel @p0 .LBB2_2-.Ltmp2, $2  }
0x18: {  	_ =	sdelay $0x2  }
0x19: {  	s22 =	sshra.s32 s22, $0x2  }
.Ltmp3:
0x1a: {  	(pc) =	sbr.rel .LBB2_4-.Ltmp3, $2  }
0x1b: {  	_ =	sdelay $0x2  }
0x1c: {  	[tilespmem:s22+$0x9C48] =	vst v3;
	s21 =	simm.s32 $0x0  }
.LBB2_8:
0x1d: {  	s22 =	smul.u32 $0x9C400, s22;
	_ =	sdelay $0x1  }
0x1e: {  	s22 =	sadd.s32 s8, s22  }
0x1f: {  	p0 =	sgt.u32 s22, $0x5F544C0  }
0x20: {  	[bflag:$0x0] =	sbarrier.arrive $0xFFFF;
	s23 =	simm.s32 @!p0 $0x15EC8;
	s24 =	simm.s32 @!p0 $0x2  }
0x21: {  	[tilespmem:s23], [sflag:$0x2] =	stream.linear.gather @!p0 [spmem:s10], $0x9C40, $0x38;
	[tilespmem:$0x1FB48] =	vst v63  }
0x22: {  	s21 =	sadd.s32 $0x1, s21;
	_ =	swait.ge @!p0 [sflag:s24], $0x9C40  }
0x23: {  	p1 =	sne.s32 s21, $0x4F;
	s22 =	sshrl.u32 @!p0 s22, $0x3;
	[sflag:s24] =	ssyncset.done @!p0 $0x0  }
0x24: {  	s22 =	sadd.s32 @!p0 s9, s22;
	[sflag:s24] =	ssyncadd.s32 @!p0 $0xFFFF63C0;
	s24 =	simm.s32 @!p0 $0x0  }
0x25: {  	[hbm4b:s22+s24] =	stream.linear.scatter @!p0 [tilespmem:s23], [sflag:$0x1], $0x9C40, $0x38;
	[tilespmem:$0x1FB48] =	vst v63  }
.Ltmp4:
0x26: {  	_ = 	snop;
	(pc) =	sbr.rel @!p1 .LBB2_9-.Ltmp4, $4  }
0x27: {  	s22 =	simm.s32 @!p0 $0x1  }
0x28: {  	_ =	swait.ge @!p0 [sflag:s22], $0x9C40  }
0x29: {  	[sflag:s22] =	ssyncset.done @!p0 $0x0  }
0x2a: {  	[sflag:s22] =	ssyncadd.s32 @!p0 $0xFFFF63C0  }
.LBB2_4:
0x2b: {  	s22 =	sshll.u32 s21, $0x1  }
0x2c: {  	s22 =	sor.u32 s5, s22  }
0x2d: {  	s23 =	sadd.s32 $0x1, s22  }
0x2e: {  	v6 =	vmov s22;
	v8 =	vmov s23  }
0x2f: {  	v5 =	vand.u32 $0x7F, v6;
	v6 =	vshll.u32 v6, $0x3;
	v7 =	vshll.u32 v8, $0x3  }
0x30: {  	v6 =	vand.u32 $0x400, v6;
	v9 =	vor.u32 v0, v5;
	v7 =	vand.u32 $0x7FFFFC00, v7  }
0x31: {  	[spmem:s10] =	stream.linear.scatter [tilespmem:s14], [sflag:$0x2], $0x9C40, $0x38;
	v8 =	vand.u32 $0x7F, v8;
	v9 =	vor.u32 v6, v9;
	v10 =	vadd.s32 v0, v7;
	[tilespmem:$0x1FB48] =	vst v63  }
0x32: {  	_ =	swait.ge [sflag:s15], $0x9C40;
	v10 =	vor.u32 v8, v10  }
0x33: {  	[sflag:s15] =	ssyncset.done $0x0  }
0x34: {  	[sflag:s15] =	ssyncadd.s32 $0xFFFF63C0  }
0x35: {  	[bflag:$0x0] =	sbarrier.arrive $0xFFFF  }
0x36: {  	v9 =	vld.idx.msk [tilespmem:v9+s12+$0x0], $0xffff  }
0x37: {  	v10 =	vld.idx.msk [tilespmem:v10+s12+$0x0], $0xffff;
	_ =	sdelay $0x3  }
0x38: {  	v9 =	vxor.u32 $0x80000000, v9  }
0x39: {  	(xrf0) =	vmax.scan.msk.u32 $0xffff, v9;
	v9 =	vxor.u32 $0x80000000, v10  }
0x3a: {  	(xrf0) =	vmax.scan.msk.u32 $0xffff, v9;
	_ =	sdelay $0x4  }
0x3b: {  	v9, _, _ =	vpop (xrf0)  }
0x3c: {  	(v2sf) =	vpush v9, $0xF;
	v9, _, _ =	vpop (xrf0)  }
0x3d: {  	(v2sf) =	vpush v9, $0xF;
	_ =	sdelay $0xd  }
0x3e: {  	s31 =	spop (v2sf)  }
0x3f: {  	s25 =	spop (v2sf)  }
0x40: {  	s24 =	sxor.u32 $0x80000000, s31;
	s23 =	sxor.u32 $0x80000000, s25  }
0x41: {  	p0 =	sge.s32 s24, s23  }
.Ltmp5:
0x42: {  	_ = 	snop;
	(pc) =	sbr.rel @p0 .LBB2_6-.Ltmp5, $1  }
0x43: {  	_ =	sdelay $0x3  }
.LBB2_5:
0x44: {  	s25 =	sshrl.u32 s24, $0x3;
	s28 =	sand.u32 $0xFFFFFFF8, s24  }
0x45: {  	s26 =	sadd.s32 s1, s25;
	s25 =	sadd.s32 s6, s25;
	s31 =	sadd.s32 $0x20, s28  }
0x46: {  	[tilespmem:s16], [sflag:$0x2] =	stream.linear.gather [hbm4b:s26+s3], $0x200, $0x38;
	[tilespmem:$0x1FB48] =	vst v63  }
0x47: {  	s30 =	sadd.s32 $0x30, s28;
	s26 =	smov.u32 s23;
	_ =	swait.ge [sflag:s15], $0x200  }
0x48: {  	v13 =	vadd.s32 s31, v4;
	v14 =	vadd.s32 s30, v4;
	s31 =	sadd.s32 $0x40, s28;
	s30 =	sadd.s32 $0x50, s28;
	[sflag:s15] =	ssyncset.done $0x0  }
0x49: {  	v56 =	vadd.s32 s31, v4;
	v16 =	vadd.s32 s30, v4;
	s31 =	sadd.s32 $0x60, s28;
	s30 =	sadd.s32 $0x70, s28;
	[sflag:s15] =	ssyncadd.s32 $0xFFFFFE00  }
0x4a: {  	[tilespmem:s17], [sflag:$0x2] =	stream.linear.gather [hbm4b:s25+s3], $0x200, $0x38;
	[tilespmem:$0x1FB48] =	vst v63  }
0x4b: {  	v11 =	vadd.s32 s28, v4;
	v17 =	vadd.s32 s31, v4;
	v59 =	vadd.s32 s30, v4;
	s31 =	sadd.s32 $0x80, s28;
	s30 =	sadd.s32 $0x90, s28;
	_ =	swait.ge [sflag:s15], $0x200  }
0x4c: {  	vm0 =	vge.s32 v11, s24;
	v19 =	vadd.s32 s31, v4;
	v20 =	vadd.s32 s30, v4;
	s31 =	sadd.s32 $0xA0, s28;
	s30 =	sadd.s32 $0xB0, s28;
	[sflag:s15] =	ssyncset.done $0x0  }
0x4d: {  	vm3 =	vge.s32 v13, s24;
	vm12 =	vge.s32 v14, s24;
	s25 =	sadd.s32 $0x1F0, s24;
	v62 =	vadd.s32 s31, v4;
	s31 =	sadd.s32 $0xC0, s28;
	[sflag:s15] =	ssyncadd.s32 $0xFFFFFE00  }
0x4e: {  	vm14 =	vge.s32 v56, s24;
	v22 =	vadd.s32 s30, v4;
	s30 =	sadd.s32 $0xD0, s28;
	p0 =	slt.s32 s25, s23;
	v23 =	vadd.s32 s31, v4;
	s31 =	sadd.s32 $0xE0, s28;
	v9 =	vld [tilespmem:$0x158C8]  }
0x4f: {  	s29 =	sadd.s32 $0x10, s28;
	vm8 =	vge.s32 v16, s24;
	v29 =	vadd.s32 s30, v4;
	s30 =	sadd.s32 $0xF0, s28;
	s26 =	smov.u32 @p0 s25;
	v25 =	vadd.s32 s31, v4;
	v10 =	vld [tilespmem:$0x158D8]  }
0x50: {  	v33 =	vadd.s32 s30, v4;
	vm1 =	vlt.s32 v11, s26;
	v11 =	vadd.s32 s29, v4;
	v12 =	vld [tilespmem:$0x158E8]  }
0x51: {  	s31 =	sadd.s32 $0x100, s28;
	vm4 =	vlt.s32 v13, s26;
	vm13 =	vlt.s32 v14, s26;
	vm15 =	vlt.s32 v56, s26  }
0x52: {  	v35 =	vadd.s32 s31, v4;
	s31 =	sadd.s32 $0x120, s28;
	vm9 =	vge.s32 v11, s24;
	vm2 =	vlt.s32 v11, s26;
	v11 =	vld [tilespmem:$0x158F8]  }
0x53: {  	vm0 =	vmand vm0, vm1;
	vm11 =	vmand vm3, vm4;
	v55 =	vld [tilespmem:$0x15908];
	v40 =	vadd.s32 s31, v4;
	s31 =	sadd.s32 $0x140, s28  }
0x54: {  	v15 =	vld [tilespmem:$0x15918];
	vm10 =	vmand vm9, vm2;
	vm9 =	vlt.s32 v16, s26;
	v43 =	vadd.s32 s31, v4  }
0x55: {  	v9 =	vsel vm0, v9, v1;
	v10 =	vsel vm10, v10, v1;
	v12 =	vsel vm11, v12, v1  }
0x56: {  	v57 =	vld [tilespmem:$0x15928];
	vm0 =	vmand vm12, vm13;
	vm10 =	vmand vm14, vm15;
	vm11 =	vmand vm8, vm9  }
0x57: {  	v58 =	vld [tilespmem:$0x15938];
	vm12 =	vge.s32 v17, s24;
	vm13 =	vlt.s32 v17, s26;
	vm14 =	vge.s32 v59, s24  }
0x58: {  	v18 =	vld [tilespmem:$0x15948];
	vm15 =	vlt.s32 v59, s26;
	vm8 =	vge.s32 v19, s24;
	vm9 =	vlt.s32 v19, s26  }
0x59: {  	v11 =	vsel vm0, v11, v1;
	v13 =	vsel vm10, v55, v1;
	v15 =	vsel vm11, v15, v1  }
0x5a: {  	vm0 =	vmand vm12, vm13;
	vm10 =	vmand vm14, vm15;
	vm11 =	vmand vm8, vm9  }
0x5b: {  	v60 =	vld [tilespmem:$0x15958];
	vm12 =	vge.s32 v20, s24;
	vm13 =	vlt.s32 v20, s26;
	vm14 =	vge.s32 v62, s24  }
0x5c: {  	v61 =	vld [tilespmem:$0x15968];
	vm15 =	vlt.s32 v62, s26;
	vm8 =	vge.s32 v22, s24;
	vm9 =	vlt.s32 v22, s26  }
0x5d: {  	v21 =	vld [tilespmem:$0x15978];
	v14 =	vsel vm0, v57, v1;
	v16 =	vsel vm10, v58, v1;
	v18 =	vsel vm11, v18, v1  }
0x5e: {  	vm0 =	vmand vm12, vm13;
	vm10 =	vmand vm14, vm15;
	vm11 =	vmand vm8, vm9  }
0x5f: {  	v63 =	vld [tilespmem:$0x15988];
	vm12 =	vge.s32 v23, s24;
	vm13 =	vlt.s32 v23, s26;
	vm14 =	vge.s32 v29, s24  }
0x60: {  	s30 =	sadd.s32 $0x110, s28;
	v28 =	vld [tilespmem:$0x15998];
	vm15 =	vlt.s32 v29, s26;
	vm8 =	vge.s32 v25, s24;
	vm9 =	vlt.s32 v25, s26  }
0x61: {  	v24 =	vld [tilespmem:$0x159A8];
	[tilespmem:$0x15CF8] =	vst v11;
	v11 =	vadd.s32 s30, v4;
	v17 =	vsel vm0, v60, v1;
	v19 =	vsel vm10, v61, v1  }
0x62: {  	[tilespmem:$0x15CC8] =	vst v9;
	v21 =	vsel vm11, v21, v1;
	vm0 =	vmand vm12, vm13;
	vm10 =	vmand vm14, vm15  }
0x63: {  	v30 =	vld [tilespmem:$0x159B8];
	[tilespmem:$0x15CD8] =	vst v10;
	vm11 =	vmand vm8, vm9;
	vm12 =	vge.s32 v33, s24;
	vm13 =	vlt.s32 v33, s26  }
0x64: {  	v31 =	vld [tilespmem:$0x159C8];
	[tilespmem:$0x15CE8] =	vst v12;
	s30 =	sadd.s32 $0x130, s28;
	vm14 =	vge.s32 v35, s24;
	vm15 =	vlt.s32 v35, s26;
	vm8 =	vge.s32 v11, s24  }
0x65: {  	v34 =	vld [tilespmem:$0x159D8];
	[tilespmem:$0x15D08] =	vst v13;
	vm9 =	vlt.s32 v11, s26;
	v42 =	vadd.s32 s30, v4;
	v9 =	vsel vm0, v63, v1  }
0x66: {  	[tilespmem:$0x15D18] =	vst v15;
	v10 =	vsel vm10, v28, v1;
	v32 =	vsel vm11, v24, v1;
	vm0 =	vmand vm12, vm13  }
0x67: {  	v37 =	vld [tilespmem:$0x159F8];
	[tilespmem:$0x15D28] =	vst v14;
	vm10 =	vmand vm14, vm15;
	vm11 =	vmand vm8, vm9;
	vm12 =	vge.s32 v40, s24  }
0x68: {  	v41 =	vld [tilespmem:$0x15A08];
	[tilespmem:$0x15D38] =	vst v16;
	s30 =	sadd.s32 $0x150, s28;
	vm13 =	vlt.s32 v40, s26;
	vm14 =	vge.s32 v42, s24;
	vm15 =	vlt.s32 v42, s26  }
0x69: {  	[tilespmem:$0x15D48] =	vst v18;
	vm8 =	vge.s32 v43, s24;
	vm9 =	vlt.s32 v43, s26;
	v47 =	vadd.s32 s30, v4  }
0x6a: {  	[tilespmem:$0x15D58] =	vst v17;
	v36 =	vsel vm0, v30, v1;
	v38 =	vsel vm10, v31, v1;
	v39 =	vsel vm11, v34, v1  }
0x6b: {  	v45 =	vld [tilespmem:$0x15A28];
	s31 =	sadd.s32 $0x160, s28;
	[tilespmem:$0x15D68] =	vst v19;
	vm0 =	vmand vm12, vm13;
	vm10 =	vmand vm14, vm15;
	vm11 =	vmand vm8, vm9  }
0x6c: {  	v11 =	vld [tilespmem:$0x159E8];
	s30 =	sadd.s32 $0x170, s28;
	[tilespmem:$0x15D88] =	vst v9;
	vm12 =	vge.s32 v47, s24;
	vm13 =	vlt.s32 v47, s26;
	v9 =	vadd.s32 s31, v4  }
0x6d: {  	v48 =	vld [tilespmem:$0x15A38];
	[tilespmem:$0x15D98] =	vst v10;
	v10 =	vadd.s32 s30, v4;
	v13 =	vsel vm10, v37, v1;
	v46 =	vsel vm11, v41, v1  }
0x6e: {  	[tilespmem:$0x15D78] =	vst v21;
	s31 =	sadd.s32 $0x180, s28;
	s30 =	sadd.s32 $0x190, s28;
	vm14 =	vge.s32 v9, s24;
	vm15 =	vlt.s32 v9, s26;
	vm8 =	vge.s32 v10, s24  }
0x6f: {  	v44 =	vld [tilespmem:$0x15A18];
	[tilespmem:$0x15DA8] =	vst v32;
	vm9 =	vlt.s32 v10, s26;
	v52 =	vadd.s32 s31, v4;
	v54 =	vadd.s32 s30, v4  }
0x70: {  	[tilespmem:$0x15DB8] =	vst v36;
	s30 =	sadd.s32 $0x1B0, s28;
	vm10 =	vmand vm14, vm15;
	vm11 =	vmand vm8, vm9;
	vm14 =	vge.s32 v54, s24  }
0x71: {  	v49 =	vld [tilespmem:$0x15A58];
	[tilespmem:$0x15DC8] =	vst v38;
	vm15 =	vlt.s32 v54, s26;
	v57 =	vadd.s32 s30, v4;
	v11 =	vsel vm0, v11, v1  }
0x72: {  	v9 =	vld [tilespmem:$0x15A48];
	[tilespmem:$0x15DD8] =	vst v39;
	vm0 =	vmand vm12, vm13;
	v50 =	vsel vm10, v45, v1;
	v51 =	vsel vm11, v48, v1  }
0x73: {  	[tilespmem:$0x15DF8] =	vst v13;
	s30 =	sadd.s32 $0x1D0, s28;
	vm12 =	vge.s32 v52, s24;
	vm13 =	vlt.s32 v52, s26;
	vm10 =	vmand vm14, vm15  }
0x74: {  	v53 =	vld [tilespmem:$0x15A68];
	s31 =	sadd.s32 $0x1A0, s28;
	[tilespmem:$0x15E08] =	vst v46;
	v60 =	vadd.s32 s30, v4;
	v10 =	vsel vm0, v44, v1;
	vm0 =	vmand vm12, vm13  }
0x75: {  	v55 =	vld [tilespmem:$0x15A88];
	[tilespmem:$0x15DE8] =	vst v11;
	v11 =	vadd.s32 s31, v4;
	vm12 =	vge.s32 v57, s24;
	vm13 =	vlt.s32 v57, s26  }
0x76: {  	s31 =	sadd.s32 $0x1C0, s28;
	vm8 =	vge.s32 v11, s24;
	vm9 =	vlt.s32 v11, s26;
	v11 =	vld [tilespmem:$0x15A78];
	[tilespmem:$0x15E18] =	vst v10;
	v10 =	vsel vm10, v49, v1  }
0x77: {  	v58 =	vld [tilespmem:$0x15A98];
	[tilespmem:$0x15E28] =	vst v50;
	v59 =	vadd.s32 s31, v4;
	v9 =	vsel vm0, v9, v1;
	vm11 =	vmand vm8, vm9  }
0x78: {  	[tilespmem:$0x15E38] =	vst v51;
	s31 =	sadd.s32 $0x1E0, s28;
	vm14 =	vge.s32 v59, s24;
	vm15 =	vlt.s32 v59, s26;
	vm0 =	vmand vm12, vm13  }
0x79: {  	vm8 =	vge.s32 v60, s24;
	vm9 =	vlt.s32 v60, s26;
	v63 =	vadd.s32 s31, v4;
	[tilespmem:$0x15E48] =	vst v9;
	v9 =	vld [tilespmem:$0x15AA8]  }
0x7a: {  	[tilespmem:$0x15E58] =	vst v10;
	v10 =	vld [tilespmem:$0x15AB8];
	v56 =	vsel vm11, v53, v1;
	vm10 =	vmand vm14, vm15;
	vm1 =	vmand vm8, vm9  }
0x7b: {  	s28 =	sadd.s32 $0x1F0, s28;
	vm11 =	vge.s32 v63, s24;
	vm12 =	vlt.s32 v63, s26;
	[tilespmem:$0x15E68] =	vst v56;
	v11 =	vsel vm0, v11, v1  }
0x7c: {  	v61 =	vsel vm10, v55, v1;
	v62 =	vsel vm1, v58, v1;
	[tilespmem:$0x15E78] =	vst v11;
	v11 =	vadd.s32 s28, v4  }
0x7d: {  	[tilespmem:$0x15E88] =	vst v61;
	vm0 =	vmand vm11, vm12;
	vm13 =	vge.s32 v11, s24;
	vm14 =	vlt.s32 v11, s26  }
0x7e: {  	[tilespmem:$0x15E98] =	vst v62;
	v9 =	vsel vm0, v9, v1;
	vm15 =	vmand vm13, vm14  }
0x7f: {  	[tilespmem:$0x15EA8] =	vst v9;
	v9 =	vsel vm15, v10, v1  }
.Ltmp6:
0x80: {  	[tilespmem:$0x15EB8] =	vst v9;
	(pc) =	sbr.rel @p0 .LBB2_5-.Ltmp6, $4  }
0x81: {  	[spmem:s2] =	stream.indirect.scatter.add.f32 [tilespmem:s17], [sflag:$0x2], $0x1, s19, s18, $0xb8;
	[tilespmem:$0x1FB48] =	vst v63  }
0x82: {  	_ =	swait.ge [sflag:s15], $0x200  }
0x83: {  	[sflag:s15] =	ssyncset.done $0x0  }
0x84: {  	s24 =	smov.u32 s25;
	[sflag:s15] =	ssyncadd.s32 $0xFFFFFE00  }
.LBB2_6:
0x85: {  	v5 =	vor.u32 v5, v2  }
0x86: {  	v5 =	vor.u32 v6, v5;
	v6 =	vadd.s32 v2, v7  }
0x87: {  	v6 =	vor.u32 v8, v6;
	_ =	sdelay $0x3  }
0x88: {  	v5 =	vld.idx.msk [tilespmem:v5+s12+$0x0], $0xffff  }
0x89: {  	v6 =	vld.idx.msk [tilespmem:v6+s12+$0x0], $0xffff;
	_ =	sdelay $0x3  }
0x8a: {  	v5 =	vxor.u32 $0x80000000, v5  }
0x8b: {  	(xrf0) =	vmax.scan.msk.u32 $0xffff, v5;
	v5 =	vxor.u32 $0x80000000, v6  }
0x8c: {  	(xrf0) =	vmax.scan.msk.u32 $0xffff, v5;
	_ =	sdelay $0x4  }
0x8d: {  	v5, _, _ =	vpop (xrf0)  }
0x8e: {  	(v2sf) =	vpush v5, $0xF;
	v5, _, _ =	vpop (xrf0)  }
0x8f: {  	(v2sf) =	vpush v5, $0xF;
	_ =	sdelay $0xd  }
0x90: {  	s23 =	spop (v2sf)  }
0x91: {  	s25 =	spop (v2sf)  }
0x92: {  	s24 =	sxor.u32 $0x80000000, s23;
	s23 =	sxor.u32 $0x80000000, s25  }
0x93: {  	p0 =	sge.s32 s24, s23  }
.Ltmp7:
0x94: {  	_ = 	snop;
	(pc) =	sbr.rel @p0 .LBB2_8-.Ltmp7, $1  }
0x95: {  	_ =	sdelay $0x3  }
.LBB2_7:
0x96: {  	s25 =	sshrl.u32 s24, $0x3  }
0x97: {  	s26 =	sadd.s32 s1, s25  }
0x98: {  	[tilespmem:s16], [sflag:$0x2] =	stream.linear.gather [hbm4b:s26+s3], $0x200, $0x38;
	[tilespmem:$0x1FB48] =	vst v63  }
0x99: {  	s28 =	sand.u32 $0xFFFFFFF8, s24;
	s25 =	sadd.s32 s6, s25;
	_ =	swait.ge [sflag:s15], $0x200  }
0x9a: {  	s31 =	sadd.s32 $0x20, s28;
	s30 =	sadd.s32 $0x30, s28;
	[sflag:s15] =	ssyncset.done $0x0  }
0x9b: {  	s26 =	smov.u32 s23;
	v10 =	vadd.s32 s30, v4;
	s30 =	sadd.s32 $0x50, s28;
	[sflag:s15] =	ssyncadd.s32 $0xFFFFFE00  }
0x9c: {  	[tilespmem:s17], [sflag:$0x2] =	stream.linear.gather [hbm4b:s25+s3], $0x200, $0x38;
	[tilespmem:$0x1FB48] =	vst v63  }
0x9d: {  	v7 =	vadd.s32 s28, v4;
	v9 =	vadd.s32 s31, v4;
	s31 =	sadd.s32 $0x40, s28;
	v12 =	vadd.s32 s30, v4;
	s30 =	sadd.s32 $0x70, s28;
	_ =	swait.ge [sflag:s15], $0x200  }
0x9e: {  	vm0 =	vge.s32 v7, s24;
	v20 =	vadd.s32 s31, v4;
	s31 =	sadd.s32 $0x60, s28;
	v23 =	vadd.s32 s30, v4;
	s30 =	sadd.s32 $0x90, s28;
	[sflag:s15] =	ssyncset.done $0x0  }
0x9f: {  	vm3 =	vge.s32 v9, s24;
	vm12 =	vge.s32 v10, s24;
	v16 =	vadd.s32 s30, v4;
	s30 =	sadd.s32 $0xB0, s28;
	s25 =	sadd.s32 $0x1F0, s24;
	[sflag:s15] =	ssyncadd.s32 $0xFFFFFE00  }
0xa0: {  	vm14 =	vge.s32 v20, s24;
	v13 =	vadd.s32 s31, v4;
	s31 =	sadd.s32 $0x80, s28;
	v18 =	vadd.s32 s30, v4;
	s30 =	sadd.s32 $0xD0, s28;
	p0 =	slt.s32 s25, s23;
	v5 =	vld [tilespmem:$0x158C8]  }
0xa1: {  	vm8 =	vge.s32 v12, s24;
	v15 =	vadd.s32 s31, v4;
	s31 =	sadd.s32 $0xA0, s28;
	v29 =	vadd.s32 s30, v4;
	s30 =	sadd.s32 $0xF0, s28;
	s26 =	smov.u32 @p0 s25;
	v6 =	vld [tilespmem:$0x158D8]  }
0xa2: {  	s29 =	sadd.s32 $0x10, s28;
	v26 =	vadd.s32 s31, v4;
	v33 =	vadd.s32 s30, v4;
	vm1 =	vlt.s32 v7, s26;
	v8 =	vld [tilespmem:$0x158E8]  }
0xa3: {  	v7 =	vadd.s32 s29, v4;
	vm4 =	vlt.s32 v9, s26;
	vm13 =	vlt.s32 v10, s26  }
0xa4: {  	vm15 =	vlt.s32 v20, s26;
	vm9 =	vge.s32 v7, s24;
	vm2 =	vlt.s32 v7, s26;
	v7 =	vld [tilespmem:$0x158F8]  }
0xa5: {  	vm0 =	vmand vm0, vm1;
	vm11 =	vmand vm3, vm4;
	v19 =	vld [tilespmem:$0x15908];
	vm10 =	vmand vm9, vm2  }
0xa6: {  	v11 =	vld [tilespmem:$0x15918];
	vm9 =	vlt.s32 v12, s26;
	v5 =	vsel vm0, v5, v1;
	v6 =	vsel vm10, v6, v1  }
0xa7: {  	v8 =	vsel vm11, v8, v1;
	vm0 =	vmand vm12, vm13;
	vm10 =	vmand vm14, vm15  }
0xa8: {  	v21 =	vld [tilespmem:$0x15928];
	vm11 =	vmand vm8, vm9;
	vm12 =	vge.s32 v13, s24;
	vm13 =	vlt.s32 v13, s26  }
0xa9: {  	v22 =	vld [tilespmem:$0x15938];
	vm14 =	vge.s32 v23, s24;
	vm15 =	vlt.s32 v23, s26;
	vm8 =	vge.s32 v15, s24  }
0xaa: {  	v14 =	vld [tilespmem:$0x15948];
	vm9 =	vlt.s32 v15, s26;
	v7 =	vsel vm0, v7, v1;
	v9 =	vsel vm10, v19, v1  }
0xab: {  	v11 =	vsel vm11, v11, v1;
	vm0 =	vmand vm12, vm13;
	vm10 =	vmand vm14, vm15  }
0xac: {  	v24 =	vld [tilespmem:$0x15958];
	vm11 =	vmand vm8, vm9;
	vm12 =	vge.s32 v16, s24;
	vm13 =	vlt.s32 v16, s26  }
0xad: {  	s31 =	sadd.s32 $0xC0, s28;
	v25 =	vld [tilespmem:$0x15968];
	vm14 =	vge.s32 v26, s24;
	vm15 =	vlt.s32 v26, s26;
	vm8 =	vge.s32 v18, s24  }
0xae: {  	v17 =	vld [tilespmem:$0x15978];
	vm9 =	vlt.s32 v18, s26;
	v19 =	vadd.s32 s31, v4;
	v10 =	vsel vm0, v21, v1  }
0xaf: {  	v12 =	vsel vm10, v22, v1;
	v14 =	vsel vm11, v14, v1;
	vm0 =	vmand vm12, vm13  }
0xb0: {  	s31 =	sadd.s32 $0xE0, s28;
	vm10 =	vmand vm14, vm15;
	vm11 =	vmand vm8, vm9;
	vm12 =	vge.s32 v19, s24  }
0xb1: {  	s30 =	sadd.s32 $0x110, s28;
	v27 =	vld [tilespmem:$0x15988];
	vm13 =	vlt.s32 v19, s26;
	vm14 =	vge.s32 v29, s24;
	v21 =	vadd.s32 s31, v4  }
0xb2: {  	v28 =	vld [tilespmem:$0x15998];
	vm15 =	vlt.s32 v29, s26;
	[tilespmem:$0x15CF8] =	vst v7;
	v7 =	vadd.s32 s30, v4;
	v13 =	vsel vm0, v24, v1  }
0xb3: {  	v15 =	vsel vm10, v25, v1;
	v17 =	vsel vm11, v17, v1;
	vm0 =	vmand vm12, vm13  }
0xb4: {  	v20 =	vld [tilespmem:$0x159A8];
	s31 =	sadd.s32 $0x100, s28;
	vm8 =	vge.s32 v21, s24;
	vm9 =	vlt.s32 v21, s26;
	vm10 =	vmand vm14, vm15  }
0xb5: {  	v30 =	vld [tilespmem:$0x159B8];
	[tilespmem:$0x15CC8] =	vst v5;
	s30 =	sadd.s32 $0x130, s28;
	vm12 =	vge.s32 v33, s24;
	vm13 =	vlt.s32 v33, s26;
	v35 =	vadd.s32 s31, v4  }
0xb6: {  	[tilespmem:$0x15CD8] =	vst v6;
	v42 =	vadd.s32 s30, v4;
	v5 =	vsel vm0, v27, v1;
	vm11 =	vmand vm8, vm9  }
0xb7: {  	v31 =	vld [tilespmem:$0x159C8];
	[tilespmem:$0x15CE8] =	vst v8;
	v6 =	vsel vm10, v28, v1;
	vm0 =	vmand vm12, vm13;
	vm14 =	vge.s32 v35, s24  }
0xb8: {  	v34 =	vld [tilespmem:$0x159D8];
	[tilespmem:$0x15D08] =	vst v9;
	s31 =	sadd.s32 $0x120, s28;
	s30 =	sadd.s32 $0x150, s28;
	vm15 =	vlt.s32 v35, s26;
	vm8 =	vge.s32 v7, s24;
	vm9 =	vlt.s32 v7, s26  }
0xb9: {  	[tilespmem:$0x15D18] =	vst v11;
	v40 =	vadd.s32 s31, v4;
	v47 =	vadd.s32 s30, v4;
	v32 =	vsel vm11, v20, v1  }
0xba: {  	[tilespmem:$0x15D28] =	vst v10;
	v36 =	vsel vm0, v30, v1;
	vm10 =	vmand vm14, vm15;
	vm11 =	vmand vm8, vm9  }
0xbb: {  	v37 =	vld [tilespmem:$0x159F8];
	[tilespmem:$0x15D38] =	vst v12;
	s31 =	sadd.s32 $0x140, s28;
	s30 =	sadd.s32 $0x170, s28;
	vm12 =	vge.s32 v40, s24;
	vm13 =	vlt.s32 v40, s26;
	vm14 =	vge.s32 v42, s24  }
0xbc: {  	v43 =	vadd.s32 s31, v4;
	vm15 =	vlt.s32 v42, s26;
	[tilespmem:$0x15D98] =	vst v6;
	v6 =	vadd.s32 s30, v4  }
0xbd: {  	[tilespmem:$0x15D48] =	vst v14;
	v38 =	vsel vm10, v31, v1;
	v39 =	vsel vm11, v34, v1;
	vm0 =	vmand vm12, vm13  }
0xbe: {  	v41 =	vld [tilespmem:$0x15A08];
	[tilespmem:$0x15D58] =	vst v13;
	s31 =	sadd.s32 $0x160, s28;
	vm8 =	vge.s32 v43, s24;
	vm9 =	vlt.s32 v43, s26;
	vm10 =	vmand vm14, vm15  }
0xbf: {  	v45 =	vld [tilespmem:$0x15A28];
	[tilespmem:$0x15D88] =	vst v5;
	s30 =	sadd.s32 $0x190, s28;
	vm12 =	vge.s32 v47, s24;
	vm13 =	vlt.s32 v47, s26;
	v5 =	vadd.s32 s31, v4  }
0xc0: {  	v7 =	vld [tilespmem:$0x159E8];
	[tilespmem:$0x15D68] =	vst v15;
	v54 =	vadd.s32 s30, v4;
	vm11 =	vmand vm8, vm9;
	v9 =	vsel vm10, v37, v1  }
0xc1: {  	v48 =	vld [tilespmem:$0x15A38];
	[tilespmem:$0x15D78] =	vst v17;
	s31 =	sadd.s32 $0x180, s28;
	s30 =	sadd.s32 $0x1B0, s28;
	vm14 =	vge.s32 v5, s24;
	vm15 =	vlt.s32 v5, s26;
	vm8 =	vge.s32 v6, s24  }
0xc2: {  	v44 =	vld [tilespmem:$0x15A18];
	[tilespmem:$0x15DA8] =	vst v32;
	vm9 =	vlt.s32 v6, s26;
	v52 =	vadd.s32 s31, v4;
	v57 =	vadd.s32 s30, v4  }
0xc3: {  	[tilespmem:$0x15DB8] =	vst v36;
	s30 =	sadd.s32 $0x1D0, s28;
	v46 =	vsel vm11, v41, v1;
	vm10 =	vmand vm14, vm15;
	vm11 =	vmand vm8, vm9  }
0xc4: {  	v49 =	vld [tilespmem:$0x15A58];
	[tilespmem:$0x15DC8] =	vst v38;
	vm14 =	vge.s32 v54, s24;
	vm15 =	vlt.s32 v54, s26;
	v60 =	vadd.s32 s30, v4  }
0xc5: {  	v5 =	vld [tilespmem:$0x15A48];
	[tilespmem:$0x15DD8] =	vst v39;
	v7 =	vsel vm0, v7, v1;
	vm0 =	vmand vm12, vm13;
	v50 =	vsel vm10, v45, v1  }
0xc6: {  	[tilespmem:$0x15DF8] =	vst v9;
	v51 =	vsel vm11, v48, v1;
	vm12 =	vge.s32 v52, s24;
	vm13 =	vlt.s32 v52, s26  }
0xc7: {  	v53 =	vld [tilespmem:$0x15A68];
	s31 =	sadd.s32 $0x1A0, s28;
	[tilespmem:$0x15E08] =	vst v46;
	vm10 =	vmand vm14, vm15;
	v6 =	vsel vm0, v44, v1;
	vm0 =	vmand vm12, vm13  }
0xc8: {  	v55 =	vld [tilespmem:$0x15A88];
	[tilespmem:$0x15DE8] =	vst v7;
	v7 =	vadd.s32 s31, v4;
	vm12 =	vge.s32 v57, s24;
	vm13 =	vlt.s32 v57, s26  }
0xc9: {  	s31 =	sadd.s32 $0x1C0, s28;
	vm8 =	vge.s32 v7, s24;
	vm9 =	vlt.s32 v7, s26;
	v7 =	vld [tilespmem:$0x15A78];
	[tilespmem:$0x15E18] =	vst v6;
	v6 =	vsel vm10, v49, v1  }
0xca: {  	v58 =	vld [tilespmem:$0x15A98];
	[tilespmem:$0x15E28] =	vst v50;
	v59 =	vadd.s32 s31, v4;
	v5 =	vsel vm0, v5, v1;
	vm11 =	vmand vm8, vm9  }
0xcb: {  	[tilespmem:$0x15E38] =	vst v51;
	s31 =	sadd.s32 $0x1E0, s28;
	vm14 =	vge.s32 v59, s24;
	vm15 =	vlt.s32 v59, s26;
	vm0 =	vmand vm12, vm13  }
0xcc: {  	vm8 =	vge.s32 v60, s24;
	vm9 =	vlt.s32 v60, s26;
	v63 =	vadd.s32 s31, v4;
	[tilespmem:$0x15E48] =	vst v5;
	v5 =	vld [tilespmem:$0x15AA8]  }
0xcd: {  	[tilespmem:$0x15E58] =	vst v6;
	v6 =	vld [tilespmem:$0x15AB8];
	v56 =	vsel vm11, v53, v1;
	vm10 =	vmand vm14, vm15;
	vm1 =	vmand vm8, vm9  }
0xce: {  	s28 =	sadd.s32 $0x1F0, s28;
	vm11 =	vge.s32 v63, s24;
	vm12 =	vlt.s32 v63, s26;
	[tilespmem:$0x15E68] =	vst v56;
	v7 =	vsel vm0, v7, v1  }
0xcf: {  	v61 =	vsel vm10, v55, v1;
	v62 =	vsel vm1, v58, v1;
	[tilespmem:$0x15E78] =	vst v7;
	v7 =	vadd.s32 s28, v4  }
0xd0: {  	[tilespmem:$0x15E88] =	vst v61;
	vm0 =	vmand vm11, vm12;
	vm13 =	vge.s32 v7, s24;
	vm14 =	vlt.s32 v7, s26  }
0xd1: {  	[tilespmem:$0x15E98] =	vst v62;
	v5 =	vsel vm0, v5, v1;
	vm15 =	vmand vm13, vm14  }
0xd2: {  	[tilespmem:$0x15EA8] =	vst v5;
	v5 =	vsel vm15, v6, v1  }
.Ltmp8:
0xd3: {  	[tilespmem:$0x15EB8] =	vst v5;
	(pc) =	sbr.rel @p0 .LBB2_7-.Ltmp8, $4  }
0xd4: {  	[spmem:s2] =	stream.indirect.scatter.add.f32 [tilespmem:s17], [sflag:$0x2], $0x1, s19, s18, $0xb8;
	[tilespmem:$0x1FB48] =	vst v63  }
0xd5: {  	_ =	swait.ge [sflag:s15], $0x200  }
0xd6: {  	[sflag:s15] =	ssyncset.done $0x0  }
0xd7: {  	s24 =	smov.u32 s25;
	[sflag:s15] =	ssyncadd.s32 $0xFFFFFE00  }
.Ltmp9:
0xd8: {  	_ = 	snop;
	(pc) =	sbr.rel .LBB2_8-.Ltmp9, $1  }
0xd9: {  	_ =	sdelay $0x3  }
.LBB2_10:
0xda: {  	_ =	sfence.sel $0x180000  }
0xdb: {  	[bflag:$0x0] =	sbarrier.arrive $0xFFFF  }
0xdc: {  	p0 =	sne.s32 s4, $0x0;
	_ =	strace $0x9000004A  }
0xdd: {  	s0 =	sadd.s32 @!p0 $0x100000, s0;
	[bflag:$0x2] =	sbarrier.arrive $0xFFFF  }
0xde: {  	[sflag:s0] =	ssyncadd.tile.s32 @!p0 $0x1;
	_ =	shalt  }
.Lfunc_end2:
_tile_overlayer_lowered:
.L_overlay_start_2:
0xdf: {  	(tag) =	ssettag $0x2  }
0xe0: {  	s0 =	rddreg [dreg:$0x0];
	s2 =	stileid.u32  }
0xe1: {  	s1 =	rddreg [dreg:$0x1];
	p0 =	sne.s32 s2, $0x0  }
0xe2: {  	s3 =	rddreg [dreg:$0x2];
	[bflag:$0x3] =	sbarrier.arrive $0xFFFF;
	s2 =	simm.s32 @!p0 $0x1C01  }
0xe3: {  	[timem:s3], [sflag:s2] =	dma.local @!p0 [hbm:s0], s1  }
0xe4: {  	s0 =	simm.s32 @!p0 $0x1  }
0xe5: {  	_ =	swait.ge @!p0 [sflag:s0], s1  }
0xe6: {  	s1 =	ssub.s32 @!p0 $0x0, s1;
	[sflag:s0] =	ssyncset.done @!p0 $0x0  }
0xe7: {  	[sflag:s0] =	ssyncadd.s32 @!p0 s1  }
0xe8: {  	[bflag:$0x3] =	sbarrier.arrive $0xFFFF  }
0xe9: {  	_ =	shalt  }

</sc_bundles>
